<compile_context>
chip_gen: v7x
topology: tpu7x:2x2x1
jax: 0.10.2.dev20260603
libtpu: 0.0.44.dev20260713+nightly
codegen_flags: <defaults>
</compile_context>

<pallas_src>
import functools

import jax
import jax.numpy as jnp
from jax import lax
from jax.experimental import pallas as pl
from jax.experimental.pallas import tpu as pltpu
from jax.experimental.pallas import tpu_sc as plsc

NC = 2
NS = 16
B = 128

def _mesh():
    return plsc.VectorSubcoreMesh(
        core_axis_name="c", subcore_axis_name="s",
        num_cores=NC, num_subcores=NS,
    )


def _make_deg_kernel(CH, NACC, RPT):
    @functools.partial(
        pl.kernel,
        out_type=jax.ShapeDtypeStruct((NC * NACC,), jnp.float32),
        mesh=_mesh(),
        scratch_types=[
            pltpu.VMEM((CH, B), jnp.int32),
            pltpu.VMEM((B,), jnp.float32),
            pltpu.VMEM_SHARED((NACC,), jnp.float32),
            pltpu.SemaphoreType.DMA,
        ],
        compiler_params=pltpu.CompilerParams(use_tc_tiling_on_sc=False),
    )
    def deg_kernel(dst_hbm, zeros_hbm, out_hbm, dstv, onesv, acc, sem):
        c = lax.axis_index("c")
        s = lax.axis_index("s")
        w = c * NS + s
        pltpu.sync_copy(dst_hbm.at[w], dstv)
        for i in range(B // 16):
            onesv[pl.ds(i * 16, 16)] = jnp.ones((16,), jnp.float32)
        pltpu.sync_copy(zeros_hbm, acc.at[pl.ds(s * RPT, RPT)])
        plsc.subcore_barrier()

        def group(gi, carry):
            for b in range(8):
                pltpu.make_async_copy(
                    onesv, acc.at[dstv.at[8 * gi + b]], sem).start(add=True)
            for b in range(8):
                pltpu.make_async_copy(
                    onesv, acc.at[dstv.at[8 * gi + b]], sem).wait()
            return carry

        lax.fori_loop(0, CH // 8, group, 0)
        plsc.subcore_barrier()
        pltpu.sync_copy(acc.at[pl.ds(s * RPT, RPT)],
                        out_hbm.at[pl.ds(c * NACC + s * RPT, RPT)])

    return deg_kernel


def _make_agg_kernel(N, D, CH, NACC, RPT):
    @functools.partial(
        pl.kernel,
        out_type=jax.ShapeDtypeStruct((NACC, 128), jnp.float32),
        mesh=_mesh(),
        scratch_types=[
            pltpu.VMEM((CH, B), jnp.int32),
            pltpu.VMEM((CH, B), jnp.int32),
            pltpu.VMEM((4, B, D), jnp.float32),
            pltpu.VMEM_SHARED((NACC, D), jnp.float32),
            pltpu.SemaphoreType.DMA,
            pltpu.SemaphoreType.DMA,
            pltpu.SemaphoreType.DMA,
            pltpu.SemaphoreType.DMA,
        ],
        compiler_params=pltpu.CompilerParams(use_tc_tiling_on_sc=False),
    )
    def agg_kernel(g_hbm, src_hbm, dst_hbm, zeros_hbm, out_hbm,
                   srcv, dstv, rows, acc, sem0, sem1, sem2, sem3):
        c = lax.axis_index("c")
        s = lax.axis_index("s")
        w = c * NS + s
        sems = (sem0, sem1, sem2, sem3)
        pltpu.sync_copy(src_hbm.at[w], srcv)
        pltpu.sync_copy(dst_hbm.at[w], dstv)
        pltpu.sync_copy(zeros_hbm, acc.at[pl.ds(s * RPT, RPT)])
        plsc.subcore_barrier()

        def start(ch, b):
            pltpu.async_copy(g_hbm.at[srcv.at[ch]], rows.at[b], sems[b])

        def wait_g(ch, b):
            pltpu.make_async_copy(g_hbm.at[srcv.at[ch]], rows.at[b],
                                  sems[b]).wait()

        start(0, 0)
        start(1, 1)
        start(2, 2)

        def group(gi, carry):
            ch0 = 4 * gi
            for b in range(4):
                ch = ch0 + b

                @pl.when(ch + 3 < CH)
                def _():
                    start(ch + 3, (b + 3) % 4)

                wait_g(ch, b)
                pltpu.sync_copy(rows.at[b], acc.at[dstv.at[ch]], add=True)
            return carry

        lax.fori_loop(0, CH // 4, group, 0)
        plsc.subcore_barrier()
        pltpu.sync_copy(acc.at[pl.ds(s * RPT, RPT)],
                        out_hbm.at[pl.ds(s * RPT, RPT), pl.ds(c * D, D)])

    return agg_kernel


_RB = 1024


def _tc_layer1(xp, W1, degp):
    NP, F = xp.shape
    H = W1.shape[1]

    def body(x_ref, w_ref, d_ref, h_ref, g_ref, dis_ref, r_ref):
        deg = (d_ref[0] + d_ref[1] + 1.0)[:, None]
        dis = lax.rsqrt(deg)
        r = 1.0 / deg
        h = jnp.dot(x_ref[...], w_ref[...], preferred_element_type=jnp.float32)
        h_ref[...] = h
        g_ref[...] = h * dis
        dis_ref[...] = dis[:, 0]
        r_ref[...] = r[:, 0]

    return pl.pallas_call(
        body,
        grid=(NP // _RB,),
        in_specs=[
            pl.BlockSpec((_RB, F), lambda i: (i, 0)),
            pl.BlockSpec((F, H), lambda i: (0, 0)),
            pl.BlockSpec((NC, _RB), lambda i: (0, i)),
        ],
        out_specs=[
            pl.BlockSpec((_RB, H), lambda i: (i, 0)),
            pl.BlockSpec((_RB, H), lambda i: (i, 0)),
            pl.BlockSpec((_RB,), lambda i: (i,)),
            pl.BlockSpec((_RB,), lambda i: (i,)),
        ],
        out_shape=[
            jax.ShapeDtypeStruct((NP, H), jnp.float32),
            jax.ShapeDtypeStruct((NP, H), jnp.float32),
            jax.ShapeDtypeStruct((NP,), jnp.float32),
            jax.ShapeDtypeStruct((NP,), jnp.float32),
        ],
    )(xp, W1, degp)


def _tc_layer2(aggi, h, dis, r, b1row, W2p, H):
    NP = h.shape[0]
    C2 = W2p.shape[1]

    def body(a_ref, h_ref, dis_ref, r_ref, b_ref, w_ref, h2_ref, g2_ref):
        dis = dis_ref[...][:, None]
        agg = a_ref[:, :H] + a_ref[:, H:2 * H]
        y1 = jnp.maximum(
            agg * dis + h_ref[...] * r_ref[...][:, None] + b_ref[...], 0.0)
        h2 = jnp.dot(y1, w_ref[...], preferred_element_type=jnp.float32)
        h2_ref[...] = h2
        g2_ref[...] = h2 * dis

    return pl.pallas_call(
        body,
        grid=(NP // _RB,),
        in_specs=[
            pl.BlockSpec((_RB, 128), lambda i: (i, 0)),
            pl.BlockSpec((_RB, H), lambda i: (i, 0)),
            pl.BlockSpec((_RB,), lambda i: (i,)),
            pl.BlockSpec((_RB,), lambda i: (i,)),
            pl.BlockSpec((1, H), lambda i: (0, 0)),
            pl.BlockSpec((H, C2), lambda i: (0, 0)),
        ],
        out_specs=[
            pl.BlockSpec((_RB, C2), lambda i: (i, 0)),
            pl.BlockSpec((_RB, C2), lambda i: (i, 0)),
        ],
        out_shape=[
            jax.ShapeDtypeStruct((NP, C2), jnp.float32),
            jax.ShapeDtypeStruct((NP, C2), jnp.float32),
        ],
    )(aggi, h, dis, r, b1row, W2p)


def _tc_final(agg2i, h2, dis, r, b2row, C, C2):
    NP = h2.shape[0]

    def body(a_ref, h2_ref, dis_ref, r_ref, b_ref, o_ref):
        agg = a_ref[:, :C2] + a_ref[:, C2:2 * C2]
        val = jnp.maximum(
            agg * dis_ref[...][:, None]
            + h2_ref[...] * r_ref[...][:, None] + b_ref[...], 0.0)
        o_ref[...] = val[:, :C]

    return pl.pallas_call(
        body,
        grid=(NP // _RB,),
        in_specs=[
            pl.BlockSpec((_RB, 128), lambda i: (i, 0)),
            pl.BlockSpec((_RB, C2), lambda i: (i, 0)),
            pl.BlockSpec((_RB,), lambda i: (i,)),
            pl.BlockSpec((_RB,), lambda i: (i,)),
            pl.BlockSpec((1, C2), lambda i: (0, 0)),
        ],
        out_specs=pl.BlockSpec((_RB, C), lambda i: (i, 0)),
        out_shape=jax.ShapeDtypeStruct((NP, C), jnp.float32),
    )(agg2i, h2, dis, r, b2row)


def kernel(x, edge_index, W1, b1, W2, b2):
    N, F = x.shape
    E = edge_index.shape[1]
    H = W1.shape[1]
    C = W2.shape[1]
    C2 = ((C + 15) // 16) * 16

    NW = NC * NS
    CH = -(-E // (NW * B))
    CH = ((CH + 7) // 8) * 8
    EP = NW * CH * B
    RPT = -(-(N + 1) // NS)
    RPT = ((RPT + 127) // 128) * 128
    NACC = NS * RPT

    src = edge_index[0]
    dst = edge_index[1]
    pad = EP - E
    pad_src = jnp.arange(pad, dtype=src.dtype) % N
    pad_dst = N + jnp.arange(pad, dtype=dst.dtype) % (NACC - N)
    srcp = jnp.concatenate([src, pad_src]).reshape(NW, CH, B)
    dstp = jnp.concatenate([dst, pad_dst]).reshape(NW, CH, B)
    srcp = srcp.astype(jnp.int32)
    dstp = dstp.astype(jnp.int32)

    zeros1 = jnp.zeros((RPT,), jnp.float32)
    zerosH = jnp.zeros((RPT, H), jnp.float32)
    zerosC = jnp.zeros((RPT, C2), jnp.float32)

    deg_p = _make_deg_kernel(CH, NACC, RPT)(dstp, zeros1).reshape(NC, NACC)

    xp = jnp.pad(x, ((0, NACC - N), (0, 0)))

    h, g, dis, r = _tc_layer1(xp, W1, deg_p)

    aggi = _make_agg_kernel(N, H, CH, NACC, RPT)(g, srcp, dstp, zerosH)

    W2p = jnp.pad(W2, ((0, 0), (0, C2 - C)))
    b1row = b1[None, :]
    b2row = jnp.pad(b2, (0, C2 - C))[None, :]

    h2, g2 = _tc_layer2(aggi, h, dis, r, b1row, W2p, H)

    agg2i = _make_agg_kernel(N, C2, CH, NACC, RPT)(g2, srcp, dstp, zerosC)

    return _tc_final(agg2i, h2, dis, r, b2row, C, C2)[:N]

# --- scband reference (transcript-rebuilt; emitter-appended) ---
"""Pipeline reference for scband-gcn-net-52974126629470 (READ-ONLY COPY).

The authoritative reference and input builder live on the scoring server;
editing this copy changes nothing except your own understanding.
"""

import jax, jax.numpy as jnp
import numpy as np

N = 10000
E = 320000
F_IN = 128
H = 64
C = 40


def setup_inputs(seed: int = 0) -> dict:
    key = jax.random.key(seed)
    k1, k2, k3, k4 = jax.random.split(key, 4)
    x = jax.random.normal(k1, (N, F_IN), dtype=jnp.float32)
    edge_index = jax.random.randint(k2, (2, E), 0, N)
    W1 = jax.random.normal(k3, (F_IN, H), dtype=jnp.float32) * (1.0 / np.sqrt(F_IN))
    b1 = jnp.zeros((H,), dtype=jnp.float32)
    W2 = jax.random.normal(k4, (H, C), dtype=jnp.float32) * (1.0 / np.sqrt(H))
    b2 = jnp.zeros((C,), dtype=jnp.float32)
    return {"x": x, "edge_index": edge_index, "W1": W1, "b1": b1, "W2": W2, "b2": b2}


def _gcn_conv(x, src, dst, W, b, n_nodes):
    # GCNConv: out = D^{-1/2} (A + I) D^{-1/2} X W + b  (self-loops already in src/dst)
    h = x @ W
    deg = jnp.zeros((n_nodes,), dtype=h.dtype).at[dst].add(1.0)
    dis = jnp.where(deg > 0, 1.0 / jnp.sqrt(jnp.where(deg > 0, deg, 1.0)), 0.0)
    norm = dis[src] * dis[dst]
    msg = h[src] * norm[:, None]
    out = jnp.zeros((n_nodes, h.shape[1]), dtype=h.dtype).at[dst].add(msg)
    return out + b


def reference(x, edge_index, W1, b1, W2, b2):
    n_nodes = x.shape[0]
    loop = jnp.arange(n_nodes, dtype=edge_index.dtype)
    src = jnp.concatenate([edge_index[0], loop])
    dst = jnp.concatenate([edge_index[1], loop])
    h = jax.nn.relu(_gcn_conv(x, src, dst, W1, b1, n_nodes))
    # dropout is identity in eval mode (training=False)
    out = _gcn_conv(h, src, dst, W2, b2, n_nodes)
    return jax.nn.relu(out)

if __name__ == "__main__":
    import jax
    _d = setup_inputs()
    print(jax.jit(kernel)(*tuple(_d.values())))

</pallas_src>

<mosaic_0001>
#map = affine_map<(d0, d1) -> (0, 0)>
#map1 = affine_map<(d0, d1) -> (0, 0, 0)>
module attributes {stable_mosaic.version = 14 : i64} {
  func.func @agg_kernel(%arg0: i32, %arg1: i32, %arg2: memref<10240x64xf32, #tpu.memory_space<hbm>>, %arg3: memref<32x80x128xi32, #tpu.memory_space<hbm>>, %arg4: memref<32x80x128xi32, #tpu.memory_space<hbm>>, %arg5: memref<640x64xf32, #tpu.memory_space<hbm>>, %arg6: memref<10240x128xf32, #tpu.memory_space<hbm>>, %arg7: memref<80x128xi32, #tpu.memory_space<vmem>>, %arg8: memref<80x128xi32, #tpu.memory_space<vmem>>, %arg9: memref<4x128x64xf32, #tpu.memory_space<vmem>>, %arg10: memref<10240x64xf32, #tpu.memory_space<vmem_shared>>, %arg11: memref<!tpu.dma_semaphore, #tpu.memory_space<semaphore_mem>>, %arg12: memref<!tpu.dma_semaphore, #tpu.memory_space<semaphore_mem>>, %arg13: memref<!tpu.dma_semaphore, #tpu.memory_space<semaphore_mem>>, %arg14: memref<!tpu.dma_semaphore, #tpu.memory_space<semaphore_mem>>) attributes {dimension_semantics = [#tpu.dimension_semantics<core_parallel>, #tpu.dimension_semantics<subcore_parallel>], iteration_bounds = array<i64: 2, 16>, scalar_prefetch = 0 : i64, scratch_operands = 8 : i64, tpu.core_type = #tpu.core_type<sc_vector_subcore>, window_params = [{transform_indices = #map}, {transform_indices = #map1}, {transform_indices = #map1}, {transform_indices = #map}, {transform_indices = #map}]} {
    %mul3A = arith.constant 16 : i32
    %mul3A_0 = arith.muli %arg0, %mul3A : i32
    %add3A = arith.addi %mul3A_0, %arg1 : i32
    "tpu.region"() ({
      %run_scoped3A = tpu.sem_alloc : memref<!tpu.dma_semaphore, #tpu.memory_space<semaphore_mem>>
      %dma_start3A_50 = arith.constant 0 : i32
      %dma_start3A_51 = arith.constant 0 : i32
      %dma_start3A_52 = tpu.memref_slice %arg3[%add3A, %dma_start3A_50, %dma_start3A_51] : memref<32x80x128xi32, #tpu.memory_space<hbm>> -> memref<1x80x128xi32, #tpu.memory_space<hbm>>
      %dma_start3A_53 = tpu.memref_squeeze %dma_start3A_52 : memref<1x80x128xi32, #tpu.memory_space<hbm>> -> memref<80x128xi32, #tpu.memory_space<hbm>>
      %dma_start3A_54 = arith.constant 0 : i32
      %dma_start3A_55 = arith.constant 0 : i32
      %dma_start3A_56 = tpu.memref_slice %arg3[%add3A, %dma_start3A_54, %dma_start3A_55] : memref<32x80x128xi32, #tpu.memory_space<hbm>> -> memref<1x80x128xi32, #tpu.memory_space<hbm>>
      %dma_start3A_57 = tpu.memref_squeeze %dma_start3A_56 : memref<1x80x128xi32, #tpu.memory_space<hbm>> -> memref<80x128xi32, #tpu.memory_space<hbm>>
      tpu.enqueue_dma source(%dma_start3A_57 : memref<80x128xi32, #tpu.memory_space<hbm>>) target(%arg7 : memref<80x128xi32, #tpu.memory_space<vmem>>) target_semaphore(%run_scoped3A : memref<!tpu.dma_semaphore, #tpu.memory_space<semaphore_mem>>)
      %dma_wait3A = arith.constant 0 : i32
      %dma_wait3A_58 = arith.constant 0 : i32
      %dma_wait3A_59 = tpu.memref_slice %arg3[%add3A, %dma_wait3A, %dma_wait3A_58] : memref<32x80x128xi32, #tpu.memory_space<hbm>> -> memref<1x80x128xi32, #tpu.memory_space<hbm>>
      %dma_wait3A_60 = tpu.memref_squeeze %dma_wait3A_59 : memref<1x80x128xi32, #tpu.memory_space<hbm>> -> memref<80x128xi32, #tpu.memory_space<hbm>>
      %dma_wait3A_61 = arith.constant 0 : i32
      %dma_wait3A_62 = arith.constant 0 : i32
      %dma_wait3A_63 = tpu.memref_slice %arg3[%add3A, %dma_wait3A_61, %dma_wait3A_62] : memref<32x80x128xi32, #tpu.memory_space<hbm>> -> memref<1x80x128xi32, #tpu.memory_space<hbm>>
      %dma_wait3A_64 = tpu.memref_squeeze %dma_wait3A_63 : memref<1x80x128xi32, #tpu.memory_space<hbm>> -> memref<80x128xi32, #tpu.memory_space<hbm>>
      tpu.wait_dma2 semaphore(%run_scoped3A : memref<!tpu.dma_semaphore, #tpu.memory_space<semaphore_mem>>) src(%dma_wait3A_64 : memref<80x128xi32, #tpu.memory_space<hbm>>) dst(%arg7 : memref<80x128xi32, #tpu.memory_space<vmem>>)
      tpu.yield
    }) : () -> ()
    "tpu.region"() ({
      %run_scoped3A = tpu.sem_alloc : memref<!tpu.dma_semaphore, #tpu.memory_space<semaphore_mem>>
      %dma_start3A_50 = arith.constant 0 : i32
      %dma_start3A_51 = arith.constant 0 : i32
      %dma_start3A_52 = tpu.memref_slice %arg4[%add3A, %dma_start3A_50, %dma_start3A_51] : memref<32x80x128xi32, #tpu.memory_space<hbm>> -> memref<1x80x128xi32, #tpu.memory_space<hbm>>
      %dma_start3A_53 = tpu.memref_squeeze %dma_start3A_52 : memref<1x80x128xi32, #tpu.memory_space<hbm>> -> memref<80x128xi32, #tpu.memory_space<hbm>>
      %dma_start3A_54 = arith.constant 0 : i32
      %dma_start3A_55 = arith.constant 0 : i32
      %dma_start3A_56 = tpu.memref_slice %arg4[%add3A, %dma_start3A_54, %dma_start3A_55] : memref<32x80x128xi32, #tpu.memory_space<hbm>> -> memref<1x80x128xi32, #tpu.memory_space<hbm>>
      %dma_start3A_57 = tpu.memref_squeeze %dma_start3A_56 : memref<1x80x128xi32, #tpu.memory_space<hbm>> -> memref<80x128xi32, #tpu.memory_space<hbm>>
      tpu.enqueue_dma source(%dma_start3A_57 : memref<80x128xi32, #tpu.memory_space<hbm>>) target(%arg8 : memref<80x128xi32, #tpu.memory_space<vmem>>) target_semaphore(%run_scoped3A : memref<!tpu.dma_semaphore, #tpu.memory_space<semaphore_mem>>)
      %dma_wait3A = arith.constant 0 : i32
      %dma_wait3A_58 = arith.constant 0 : i32
      %dma_wait3A_59 = tpu.memref_slice %arg4[%add3A, %dma_wait3A, %dma_wait3A_58] : memref<32x80x128xi32, #tpu.memory_space<hbm>> -> memref<1x80x128xi32, #tpu.memory_space<hbm>>
      %dma_wait3A_60 = tpu.memref_squeeze %dma_wait3A_59 : memref<1x80x128xi32, #tpu.memory_space<hbm>> -> memref<80x128xi32, #tpu.memory_space<hbm>>
      %dma_wait3A_61 = arith.constant 0 : i32
      %dma_wait3A_62 = arith.constant 0 : i32
      %dma_wait3A_63 = tpu.memref_slice %arg4[%add3A, %dma_wait3A_61, %dma_wait3A_62] : memref<32x80x128xi32, #tpu.memory_space<hbm>> -> memref<1x80x128xi32, #tpu.memory_space<hbm>>
      %dma_wait3A_64 = tpu.memref_squeeze %dma_wait3A_63 : memref<1x80x128xi32, #tpu.memory_space<hbm>> -> memref<80x128xi32, #tpu.memory_space<hbm>>
      tpu.wait_dma2 semaphore(%run_scoped3A : memref<!tpu.dma_semaphore, #tpu.memory_space<semaphore_mem>>) src(%dma_wait3A_64 : memref<80x128xi32, #tpu.memory_space<hbm>>) dst(%arg8 : memref<80x128xi32, #tpu.memory_space<vmem>>)
      tpu.yield
    }) : () -> ()
    %mul3A_1 = arith.constant 640 : i32
    %mul3A_2 = arith.muli %arg1, %mul3A_1 : i32
    "tpu.region"() ({
      %run_scoped3A = tpu.sem_alloc : memref<!tpu.dma_semaphore, #tpu.memory_space<semaphore_mem>>
      %dma_start3A_50 = arith.constant 0 : i32
      %dma_start3A_51 = tpu.memref_slice %arg10[%mul3A_2, %dma_start3A_50] : memref<10240x64xf32, #tpu.memory_space<vmem_shared>> -> memref<640x64xf32, #tpu.memory_space<vmem_shared>>
      tpu.enqueue_dma source(%arg5 : memref<640x64xf32, #tpu.memory_space<hbm>>) target(%dma_start3A_51 : memref<640x64xf32, #tpu.memory_space<vmem_shared>>) target_semaphore(%run_scoped3A : memref<!tpu.dma_semaphore, #tpu.memory_space<semaphore_mem>>)
      %dma_wait3A = arith.constant 0 : i32
      %dma_wait3A_52 = tpu.memref_slice %arg10[%mul3A_2, %dma_wait3A] : memref<10240x64xf32, #tpu.memory_space<vmem_shared>> -> memref<640x64xf32, #tpu.memory_space<vmem_shared>>
      tpu.wait_dma2 semaphore(%run_scoped3A : memref<!tpu.dma_semaphore, #tpu.memory_space<semaphore_mem>>) src(%arg5 : memref<640x64xf32, #tpu.memory_space<hbm>>) dst(%dma_wait3A_52 : memref<640x64xf32, #tpu.memory_space<vmem_shared>>)
      tpu.yield
    }) : () -> ()
    %barrier3A = arith.constant 0 : index
    tpu.barrier barrier_id(%barrier3A)
    %dma_start3A = arith.constant 0 : i32
    %dma_start3A_3 = arith.constant 0 : i32
    %dma_start3A_4 = arith.constant 0 : i32
    %dma_start3A_5 = arith.constant 0 : i32
    %dma_start3A_6 = tpu.memref_slice %arg9[%dma_start3A_3, %dma_start3A_4, %dma_start3A_5] : memref<4x128x64xf32, #tpu.memory_space<vmem>> -> memref<1x128x64xf32, #tpu.memory_space<vmem>>
    %dma_start3A_7 = tpu.memref_squeeze %dma_start3A_6 : memref<1x128x64xf32, #tpu.memory_space<vmem>> -> memref<128x64xf32, #tpu.memory_space<vmem>>
    %dma_start3A_8 = arith.constant 0 : i32
    %dma_start3A_9 = tpu.memref_slice %arg7[%dma_start3A, %dma_start3A_8] : memref<80x128xi32, #tpu.memory_space<vmem>> -> memref<1x128xi32, #tpu.memory_space<vmem>>
    %dma_start3A_10 = tpu.memref_squeeze %dma_start3A_9 : memref<1x128xi32, #tpu.memory_space<vmem>> -> memref<128xi32, #tpu.memory_space<vmem>>
    %dma_start3A_11 = arith.constant 0 : i32
    %dma_start3A_12 = arith.constant 0 : i32
    %dma_start3A_13 = tpu.memref_slice %arg2[%dma_start3A_11, %dma_start3A_12] : memref<10240x64xf32, #tpu.memory_space<hbm>> -> memref<10240x64xf32, #tpu.memory_space<hbm>>
    tpu.enqueue_indirect_dma source(%dma_start3A_13 : memref<10240x64xf32, #tpu.memory_space<hbm>>) target(%dma_start3A_7 : memref<128x64xf32, #tpu.memory_space<vmem>>) offsets(%dma_start3A_10 : memref<128xi32, #tpu.memory_space<vmem>>) semaphore(%arg11 : memref<!tpu.dma_semaphore, #tpu.memory_space<semaphore_mem>>)
    %dma_start3A_14 = arith.constant 1 : i32
    %dma_start3A_15 = arith.constant 1 : i32
    %dma_start3A_16 = arith.constant 0 : i32
    %dma_start3A_17 = arith.constant 0 : i32
    %dma_start3A_18 = tpu.memref_slice %arg9[%dma_start3A_15, %dma_start3A_16, %dma_start3A_17] : memref<4x128x64xf32, #tpu.memory_space<vmem>> -> memref<1x128x64xf32, #tpu.memory_space<vmem>>
    %dma_start3A_19 = tpu.memref_squeeze %dma_start3A_18 : memref<1x128x64xf32, #tpu.memory_space<vmem>> -> memref<128x64xf32, #tpu.memory_space<vmem>>
    %dma_start3A_20 = arith.constant 0 : i32
    %dma_start3A_21 = tpu.memref_slice %arg7[%dma_start3A_14, %dma_start3A_20] : memref<80x128xi32, #tpu.memory_space<vmem>> -> memref<1x128xi32, #tpu.memory_space<vmem>>
    %dma_start3A_22 = tpu.memref_squeeze %dma_start3A_21 : memref<1x128xi32, #tpu.memory_space<vmem>> -> memref<128xi32, #tpu.memory_space<vmem>>
    %dma_start3A_23 = arith.constant 0 : i32
    %dma_start3A_24 = arith.constant 0 : i32
    %dma_start3A_25 = tpu.memref_slice %arg2[%dma_start3A_23, %dma_start3A_24] : memref<10240x64xf32, #tpu.memory_space<hbm>> -> memref<10240x64xf32, #tpu.memory_space<hbm>>
    tpu.enqueue_indirect_dma source(%dma_start3A_25 : memref<10240x64xf32, #tpu.memory_space<hbm>>) target(%dma_start3A_19 : memref<128x64xf32, #tpu.memory_space<vmem>>) offsets(%dma_start3A_22 : memref<128xi32, #tpu.memory_space<vmem>>) semaphore(%arg12 : memref<!tpu.dma_semaphore, #tpu.memory_space<semaphore_mem>>)
    %dma_start3A_26 = arith.constant 2 : i32
    %dma_start3A_27 = arith.constant 2 : i32
    %dma_start3A_28 = arith.constant 0 : i32
    %dma_start3A_29 = arith.constant 0 : i32
    %dma_start3A_30 = tpu.memref_slice %arg9[%dma_start3A_27, %dma_start3A_28, %dma_start3A_29] : memref<4x128x64xf32, #tpu.memory_space<vmem>> -> memref<1x128x64xf32, #tpu.memory_space<vmem>>
    %dma_start3A_31 = tpu.memref_squeeze %dma_start3A_30 : memref<1x128x64xf32, #tpu.memory_space<vmem>> -> memref<128x64xf32, #tpu.memory_space<vmem>>
    %dma_start3A_32 = arith.constant 0 : i32
    %dma_start3A_33 = tpu.memref_slice %arg7[%dma_start3A_26, %dma_start3A_32] : memref<80x128xi32, #tpu.memory_space<vmem>> -> memref<1x128xi32, #tpu.memory_space<vmem>>
    %dma_start3A_34 = tpu.memref_squeeze %dma_start3A_33 : memref<1x128xi32, #tpu.memory_space<vmem>> -> memref<128xi32, #tpu.memory_space<vmem>>
    %dma_start3A_35 = arith.constant 0 : i32
    %dma_start3A_36 = arith.constant 0 : i32
    %dma_start3A_37 = tpu.memref_slice %arg2[%dma_start3A_35, %dma_start3A_36] : memref<10240x64xf32, #tpu.memory_space<hbm>> -> memref<10240x64xf32, #tpu.memory_space<hbm>>
    tpu.enqueue_indirect_dma source(%dma_start3A_37 : memref<10240x64xf32, #tpu.memory_space<hbm>>) target(%dma_start3A_31 : memref<128x64xf32, #tpu.memory_space<vmem>>) offsets(%dma_start3A_34 : memref<128xi32, #tpu.memory_space<vmem>>) semaphore(%arg13 : memref<!tpu.dma_semaphore, #tpu.memory_space<semaphore_mem>>)
    %scan3A = arith.constant 0 : i32
    %scan3A_38 = arith.constant 0 : i32
    %scan3A_39 = arith.constant 20 : i32
    %scan3A_40 = arith.addi %scan3A_38, %scan3A_39 : i32
    %scan3A_41 = arith.constant 1 : i32
    scf.for %scan3A_50 = %scan3A_38 to %scan3A_40 step %scan3A_41  : i32 {
      %mul3A_51 = arith.constant 4 : i32
      %mul3A_52 = arith.muli %mul3A_51, %scan3A_50 : i32
      %add3A_53 = arith.constant 0 : i32
      %add3A_54 = arith.addi %mul3A_52, %add3A_53 : i32
      %add3A_55 = arith.constant 3 : i32
      %add3A_56 = arith.addi %add3A_54, %add3A_55 : i32
      %lt3A = arith.constant 80 : i32
      %lt3A_57 = arith.cmpi slt, %add3A_56, %lt3A : i32
      %convert_element_type3A = arith.extui %lt3A_57 : i1 to i32
      %cond3A = arith.constant 0 : i32
      %cond3A_58 = arith.cmpi ne, %convert_element_type3A, %cond3A : i32
      scf.if %cond3A_58 {
        %add3A_132 = arith.constant 3 : i32
        %add3A_133 = arith.addi %add3A_54, %add3A_132 : i32
        %dma_start3A_134 = arith.constant 3 : i32
        %dma_start3A_135 = arith.constant 0 : i32
        %dma_start3A_136 = arith.constant 0 : i32
        %dma_start3A_137 = tpu.memref_slice %arg9[%dma_start3A_134, %dma_start3A_135, %dma_start3A_136] : memref<4x128x64xf32, #tpu.memory_space<vmem>> -> memref<1x128x64xf32, #tpu.memory_space<vmem>>
        %dma_start3A_138 = tpu.memref_squeeze %dma_start3A_137 : memref<1x128x64xf32, #tpu.memory_space<vmem>> -> memref<128x64xf32, #tpu.memory_space<vmem>>
        %dma_start3A_139 = arith.constant 0 : i32
        %dma_start3A_140 = tpu.memref_slice %arg7[%add3A_133, %dma_start3A_139] : memref<80x128xi32, #tpu.memory_space<vmem>> -> memref<1x128xi32, #tpu.memory_space<vmem>>
        %dma_start3A_141 = tpu.memref_squeeze %dma_start3A_140 : memref<1x128xi32, #tpu.memory_space<vmem>> -> memref<128xi32, #tpu.memory_space<vmem>>
        %dma_start3A_142 = arith.constant 0 : i32
        %dma_start3A_143 = arith.constant 0 : i32
        %dma_start3A_144 = tpu.memref_slice %arg2[%dma_start3A_142, %dma_start3A_143] : memref<10240x64xf32, #tpu.memory_space<hbm>> -> memref<10240x64xf32, #tpu.memory_space<hbm>>
        tpu.enqueue_indirect_dma source(%dma_start3A_144 : memref<10240x64xf32, #tpu.memory_space<hbm>>) target(%dma_start3A_138 : memref<128x64xf32, #tpu.memory_space<vmem>>) offsets(%dma_start3A_141 : memref<128xi32, #tpu.memory_space<vmem>>) semaphore(%arg14 : memref<!tpu.dma_semaphore, #tpu.memory_space<semaphore_mem>>)
      } else {
      }
      %dma_wait3A = arith.constant 0 : i32
      %dma_wait3A_59 = arith.constant 0 : i32
      %dma_wait3A_60 = arith.constant 0 : i32
      %dma_wait3A_61 = tpu.memref_slice %arg9[%dma_wait3A, %dma_wait3A_59, %dma_wait3A_60] : memref<4x128x64xf32, #tpu.memory_space<vmem>> -> memref<1x128x64xf32, #tpu.memory_space<vmem>>
      %dma_wait3A_62 = tpu.memref_squeeze %dma_wait3A_61 : memref<1x128x64xf32, #tpu.memory_space<vmem>> -> memref<128x64xf32, #tpu.memory_space<vmem>>
      %dma_wait3A_63 = arith.constant 0 : i32
      %dma_wait3A_64 = tpu.memref_slice %arg7[%add3A_54, %dma_wait3A_63] : memref<80x128xi32, #tpu.memory_space<vmem>> -> memref<1x128xi32, #tpu.memory_space<vmem>>
      %dma_wait3A_65 = tpu.memref_squeeze %dma_wait3A_64 : memref<1x128xi32, #tpu.memory_space<vmem>> -> memref<128xi32, #tpu.memory_space<vmem>>
      %dma_wait3A_66 = arith.constant 0 : i32
      %dma_wait3A_67 = arith.constant 0 : i32
      %dma_wait3A_68 = tpu.memref_slice %arg2[%dma_wait3A_66, %dma_wait3A_67] : memref<10240x64xf32, #tpu.memory_space<hbm>> -> memref<10240x64xf32, #tpu.memory_space<hbm>>
      tpu.wait_indirect_dma semaphore(%arg11 : memref<!tpu.dma_semaphore, #tpu.memory_space<semaphore_mem>>) src(%dma_wait3A_68 : memref<10240x64xf32, #tpu.memory_space<hbm>>) dst(%dma_wait3A_62 : memref<128x64xf32, #tpu.memory_space<vmem>>)
      %run_scoped3A = arith.constant 0 : i32
      "tpu.region"() ({
        %run_scoped3A_132 = tpu.sem_alloc : memref<!tpu.dma_semaphore, #tpu.memory_space<semaphore_mem>>
        %dma_start3A_133 = arith.constant 0 : i32
        %dma_start3A_134 = arith.constant 0 : i32
        %dma_start3A_135 = tpu.memref_slice %arg9[%run_scoped3A, %dma_start3A_133, %dma_start3A_134] : memref<4x128x64xf32, #tpu.memory_space<vmem>> -> memref<1x128x64xf32, #tpu.memory_space<vmem>>
        %dma_start3A_136 = tpu.memref_squeeze %dma_start3A_135 : memref<1x128x64xf32, #tpu.memory_space<vmem>> -> memref<128x64xf32, #tpu.memory_space<vmem>>
        %dma_start3A_137 = arith.constant 0 : i32
        %dma_start3A_138 = tpu.memref_slice %arg8[%add3A_54, %dma_start3A_137] : memref<80x128xi32, #tpu.memory_space<vmem>> -> memref<1x128xi32, #tpu.memory_space<vmem>>
        %dma_start3A_139 = tpu.memref_squeeze %dma_start3A_138 : memref<1x128xi32, #tpu.memory_space<vmem>> -> memref<128xi32, #tpu.memory_space<vmem>>
        %dma_start3A_140 = arith.constant 0 : i32
        %dma_start3A_141 = arith.constant 0 : i32
        %dma_start3A_142 = tpu.memref_slice %arg10[%dma_start3A_140, %dma_start3A_141] : memref<10240x64xf32, #tpu.memory_space<vmem_shared>> -> memref<10240x64xf32, #tpu.memory_space<vmem_shared>>
        tpu.enqueue_indirect_dma source(%dma_start3A_136 : memref<128x64xf32, #tpu.memory_space<vmem>>) target(%dma_start3A_142 : memref<10240x64xf32, #tpu.memory_space<vmem_shared>>) offsets(%dma_start3A_139 : memref<128xi32, #tpu.memory_space<vmem>>) semaphore(%run_scoped3A_132 : memref<!tpu.dma_semaphore, #tpu.memory_space<semaphore_mem>>) {add = true}
        %dma_wait3A_143 = arith.constant 0 : i32
        %dma_wait3A_144 = arith.constant 0 : i32
        %dma_wait3A_145 = tpu.memref_slice %arg9[%run_scoped3A, %dma_wait3A_143, %dma_wait3A_144] : memref<4x128x64xf32, #tpu.memory_space<vmem>> -> memref<1x128x64xf32, #tpu.memory_space<vmem>>
        %dma_wait3A_146 = tpu.memref_squeeze %dma_wait3A_145 : memref<1x128x64xf32, #tpu.memory_space<vmem>> -> memref<128x64xf32, #tpu.memory_space<vmem>>
        %dma_wait3A_147 = arith.constant 0 : i32
        %dma_wait3A_148 = tpu.memref_slice %arg8[%add3A_54, %dma_wait3A_147] : memref<80x128xi32, #tpu.memory_space<vmem>> -> memref<1x128xi32, #tpu.memory_space<vmem>>
        %dma_wait3A_149 = tpu.memref_squeeze %dma_wait3A_148 : memref<1x128xi32, #tpu.memory_space<vmem>> -> memref<128xi32, #tpu.memory_space<vmem>>
        %dma_wait3A_150 = arith.constant 0 : i32
        %dma_wait3A_151 = arith.constant 0 : i32
        %dma_wait3A_152 = tpu.memref_slice %arg10[%dma_wait3A_150, %dma_wait3A_151] : memref<10240x64xf32, #tpu.memory_space<vmem_shared>> -> memref<10240x64xf32, #tpu.memory_space<vmem_shared>>
        tpu.wait_indirect_dma semaphore(%run_scoped3A_132 : memref<!tpu.dma_semaphore, #tpu.memory_space<semaphore_mem>>) src(%dma_wait3A_146 : memref<128x64xf32, #tpu.memory_space<vmem>>) dst(%dma_wait3A_152 : memref<10240x64xf32, #tpu.memory_space<vmem_shared>>)
        tpu.yield
      }) : () -> ()
      %add3A_69 = arith.constant 1 : i32
      %add3A_70 = arith.addi %mul3A_52, %add3A_69 : i32
      %add3A_71 = arith.constant 3 : i32
      %add3A_72 = arith.addi %add3A_70, %add3A_71 : i32
      %lt3A_73 = arith.constant 80 : i32
      %lt3A_74 = arith.cmpi slt, %add3A_72, %lt3A_73 : i32
      %convert_element_type3A_75 = arith.extui %lt3A_74 : i1 to i32
      %cond3A_76 = arith.constant 0 : i32
      %cond3A_77 = arith.cmpi ne, %convert_element_type3A_75, %cond3A_76 : i32
      scf.if %cond3A_77 {
        %add3A_132 = arith.constant 3 : i32
        %add3A_133 = arith.addi %add3A_70, %add3A_132 : i32
        %dma_start3A_134 = arith.constant 0 : i32
        %dma_start3A_135 = arith.constant 0 : i32
        %dma_start3A_136 = arith.constant 0 : i32
        %dma_start3A_137 = tpu.memref_slice %arg9[%dma_start3A_134, %dma_start3A_135, %dma_start3A_136] : memref<4x128x64xf32, #tpu.memory_space<vmem>> -> memref<1x128x64xf32, #tpu.memory_space<vmem>>
        %dma_start3A_138 = tpu.memref_squeeze %dma_start3A_137 : memref<1x128x64xf32, #tpu.memory_space<vmem>> -> memref<128x64xf32, #tpu.memory_space<vmem>>
        %dma_start3A_139 = arith.constant 0 : i32
        %dma_start3A_140 = tpu.memref_slice %arg7[%add3A_133, %dma_start3A_139] : memref<80x128xi32, #tpu.memory_space<vmem>> -> memref<1x128xi32, #tpu.memory_space<vmem>>
        %dma_start3A_141 = tpu.memref_squeeze %dma_start3A_140 : memref<1x128xi32, #tpu.memory_space<vmem>> -> memref<128xi32, #tpu.memory_space<vmem>>
        %dma_start3A_142 = arith.constant 0 : i32
        %dma_start3A_143 = arith.constant 0 : i32
        %dma_start3A_144 = tpu.memref_slice %arg2[%dma_start3A_142, %dma_start3A_143] : memref<10240x64xf32, #tpu.memory_space<hbm>> -> memref<10240x64xf32, #tpu.memory_space<hbm>>
        tpu.enqueue_indirect_dma source(%dma_start3A_144 : memref<10240x64xf32, #tpu.memory_space<hbm>>) target(%dma_start3A_138 : memref<128x64xf32, #tpu.memory_space<vmem>>) offsets(%dma_start3A_141 : memref<128xi32, #tpu.memory_space<vmem>>) semaphore(%arg11 : memref<!tpu.dma_semaphore, #tpu.memory_space<semaphore_mem>>)
      } else {
      }
      %dma_wait3A_78 = arith.constant 1 : i32
      %dma_wait3A_79 = arith.constant 0 : i32
      %dma_wait3A_80 = arith.constant 0 : i32
      %dma_wait3A_81 = tpu.memref_slice %arg9[%dma_wait3A_78, %dma_wait3A_79, %dma_wait3A_80] : memref<4x128x64xf32, #tpu.memory_space<vmem>> -> memref<1x128x64xf32, #tpu.memory_space<vmem>>
      %dma_wait3A_82 = tpu.memref_squeeze %dma_wait3A_81 : memref<1x128x64xf32, #tpu.memory_space<vmem>> -> memref<128x64xf32, #tpu.memory_space<vmem>>
      %dma_wait3A_83 = arith.constant 0 : i32
      %dma_wait3A_84 = tpu.memref_slice %arg7[%add3A_70, %dma_wait3A_83] : memref<80x128xi32, #tpu.memory_space<vmem>> -> memref<1x128xi32, #tpu.memory_space<vmem>>
      %dma_wait3A_85 = tpu.memref_squeeze %dma_wait3A_84 : memref<1x128xi32, #tpu.memory_space<vmem>> -> memref<128xi32, #tpu.memory_space<vmem>>
      %dma_wait3A_86 = arith.constant 0 : i32
      %dma_wait3A_87 = arith.constant 0 : i32
      %dma_wait3A_88 = tpu.memref_slice %arg2[%dma_wait3A_86, %dma_wait3A_87] : memref<10240x64xf32, #tpu.memory_space<hbm>> -> memref<10240x64xf32, #tpu.memory_space<hbm>>
      tpu.wait_indirect_dma semaphore(%arg12 : memref<!tpu.dma_semaphore, #tpu.memory_space<semaphore_mem>>) src(%dma_wait3A_88 : memref<10240x64xf32, #tpu.memory_space<hbm>>) dst(%dma_wait3A_82 : memref<128x64xf32, #tpu.memory_space<vmem>>)
      %run_scoped3A_89 = arith.constant 1 : i32
      "tpu.region"() ({
        %run_scoped3A_132 = tpu.sem_alloc : memref<!tpu.dma_semaphore, #tpu.memory_space<semaphore_mem>>
        %dma_start3A_133 = arith.constant 0 : i32
        %dma_start3A_134 = arith.constant 0 : i32
        %dma_start3A_135 = tpu.memref_slice %arg9[%run_scoped3A_89, %dma_start3A_133, %dma_start3A_134] : memref<4x128x64xf32, #tpu.memory_space<vmem>> -> memref<1x128x64xf32, #tpu.memory_space<vmem>>
        %dma_start3A_136 = tpu.memref_squeeze %dma_start3A_135 : memref<1x128x64xf32, #tpu.memory_space<vmem>> -> memref<128x64xf32, #tpu.memory_space<vmem>>
        %dma_start3A_137 = arith.constant 0 : i32
        %dma_start3A_138 = tpu.memref_slice %arg8[%add3A_70, %dma_start3A_137] : memref<80x128xi32, #tpu.memory_space<vmem>> -> memref<1x128xi32, #tpu.memory_space<vmem>>
        %dma_start3A_139 = tpu.memref_squeeze %dma_start3A_138 : memref<1x128xi32, #tpu.memory_space<vmem>> -> memref<128xi32, #tpu.memory_space<vmem>>
        %dma_start3A_140 = arith.constant 0 : i32
        %dma_start3A_141 = arith.constant 0 : i32
        %dma_start3A_142 = tpu.memref_slice %arg10[%dma_start3A_140, %dma_start3A_141] : memref<10240x64xf32, #tpu.memory_space<vmem_shared>> -> memref<10240x64xf32, #tpu.memory_space<vmem_shared>>
        tpu.enqueue_indirect_dma source(%dma_start3A_136 : memref<128x64xf32, #tpu.memory_space<vmem>>) target(%dma_start3A_142 : memref<10240x64xf32, #tpu.memory_space<vmem_shared>>) offsets(%dma_start3A_139 : memref<128xi32, #tpu.memory_space<vmem>>) semaphore(%run_scoped3A_132 : memref<!tpu.dma_semaphore, #tpu.memory_space<semaphore_mem>>) {add = true}
        %dma_wait3A_143 = arith.constant 0 : i32
        %dma_wait3A_144 = arith.constant 0 : i32
        %dma_wait3A_145 = tpu.memref_slice %arg9[%run_scoped3A_89, %dma_wait3A_143, %dma_wait3A_144] : memref<4x128x64xf32, #tpu.memory_space<vmem>> -> memref<1x128x64xf32, #tpu.memory_space<vmem>>
        %dma_wait3A_146 = tpu.memref_squeeze %dma_wait3A_145 : memref<1x128x64xf32, #tpu.memory_space<vmem>> -> memref<128x64xf32, #tpu.memory_space<vmem>>
        %dma_wait3A_147 = arith.constant 0 : i32
        %dma_wait3A_148 = tpu.memref_slice %arg8[%add3A_70, %dma_wait3A_147] : memref<80x128xi32, #tpu.memory_space<vmem>> -> memref<1x128xi32, #tpu.memory_space<vmem>>
        %dma_wait3A_149 = tpu.memref_squeeze %dma_wait3A_148 : memref<1x128xi32, #tpu.memory_space<vmem>> -> memref<128xi32, #tpu.memory_space<vmem>>
        %dma_wait3A_150 = arith.constant 0 : i32
        %dma_wait3A_151 = arith.constant 0 : i32
        %dma_wait3A_152 = tpu.memref_slice %arg10[%dma_wait3A_150, %dma_wait3A_151] : memref<10240x64xf32, #tpu.memory_space<vmem_shared>> -> memref<10240x64xf32, #tpu.memory_space<vmem_shared>>
        tpu.wait_indirect_dma semaphore(%run_scoped3A_132 : memref<!tpu.dma_semaphore, #tpu.memory_space<semaphore_mem>>) src(%dma_wait3A_146 : memref<128x64xf32, #tpu.memory_space<vmem>>) dst(%dma_wait3A_152 : memref<10240x64xf32, #tpu.memory_space<vmem_shared>>)
        tpu.yield
      }) : () -> ()
      %add3A_90 = arith.constant 2 : i32
      %add3A_91 = arith.addi %mul3A_52, %add3A_90 : i32
      %add3A_92 = arith.constant 3 : i32
      %add3A_93 = arith.addi %add3A_91, %add3A_92 : i32
      %lt3A_94 = arith.constant 80 : i32
      %lt3A_95 = arith.cmpi slt, %add3A_93, %lt3A_94 : i32
      %convert_element_type3A_96 = arith.extui %lt3A_95 : i1 to i32
      %cond3A_97 = arith.constant 0 : i32
      %cond3A_98 = arith.cmpi ne, %convert_element_type3A_96, %cond3A_97 : i32
      scf.if %cond3A_98 {
        %add3A_132 = arith.constant 3 : i32
        %add3A_133 = arith.addi %add3A_91, %add3A_132 : i32
        %dma_start3A_134 = arith.constant 1 : i32
        %dma_start3A_135 = arith.constant 0 : i32
        %dma_start3A_136 = arith.constant 0 : i32
        %dma_start3A_137 = tpu.memref_slice %arg9[%dma_start3A_134, %dma_start3A_135, %dma_start3A_136] : memref<4x128x64xf32, #tpu.memory_space<vmem>> -> memref<1x128x64xf32, #tpu.memory_space<vmem>>
        %dma_start3A_138 = tpu.memref_squeeze %dma_start3A_137 : memref<1x128x64xf32, #tpu.memory_space<vmem>> -> memref<128x64xf32, #tpu.memory_space<vmem>>
        %dma_start3A_139 = arith.constant 0 : i32
        %dma_start3A_140 = tpu.memref_slice %arg7[%add3A_133, %dma_start3A_139] : memref<80x128xi32, #tpu.memory_space<vmem>> -> memref<1x128xi32, #tpu.memory_space<vmem>>
        %dma_start3A_141 = tpu.memref_squeeze %dma_start3A_140 : memref<1x128xi32, #tpu.memory_space<vmem>> -> memref<128xi32, #tpu.memory_space<vmem>>
        %dma_start3A_142 = arith.constant 0 : i32
        %dma_start3A_143 = arith.constant 0 : i32
        %dma_start3A_144 = tpu.memref_slice %arg2[%dma_start3A_142, %dma_start3A_143] : memref<10240x64xf32, #tpu.memory_space<hbm>> -> memref<10240x64xf32, #tpu.memory_space<hbm>>
        tpu.enqueue_indirect_dma source(%dma_start3A_144 : memref<10240x64xf32, #tpu.memory_space<hbm>>) target(%dma_start3A_138 : memref<128x64xf32, #tpu.memory_space<vmem>>) offsets(%dma_start3A_141 : memref<128xi32, #tpu.memory_space<vmem>>) semaphore(%arg12 : memref<!tpu.dma_semaphore, #tpu.memory_space<semaphore_mem>>)
      } else {
      }
      %dma_wait3A_99 = arith.constant 2 : i32
      %dma_wait3A_100 = arith.constant 0 : i32
      %dma_wait3A_101 = arith.constant 0 : i32
      %dma_wait3A_102 = tpu.memref_slice %arg9[%dma_wait3A_99, %dma_wait3A_100, %dma_wait3A_101] : memref<4x128x64xf32, #tpu.memory_space<vmem>> -> memref<1x128x64xf32, #tpu.memory_space<vmem>>
      %dma_wait3A_103 = tpu.memref_squeeze %dma_wait3A_102 : memref<1x128x64xf32, #tpu.memory_space<vmem>> -> memref<128x64xf32, #tpu.memory_space<vmem>>
      %dma_wait3A_104 = arith.constant 0 : i32
      %dma_wait3A_105 = tpu.memref_slice %arg7[%add3A_91, %dma_wait3A_104] : memref<80x128xi32, #tpu.memory_space<vmem>> -> memref<1x128xi32, #tpu.memory_space<vmem>>
      %dma_wait3A_106 = tpu.memref_squeeze %dma_wait3A_105 : memref<1x128xi32, #tpu.memory_space<vmem>> -> memref<128xi32, #tpu.memory_space<vmem>>
      %dma_wait3A_107 = arith.constant 0 : i32
      %dma_wait3A_108 = arith.constant 0 : i32
      %dma_wait3A_109 = tpu.memref_slice %arg2[%dma_wait3A_107, %dma_wait3A_108] : memref<10240x64xf32, #tpu.memory_space<hbm>> -> memref<10240x64xf32, #tpu.memory_space<hbm>>
      tpu.wait_indirect_dma semaphore(%arg13 : memref<!tpu.dma_semaphore, #tpu.memory_space<semaphore_mem>>) src(%dma_wait3A_109 : memref<10240x64xf32, #tpu.memory_space<hbm>>) dst(%dma_wait3A_103 : memref<128x64xf32, #tpu.memory_space<vmem>>)
      %run_scoped3A_110 = arith.constant 2 : i32
      "tpu.region"() ({
        %run_scoped3A_132 = tpu.sem_alloc : memref<!tpu.dma_semaphore, #tpu.memory_space<semaphore_mem>>
        %dma_start3A_133 = arith.constant 0 : i32
        %dma_start3A_134 = arith.constant 0 : i32
        %dma_start3A_135 = tpu.memref_slice %arg9[%run_scoped3A_110, %dma_start3A_133, %dma_start3A_134] : memref<4x128x64xf32, #tpu.memory_space<vmem>> -> memref<1x128x64xf32, #tpu.memory_space<vmem>>
        %dma_start3A_136 = tpu.memref_squeeze %dma_start3A_135 : memref<1x128x64xf32, #tpu.memory_space<vmem>> -> memref<128x64xf32, #tpu.memory_space<vmem>>
        %dma_start3A_137 = arith.constant 0 : i32
        %dma_start3A_138 = tpu.memref_slice %arg8[%add3A_91, %dma_start3A_137] : memref<80x128xi32, #tpu.memory_space<vmem>> -> memref<1x128xi32, #tpu.memory_space<vmem>>
        %dma_start3A_139 = tpu.memref_squeeze %dma_start3A_138 : memref<1x128xi32, #tpu.memory_space<vmem>> -> memref<128xi32, #tpu.memory_space<vmem>>
        %dma_start3A_140 = arith.constant 0 : i32
        %dma_start3A_141 = arith.constant 0 : i32
        %dma_start3A_142 = tpu.memref_slice %arg10[%dma_start3A_140, %dma_start3A_141] : memref<10240x64xf32, #tpu.memory_space<vmem_shared>> -> memref<10240x64xf32, #tpu.memory_space<vmem_shared>>
        tpu.enqueue_indirect_dma source(%dma_start3A_136 : memref<128x64xf32, #tpu.memory_space<vmem>>) target(%dma_start3A_142 : memref<10240x64xf32, #tpu.memory_space<vmem_shared>>) offsets(%dma_start3A_139 : memref<128xi32, #tpu.memory_space<vmem>>) semaphore(%run_scoped3A_132 : memref<!tpu.dma_semaphore, #tpu.memory_space<semaphore_mem>>) {add = true}
        %dma_wait3A_143 = arith.constant 0 : i32
        %dma_wait3A_144 = arith.constant 0 : i32
        %dma_wait3A_145 = tpu.memref_slice %arg9[%run_scoped3A_110, %dma_wait3A_143, %dma_wait3A_144] : memref<4x128x64xf32, #tpu.memory_space<vmem>> -> memref<1x128x64xf32, #tpu.memory_space<vmem>>
        %dma_wait3A_146 = tpu.memref_squeeze %dma_wait3A_145 : memref<1x128x64xf32, #tpu.memory_space<vmem>> -> memref<128x64xf32, #tpu.memory_space<vmem>>
        %dma_wait3A_147 = arith.constant 0 : i32
        %dma_wait3A_148 = tpu.memref_slice %arg8[%add3A_91, %dma_wait3A_147] : memref<80x128xi32, #tpu.memory_space<vmem>> -> memref<1x128xi32, #tpu.memory_space<vmem>>
        %dma_wait3A_149 = tpu.memref_squeeze %dma_wait3A_148 : memref<1x128xi32, #tpu.memory_space<vmem>> -> memref<128xi32, #tpu.memory_space<vmem>>
        %dma_wait3A_150 = arith.constant 0 : i32
        %dma_wait3A_151 = arith.constant 0 : i32
        %dma_wait3A_152 = tpu.memref_slice %arg10[%dma_wait3A_150, %dma_wait3A_151] : memref<10240x64xf32, #tpu.memory_space<vmem_shared>> -> memref<10240x64xf32, #tpu.memory_space<vmem_shared>>
        tpu.wait_indirect_dma semaphore(%run_scoped3A_132 : memref<!tpu.dma_semaphore, #tpu.memory_space<semaphore_mem>>) src(%dma_wait3A_146 : memref<128x64xf32, #tpu.memory_space<vmem>>) dst(%dma_wait3A_152 : memref<10240x64xf32, #tpu.memory_space<vmem_shared>>)
        tpu.yield
      }) : () -> ()
      %add3A_111 = arith.constant 3 : i32
      %add3A_112 = arith.addi %mul3A_52, %add3A_111 : i32
      %add3A_113 = arith.constant 3 : i32
      %add3A_114 = arith.addi %add3A_112, %add3A_113 : i32
      %lt3A_115 = arith.constant 80 : i32
      %lt3A_116 = arith.cmpi slt, %add3A_114, %lt3A_115 : i32
      %convert_element_type3A_117 = arith.extui %lt3A_116 : i1 to i32
      %cond3A_118 = arith.constant 0 : i32
      %cond3A_119 = arith.cmpi ne, %convert_element_type3A_117, %cond3A_118 : i32
      scf.if %cond3A_119 {
        %add3A_132 = arith.constant 3 : i32
        %add3A_133 = arith.addi %add3A_112, %add3A_132 : i32
        %dma_start3A_134 = arith.constant 2 : i32
        %dma_start3A_135 = arith.constant 0 : i32
        %dma_start3A_136 = arith.constant 0 : i32
        %dma_start3A_137 = tpu.memref_slice %arg9[%dma_start3A_134, %dma_start3A_135, %dma_start3A_136] : memref<4x128x64xf32, #tpu.memory_space<vmem>> -> memref<1x128x64xf32, #tpu.memory_space<vmem>>
        %dma_start3A_138 = tpu.memref_squeeze %dma_start3A_137 : memref<1x128x64xf32, #tpu.memory_space<vmem>> -> memref<128x64xf32, #tpu.memory_space<vmem>>
        %dma_start3A_139 = arith.constant 0 : i32
        %dma_start3A_140 = tpu.memref_slice %arg7[%add3A_133, %dma_start3A_139] : memref<80x128xi32, #tpu.memory_space<vmem>> -> memref<1x128xi32, #tpu.memory_space<vmem>>
        %dma_start3A_141 = tpu.memref_squeeze %dma_start3A_140 : memref<1x128xi32, #tpu.memory_space<vmem>> -> memref<128xi32, #tpu.memory_space<vmem>>
        %dma_start3A_142 = arith.constant 0 : i32
        %dma_start3A_143 = arith.constant 0 : i32
        %dma_start3A_144 = tpu.memref_slice %arg2[%dma_start3A_142, %dma_start3A_143] : memref<10240x64xf32, #tpu.memory_space<hbm>> -> memref<10240x64xf32, #tpu.memory_space<hbm>>
        tpu.enqueue_indirect_dma source(%dma_start3A_144 : memref<10240x64xf32, #tpu.memory_space<hbm>>) target(%dma_start3A_138 : memref<128x64xf32, #tpu.memory_space<vmem>>) offsets(%dma_start3A_141 : memref<128xi32, #tpu.memory_space<vmem>>) semaphore(%arg13 : memref<!tpu.dma_semaphore, #tpu.memory_space<semaphore_mem>>)
      } else {
      }
      %dma_wait3A_120 = arith.constant 3 : i32
      %dma_wait3A_121 = arith.constant 0 : i32
      %dma_wait3A_122 = arith.constant 0 : i32
      %dma_wait3A_123 = tpu.memref_slice %arg9[%dma_wait3A_120, %dma_wait3A_121, %dma_wait3A_122] : memref<4x128x64xf32, #tpu.memory_space<vmem>> -> memref<1x128x64xf32, #tpu.memory_space<vmem>>
      %dma_wait3A_124 = tpu.memref_squeeze %dma_wait3A_123 : memref<1x128x64xf32, #tpu.memory_space<vmem>> -> memref<128x64xf32, #tpu.memory_space<vmem>>
      %dma_wait3A_125 = arith.constant 0 : i32
      %dma_wait3A_126 = tpu.memref_slice %arg7[%add3A_112, %dma_wait3A_125] : memref<80x128xi32, #tpu.memory_space<vmem>> -> memref<1x128xi32, #tpu.memory_space<vmem>>
      %dma_wait3A_127 = tpu.memref_squeeze %dma_wait3A_126 : memref<1x128xi32, #tpu.memory_space<vmem>> -> memref<128xi32, #tpu.memory_space<vmem>>
      %dma_wait3A_128 = arith.constant 0 : i32
      %dma_wait3A_129 = arith.constant 0 : i32
      %dma_wait3A_130 = tpu.memref_slice %arg2[%dma_wait3A_128, %dma_wait3A_129] : memref<10240x64xf32, #tpu.memory_space<hbm>> -> memref<10240x64xf32, #tpu.memory_space<hbm>>
      tpu.wait_indirect_dma semaphore(%arg14 : memref<!tpu.dma_semaphore, #tpu.memory_space<semaphore_mem>>) src(%dma_wait3A_130 : memref<10240x64xf32, #tpu.memory_space<hbm>>) dst(%dma_wait3A_124 : memref<128x64xf32, #tpu.memory_space<vmem>>)
      %run_scoped3A_131 = arith.constant 3 : i32
      "tpu.region"() ({
        %run_scoped3A_132 = tpu.sem_alloc : memref<!tpu.dma_semaphore, #tpu.memory_space<semaphore_mem>>
        %dma_start3A_133 = arith.constant 0 : i32
        %dma_start3A_134 = arith.constant 0 : i32
        %dma_start3A_135 = tpu.memref_slice %arg9[%run_scoped3A_131, %dma_start3A_133, %dma_start3A_134] : memref<4x128x64xf32, #tpu.memory_space<vmem>> -> memref<1x128x64xf32, #tpu.memory_space<vmem>>
        %dma_start3A_136 = tpu.memref_squeeze %dma_start3A_135 : memref<1x128x64xf32, #tpu.memory_space<vmem>> -> memref<128x64xf32, #tpu.memory_space<vmem>>
        %dma_start3A_137 = arith.constant 0 : i32
        %dma_start3A_138 = tpu.memref_slice %arg8[%add3A_112, %dma_start3A_137] : memref<80x128xi32, #tpu.memory_space<vmem>> -> memref<1x128xi32, #tpu.memory_space<vmem>>
        %dma_start3A_139 = tpu.memref_squeeze %dma_start3A_138 : memref<1x128xi32, #tpu.memory_space<vmem>> -> memref<128xi32, #tpu.memory_space<vmem>>
        %dma_start3A_140 = arith.constant 0 : i32
        %dma_start3A_141 = arith.constant 0 : i32
        %dma_start3A_142 = tpu.memref_slice %arg10[%dma_start3A_140, %dma_start3A_141] : memref<10240x64xf32, #tpu.memory_space<vmem_shared>> -> memref<10240x64xf32, #tpu.memory_space<vmem_shared>>
        tpu.enqueue_indirect_dma source(%dma_start3A_136 : memref<128x64xf32, #tpu.memory_space<vmem>>) target(%dma_start3A_142 : memref<10240x64xf32, #tpu.memory_space<vmem_shared>>) offsets(%dma_start3A_139 : memref<128xi32, #tpu.memory_space<vmem>>) semaphore(%run_scoped3A_132 : memref<!tpu.dma_semaphore, #tpu.memory_space<semaphore_mem>>) {add = true}
        %dma_wait3A_143 = arith.constant 0 : i32
        %dma_wait3A_144 = arith.constant 0 : i32
        %dma_wait3A_145 = tpu.memref_slice %arg9[%run_scoped3A_131, %dma_wait3A_143, %dma_wait3A_144] : memref<4x128x64xf32, #tpu.memory_space<vmem>> -> memref<1x128x64xf32, #tpu.memory_space<vmem>>
        %dma_wait3A_146 = tpu.memref_squeeze %dma_wait3A_145 : memref<1x128x64xf32, #tpu.memory_space<vmem>> -> memref<128x64xf32, #tpu.memory_space<vmem>>
        %dma_wait3A_147 = arith.constant 0 : i32
        %dma_wait3A_148 = tpu.memref_slice %arg8[%add3A_112, %dma_wait3A_147] : memref<80x128xi32, #tpu.memory_space<vmem>> -> memref<1x128xi32, #tpu.memory_space<vmem>>
        %dma_wait3A_149 = tpu.memref_squeeze %dma_wait3A_148 : memref<1x128xi32, #tpu.memory_space<vmem>> -> memref<128xi32, #tpu.memory_space<vmem>>
        %dma_wait3A_150 = arith.constant 0 : i32
        %dma_wait3A_151 = arith.constant 0 : i32
        %dma_wait3A_152 = tpu.memref_slice %arg10[%dma_wait3A_150, %dma_wait3A_151] : memref<10240x64xf32, #tpu.memory_space<vmem_shared>> -> memref<10240x64xf32, #tpu.memory_space<vmem_shared>>
        tpu.wait_indirect_dma semaphore(%run_scoped3A_132 : memref<!tpu.dma_semaphore, #tpu.memory_space<semaphore_mem>>) src(%dma_wait3A_146 : memref<128x64xf32, #tpu.memory_space<vmem>>) dst(%dma_wait3A_152 : memref<10240x64xf32, #tpu.memory_space<vmem_shared>>)
        tpu.yield
      }) : () -> ()
    }
    %scan3A_42 = arith.constant 20 : i32
    %barrier3A_43 = arith.constant 0 : index
    tpu.barrier barrier_id(%barrier3A_43)
    %mul3A_44 = arith.constant 640 : i32
    %mul3A_45 = arith.muli %arg1, %mul3A_44 : i32
    %mul3A_46 = arith.constant 640 : i32
    %mul3A_47 = arith.muli %arg1, %mul3A_46 : i32
    %mul3A_48 = arith.constant 64 : i32
    %mul3A_49 = arith.muli %arg0, %mul3A_48 : i32
    "tpu.region"() ({
      %run_scoped3A = tpu.sem_alloc : memref<!tpu.dma_semaphore, #tpu.memory_space<semaphore_mem>>
      %dma_start3A_50 = tpu.memref_slice %arg6[%mul3A_47, %mul3A_49] : memref<10240x128xf32, #tpu.memory_space<hbm>> -> memref<640x64xf32, #tpu.memory_space<hbm>>
      %dma_start3A_51 = arith.constant 0 : i32
      %dma_start3A_52 = tpu.memref_slice %arg10[%mul3A_45, %dma_start3A_51] : memref<10240x64xf32, #tpu.memory_space<vmem_shared>> -> memref<640x64xf32, #tpu.memory_space<vmem_shared>>
      tpu.enqueue_dma source(%dma_start3A_52 : memref<640x64xf32, #tpu.memory_space<vmem_shared>>) target(%dma_start3A_50 : memref<640x64xf32, #tpu.memory_space<hbm>>) target_semaphore(%run_scoped3A : memref<!tpu.dma_semaphore, #tpu.memory_space<semaphore_mem>>)
      %dma_wait3A = tpu.memref_slice %arg6[%mul3A_47, %mul3A_49] : memref<10240x128xf32, #tpu.memory_space<hbm>> -> memref<640x64xf32, #tpu.memory_space<hbm>>
      %dma_wait3A_53 = arith.constant 0 : i32
      %dma_wait3A_54 = tpu.memref_slice %arg10[%mul3A_45, %dma_wait3A_53] : memref<10240x64xf32, #tpu.memory_space<vmem_shared>> -> memref<640x64xf32, #tpu.memory_space<vmem_shared>>
      tpu.wait_dma2 semaphore(%run_scoped3A : memref<!tpu.dma_semaphore, #tpu.memory_space<semaphore_mem>>) src(%dma_wait3A_54 : memref<640x64xf32, #tpu.memory_space<vmem_shared>>) dst(%dma_wait3A : memref<640x64xf32, #tpu.memory_space<hbm>>)
      tpu.yield
    }) : () -> ()
    return
  }
}

#map = affine_map<(d0, d1) -> (0, 0, 0)>
#map1 = affine_map<(d0, d1) -> (0)>
module attributes {stable_mosaic.version = 14 : i64} {
  func.func @deg_kernel(%arg0: i32, %arg1: i32, %arg2: memref<32x80x128xi32, #tpu.memory_space<hbm>>, %arg3: memref<640xf32, #tpu.memory_space<hbm>>, %arg4: memref<20480xf32, #tpu.memory_space<hbm>>, %arg5: memref<80x128xi32, #tpu.memory_space<vmem>>, %arg6: memref<128xf32, #tpu.memory_space<vmem>>, %arg7: memref<10240xf32, #tpu.memory_space<vmem_shared>>, %arg8: memref<!tpu.dma_semaphore, #tpu.memory_space<semaphore_mem>>) attributes {dimension_semantics = [#tpu.dimension_semantics<core_parallel>, #tpu.dimension_semantics<subcore_parallel>], iteration_bounds = array<i64: 2, 16>, scalar_prefetch = 0 : i64, scratch_operands = 4 : i64, tpu.core_type = #tpu.core_type<sc_vector_subcore>, window_params = [{transform_indices = #map}, {transform_indices = #map1}, {transform_indices = #map1}]} {
    %mul3A = arith.constant 16 : i32
    %mul3A_0 = arith.muli %arg0, %mul3A : i32
    %add3A = arith.addi %mul3A_0, %arg1 : i32
    "tpu.region"() ({
      %run_scoped3A = tpu.sem_alloc : memref<!tpu.dma_semaphore, #tpu.memory_space<semaphore_mem>>
      %dma_start3A = arith.constant 0 : i32
      %dma_start3A_62 = arith.constant 0 : i32
      %dma_start3A_63 = tpu.memref_slice %arg2[%add3A, %dma_start3A, %dma_start3A_62] : memref<32x80x128xi32, #tpu.memory_space<hbm>> -> memref<1x80x128xi32, #tpu.memory_space<hbm>>
      %dma_start3A_64 = tpu.memref_squeeze %dma_start3A_63 : memref<1x80x128xi32, #tpu.memory_space<hbm>> -> memref<80x128xi32, #tpu.memory_space<hbm>>
      %dma_start3A_65 = arith.constant 0 : i32
      %dma_start3A_66 = arith.constant 0 : i32
      %dma_start3A_67 = tpu.memref_slice %arg2[%add3A, %dma_start3A_65, %dma_start3A_66] : memref<32x80x128xi32, #tpu.memory_space<hbm>> -> memref<1x80x128xi32, #tpu.memory_space<hbm>>
      %dma_start3A_68 = tpu.memref_squeeze %dma_start3A_67 : memref<1x80x128xi32, #tpu.memory_space<hbm>> -> memref<80x128xi32, #tpu.memory_space<hbm>>
      tpu.enqueue_dma source(%dma_start3A_68 : memref<80x128xi32, #tpu.memory_space<hbm>>) target(%arg5 : memref<80x128xi32, #tpu.memory_space<vmem>>) target_semaphore(%run_scoped3A : memref<!tpu.dma_semaphore, #tpu.memory_space<semaphore_mem>>)
      %dma_wait3A = arith.constant 0 : i32
      %dma_wait3A_69 = arith.constant 0 : i32
      %dma_wait3A_70 = tpu.memref_slice %arg2[%add3A, %dma_wait3A, %dma_wait3A_69] : memref<32x80x128xi32, #tpu.memory_space<hbm>> -> memref<1x80x128xi32, #tpu.memory_space<hbm>>
      %dma_wait3A_71 = tpu.memref_squeeze %dma_wait3A_70 : memref<1x80x128xi32, #tpu.memory_space<hbm>> -> memref<80x128xi32, #tpu.memory_space<hbm>>
      %dma_wait3A_72 = arith.constant 0 : i32
      %dma_wait3A_73 = arith.constant 0 : i32
      %dma_wait3A_74 = tpu.memref_slice %arg2[%add3A, %dma_wait3A_72, %dma_wait3A_73] : memref<32x80x128xi32, #tpu.memory_space<hbm>> -> memref<1x80x128xi32, #tpu.memory_space<hbm>>
      %dma_wait3A_75 = tpu.memref_squeeze %dma_wait3A_74 : memref<1x80x128xi32, #tpu.memory_space<hbm>> -> memref<80x128xi32, #tpu.memory_space<hbm>>
      tpu.wait_dma2 semaphore(%run_scoped3A : memref<!tpu.dma_semaphore, #tpu.memory_space<semaphore_mem>>) src(%dma_wait3A_75 : memref<80x128xi32, #tpu.memory_space<hbm>>) dst(%arg5 : memref<80x128xi32, #tpu.memory_space<vmem>>)
      tpu.yield
    }) : () -> ()
    %broadcast_in_dim3A = arith.constant 1.000000e+00 : f32
    %broadcast_in_dim3A_1 = vector.broadcast %broadcast_in_dim3A : f32 to vector<16xf32>
    %swap3A = arith.constant 0 : index
    %swap3A_2 = tpu.vector_load %arg6[%swap3A] {strides = array<i32>} : memref<128xf32, #tpu.memory_space<vmem>>, vector<16xf32>,
    %swap3A_3 = vector.shape_cast %swap3A_2 : vector<16xf32> to vector<16xf32>
    %swap3A_4 = vector.shape_cast %broadcast_in_dim3A_1 : vector<16xf32> to vector<16xf32>
    tpu.vector_store %arg6[%swap3A], %swap3A_4 {strides = array<i32>} : memref<128xf32, #tpu.memory_space<vmem>>, vector<16xf32>,
    %broadcast_in_dim3A_5 = arith.constant 1.000000e+00 : f32
    %broadcast_in_dim3A_6 = vector.broadcast %broadcast_in_dim3A_5 : f32 to vector<16xf32>
    %swap3A_7 = arith.constant 16 : index
    %swap3A_8 = tpu.vector_load %arg6[%swap3A_7] {strides = array<i32>} : memref<128xf32, #tpu.memory_space<vmem>>, vector<16xf32>,
    %swap3A_9 = vector.shape_cast %swap3A_8 : vector<16xf32> to vector<16xf32>
    %swap3A_10 = vector.shape_cast %broadcast_in_dim3A_6 : vector<16xf32> to vector<16xf32>
    tpu.vector_store %arg6[%swap3A_7], %swap3A_10 {strides = array<i32>} : memref<128xf32, #tpu.memory_space<vmem>>, vector<16xf32>,
    %broadcast_in_dim3A_11 = arith.constant 1.000000e+00 : f32
    %broadcast_in_dim3A_12 = vector.broadcast %broadcast_in_dim3A_11 : f32 to vector<16xf32>
    %swap3A_13 = arith.constant 32 : index
    %swap3A_14 = tpu.vector_load %arg6[%swap3A_13] {strides = array<i32>} : memref<128xf32, #tpu.memory_space<vmem>>, vector<16xf32>,
    %swap3A_15 = vector.shape_cast %swap3A_14 : vector<16xf32> to vector<16xf32>
    %swap3A_16 = vector.shape_cast %broadcast_in_dim3A_12 : vector<16xf32> to vector<16xf32>
    tpu.vector_store %arg6[%swap3A_13], %swap3A_16 {strides = array<i32>} : memref<128xf32, #tpu.memory_space<vmem>>, vector<16xf32>,
    %broadcast_in_dim3A_17 = arith.constant 1.000000e+00 : f32
    %broadcast_in_dim3A_18 = vector.broadcast %broadcast_in_dim3A_17 : f32 to vector<16xf32>
    %swap3A_19 = arith.constant 48 : index
    %swap3A_20 = tpu.vector_load %arg6[%swap3A_19] {strides = array<i32>} : memref<128xf32, #tpu.memory_space<vmem>>, vector<16xf32>,
    %swap3A_21 = vector.shape_cast %swap3A_20 : vector<16xf32> to vector<16xf32>
    %swap3A_22 = vector.shape_cast %broadcast_in_dim3A_18 : vector<16xf32> to vector<16xf32>
    tpu.vector_store %arg6[%swap3A_19], %swap3A_22 {strides = array<i32>} : memref<128xf32, #tpu.memory_space<vmem>>, vector<16xf32>,
    %broadcast_in_dim3A_23 = arith.constant 1.000000e+00 : f32
    %broadcast_in_dim3A_24 = vector.broadcast %broadcast_in_dim3A_23 : f32 to vector<16xf32>
    %swap3A_25 = arith.constant 64 : index
    %swap3A_26 = tpu.vector_load %arg6[%swap3A_25] {strides = array<i32>} : memref<128xf32, #tpu.memory_space<vmem>>, vector<16xf32>,
    %swap3A_27 = vector.shape_cast %swap3A_26 : vector<16xf32> to vector<16xf32>
    %swap3A_28 = vector.shape_cast %broadcast_in_dim3A_24 : vector<16xf32> to vector<16xf32>
    tpu.vector_store %arg6[%swap3A_25], %swap3A_28 {strides = array<i32>} : memref<128xf32, #tpu.memory_space<vmem>>, vector<16xf32>,
    %broadcast_in_dim3A_29 = arith.constant 1.000000e+00 : f32
    %broadcast_in_dim3A_30 = vector.broadcast %broadcast_in_dim3A_29 : f32 to vector<16xf32>
    %swap3A_31 = arith.constant 80 : index
    %swap3A_32 = tpu.vector_load %arg6[%swap3A_31] {strides = array<i32>} : memref<128xf32, #tpu.memory_space<vmem>>, vector<16xf32>,
    %swap3A_33 = vector.shape_cast %swap3A_32 : vector<16xf32> to vector<16xf32>
    %swap3A_34 = vector.shape_cast %broadcast_in_dim3A_30 : vector<16xf32> to vector<16xf32>
    tpu.vector_store %arg6[%swap3A_31], %swap3A_34 {strides = array<i32>} : memref<128xf32, #tpu.memory_space<vmem>>, vector<16xf32>,
    %broadcast_in_dim3A_35 = arith.constant 1.000000e+00 : f32
    %broadcast_in_dim3A_36 = vector.broadcast %broadcast_in_dim3A_35 : f32 to vector<16xf32>
    %swap3A_37 = arith.constant 96 : index
    %swap3A_38 = tpu.vector_load %arg6[%swap3A_37] {strides = array<i32>} : memref<128xf32, #tpu.memory_space<vmem>>, vector<16xf32>,
    %swap3A_39 = vector.shape_cast %swap3A_38 : vector<16xf32> to vector<16xf32>
    %swap3A_40 = vector.shape_cast %broadcast_in_dim3A_36 : vector<16xf32> to vector<16xf32>
    tpu.vector_store %arg6[%swap3A_37], %swap3A_40 {strides = array<i32>} : memref<128xf32, #tpu.memory_space<vmem>>, vector<16xf32>,
    %broadcast_in_dim3A_41 = arith.constant 1.000000e+00 : f32
    %broadcast_in_dim3A_42 = vector.broadcast %broadcast_in_dim3A_41 : f32 to vector<16xf32>
    %swap3A_43 = arith.constant 112 : index
    %swap3A_44 = tpu.vector_load %arg6[%swap3A_43] {strides = array<i32>} : memref<128xf32, #tpu.memory_space<vmem>>, vector<16xf32>,
    %swap3A_45 = vector.shape_cast %swap3A_44 : vector<16xf32> to vector<16xf32>
    %swap3A_46 = vector.shape_cast %broadcast_in_dim3A_42 : vector<16xf32> to vector<16xf32>
    tpu.vector_store %arg6[%swap3A_43], %swap3A_46 {strides = array<i32>} : memref<128xf32, #tpu.memory_space<vmem>>, vector<16xf32>,
    %mul3A_47 = arith.constant 640 : i32
    %mul3A_48 = arith.muli %arg1, %mul3A_47 : i32
    "tpu.region"() ({
      %run_scoped3A = tpu.sem_alloc : memref<!tpu.dma_semaphore, #tpu.memory_space<semaphore_mem>>
      %dma_start3A = tpu.memref_slice %arg7[%mul3A_48] : memref<10240xf32, #tpu.memory_space<vmem_shared>> -> memref<640xf32, #tpu.memory_space<vmem_shared>>
      tpu.enqueue_dma source(%arg3 : memref<640xf32, #tpu.memory_space<hbm>>) target(%dma_start3A : memref<640xf32, #tpu.memory_space<vmem_shared>>) target_semaphore(%run_scoped3A : memref<!tpu.dma_semaphore, #tpu.memory_space<semaphore_mem>>)
      %dma_wait3A = tpu.memref_slice %arg7[%mul3A_48] : memref<10240xf32, #tpu.memory_space<vmem_shared>> -> memref<640xf32, #tpu.memory_space<vmem_shared>>
      tpu.wait_dma2 semaphore(%run_scoped3A : memref<!tpu.dma_semaphore, #tpu.memory_space<semaphore_mem>>) src(%arg3 : memref<640xf32, #tpu.memory_space<hbm>>) dst(%dma_wait3A : memref<640xf32, #tpu.memory_space<vmem_shared>>)
      tpu.yield
    }) : () -> ()
    %barrier3A = arith.constant 0 : index
    tpu.barrier barrier_id(%barrier3A)
    %scan3A = arith.constant 0 : i32
    %scan3A_49 = arith.constant 0 : i32
    %scan3A_50 = arith.constant 10 : i32
    %scan3A_51 = arith.addi %scan3A_49, %scan3A_50 : i32
    %scan3A_52 = arith.constant 1 : i32
    scf.for %scan3A_62 = %scan3A_49 to %scan3A_51 step %scan3A_52  : i32 {
      %mul3A_63 = arith.constant 8 : i32
      %mul3A_64 = arith.muli %mul3A_63, %scan3A_62 : i32
      %add3A_65 = arith.constant 0 : i32
      %add3A_66 = arith.addi %mul3A_64, %add3A_65 : i32
      %dma_start3A = arith.constant 0 : i32
      %dma_start3A_67 = tpu.memref_slice %arg5[%add3A_66, %dma_start3A] : memref<80x128xi32, #tpu.memory_space<vmem>> -> memref<1x128xi32, #tpu.memory_space<vmem>>
      %dma_start3A_68 = tpu.memref_squeeze %dma_start3A_67 : memref<1x128xi32, #tpu.memory_space<vmem>> -> memref<128xi32, #tpu.memory_space<vmem>>
      %dma_start3A_69 = arith.constant 0 : i32
      %dma_start3A_70 = tpu.memref_slice %arg7[%dma_start3A_69] : memref<10240xf32, #tpu.memory_space<vmem_shared>> -> memref<10240xf32, #tpu.memory_space<vmem_shared>>
      tpu.enqueue_indirect_dma source(%arg6 : memref<128xf32, #tpu.memory_space<vmem>>) target(%dma_start3A_70 : memref<10240xf32, #tpu.memory_space<vmem_shared>>) offsets(%dma_start3A_68 : memref<128xi32, #tpu.memory_space<vmem>>) semaphore(%arg8 : memref<!tpu.dma_semaphore, #tpu.memory_space<semaphore_mem>>) {add = true}
      %mul3A_71 = arith.constant 8 : i32
      %mul3A_72 = arith.muli %mul3A_71, %scan3A_62 : i32
      %add3A_73 = arith.constant 1 : i32
      %add3A_74 = arith.addi %mul3A_72, %add3A_73 : i32
      %dma_start3A_75 = arith.constant 0 : i32
      %dma_start3A_76 = tpu.memref_slice %arg5[%add3A_74, %dma_start3A_75] : memref<80x128xi32, #tpu.memory_space<vmem>> -> memref<1x128xi32, #tpu.memory_space<vmem>>
      %dma_start3A_77 = tpu.memref_squeeze %dma_start3A_76 : memref<1x128xi32, #tpu.memory_space<vmem>> -> memref<128xi32, #tpu.memory_space<vmem>>
      %dma_start3A_78 = arith.constant 0 : i32
      %dma_start3A_79 = tpu.memref_slice %arg7[%dma_start3A_78] : memref<10240xf32, #tpu.memory_space<vmem_shared>> -> memref<10240xf32, #tpu.memory_space<vmem_shared>>
      tpu.enqueue_indirect_dma source(%arg6 : memref<128xf32, #tpu.memory_space<vmem>>) target(%dma_start3A_79 : memref<10240xf32, #tpu.memory_space<vmem_shared>>) offsets(%dma_start3A_77 : memref<128xi32, #tpu.memory_space<vmem>>) semaphore(%arg8 : memref<!tpu.dma_semaphore, #tpu.memory_space<semaphore_mem>>) {add = true}
      %mul3A_80 = arith.constant 8 : i32
      %mul3A_81 = arith.muli %mul3A_80, %scan3A_62 : i32
      %add3A_82 = arith.constant 2 : i32
      %add3A_83 = arith.addi %mul3A_81, %add3A_82 : i32
      %dma_start3A_84 = arith.constant 0 : i32
      %dma_start3A_85 = tpu.memref_slice %arg5[%add3A_83, %dma_start3A_84] : memref<80x128xi32, #tpu.memory_space<vmem>> -> memref<1x128xi32, #tpu.memory_space<vmem>>
      %dma_start3A_86 = tpu.memref_squeeze %dma_start3A_85 : memref<1x128xi32, #tpu.memory_space<vmem>> -> memref<128xi32, #tpu.memory_space<vmem>>
      %dma_start3A_87 = arith.constant 0 : i32
      %dma_start3A_88 = tpu.memref_slice %arg7[%dma_start3A_87] : memref<10240xf32, #tpu.memory_space<vmem_shared>> -> memref<10240xf32, #tpu.memory_space<vmem_shared>>
      tpu.enqueue_indirect_dma source(%arg6 : memref<128xf32, #tpu.memory_space<vmem>>) target(%dma_start3A_88 : memref<10240xf32, #tpu.memory_space<vmem_shared>>) offsets(%dma_start3A_86 : memref<128xi32, #tpu.memory_space<vmem>>) semaphore(%arg8 : memref<!tpu.dma_semaphore, #tpu.memory_space<semaphore_mem>>) {add = true}
      %mul3A_89 = arith.constant 8 : i32
      %mul3A_90 = arith.muli %mul3A_89, %scan3A_62 : i32
      %add3A_91 = arith.constant 3 : i32
      %add3A_92 = arith.addi %mul3A_90, %add3A_91 : i32
      %dma_start3A_93 = arith.constant 0 : i32
      %dma_start3A_94 = tpu.memref_slice %arg5[%add3A_92, %dma_start3A_93] : memref<80x128xi32, #tpu.memory_space<vmem>> -> memref<1x128xi32, #tpu.memory_space<vmem>>
      %dma_start3A_95 = tpu.memref_squeeze %dma_start3A_94 : memref<1x128xi32, #tpu.memory_space<vmem>> -> memref<128xi32, #tpu.memory_space<vmem>>
      %dma_start3A_96 = arith.constant 0 : i32
      %dma_start3A_97 = tpu.memref_slice %arg7[%dma_start3A_96] : memref<10240xf32, #tpu.memory_space<vmem_shared>> -> memref<10240xf32, #tpu.memory_space<vmem_shared>>
      tpu.enqueue_indirect_dma source(%arg6 : memref<128xf32, #tpu.memory_space<vmem>>) target(%dma_start3A_97 : memref<10240xf32, #tpu.memory_space<vmem_shared>>) offsets(%dma_start3A_95 : memref<128xi32, #tpu.memory_space<vmem>>) semaphore(%arg8 : memref<!tpu.dma_semaphore, #tpu.memory_space<semaphore_mem>>) {add = true}
      %mul3A_98 = arith.constant 8 : i32
      %mul3A_99 = arith.muli %mul3A_98, %scan3A_62 : i32
      %add3A_100 = arith.constant 4 : i32
      %add3A_101 = arith.addi %mul3A_99, %add3A_100 : i32
      %dma_start3A_102 = arith.constant 0 : i32
      %dma_start3A_103 = tpu.memref_slice %arg5[%add3A_101, %dma_start3A_102] : memref<80x128xi32, #tpu.memory_space<vmem>> -> memref<1x128xi32, #tpu.memory_space<vmem>>
      %dma_start3A_104 = tpu.memref_squeeze %dma_start3A_103 : memref<1x128xi32, #tpu.memory_space<vmem>> -> memref<128xi32, #tpu.memory_space<vmem>>
      %dma_start3A_105 = arith.constant 0 : i32
      %dma_start3A_106 = tpu.memref_slice %arg7[%dma_start3A_105] : memref<10240xf32, #tpu.memory_space<vmem_shared>> -> memref<10240xf32, #tpu.memory_space<vmem_shared>>
      tpu.enqueue_indirect_dma source(%arg6 : memref<128xf32, #tpu.memory_space<vmem>>) target(%dma_start3A_106 : memref<10240xf32, #tpu.memory_space<vmem_shared>>) offsets(%dma_start3A_104 : memref<128xi32, #tpu.memory_space<vmem>>) semaphore(%arg8 : memref<!tpu.dma_semaphore, #tpu.memory_space<semaphore_mem>>) {add = true}
      %mul3A_107 = arith.constant 8 : i32
      %mul3A_108 = arith.muli %mul3A_107, %scan3A_62 : i32
      %add3A_109 = arith.constant 5 : i32
      %add3A_110 = arith.addi %mul3A_108, %add3A_109 : i32
      %dma_start3A_111 = arith.constant 0 : i32
      %dma_start3A_112 = tpu.memref_slice %arg5[%add3A_110, %dma_start3A_111] : memref<80x128xi32, #tpu.memory_space<vmem>> -> memref<1x128xi32, #tpu.memory_space<vmem>>
      %dma_start3A_113 = tpu.memref_squeeze %dma_start3A_112 : memref<1x128xi32, #tpu.memory_space<vmem>> -> memref<128xi32, #tpu.memory_space<vmem>>
      %dma_start3A_114 = arith.constant 0 : i32
      %dma_start3A_115 = tpu.memref_slice %arg7[%dma_start3A_114] : memref<10240xf32, #tpu.memory_space<vmem_shared>> -> memref<10240xf32, #tpu.memory_space<vmem_shared>>
      tpu.enqueue_indirect_dma source(%arg6 : memref<128xf32, #tpu.memory_space<vmem>>) target(%dma_start3A_115 : memref<10240xf32, #tpu.memory_space<vmem_shared>>) offsets(%dma_start3A_113 : memref<128xi32, #tpu.memory_space<vmem>>) semaphore(%arg8 : memref<!tpu.dma_semaphore, #tpu.memory_space<semaphore_mem>>) {add = true}
      %mul3A_116 = arith.constant 8 : i32
      %mul3A_117 = arith.muli %mul3A_116, %scan3A_62 : i32
      %add3A_118 = arith.constant 6 : i32
      %add3A_119 = arith.addi %mul3A_117, %add3A_118 : i32
      %dma_start3A_120 = arith.constant 0 : i32
      %dma_start3A_121 = tpu.memref_slice %arg5[%add3A_119, %dma_start3A_120] : memref<80x128xi32, #tpu.memory_space<vmem>> -> memref<1x128xi32, #tpu.memory_space<vmem>>
      %dma_start3A_122 = tpu.memref_squeeze %dma_start3A_121 : memref<1x128xi32, #tpu.memory_space<vmem>> -> memref<128xi32, #tpu.memory_space<vmem>>
      %dma_start3A_123 = arith.constant 0 : i32
      %dma_start3A_124 = tpu.memref_slice %arg7[%dma_start3A_123] : memref<10240xf32, #tpu.memory_space<vmem_shared>> -> memref<10240xf32, #tpu.memory_space<vmem_shared>>
      tpu.enqueue_indirect_dma source(%arg6 : memref<128xf32, #tpu.memory_space<vmem>>) target(%dma_start3A_124 : memref<10240xf32, #tpu.memory_space<vmem_shared>>) offsets(%dma_start3A_122 : memref<128xi32, #tpu.memory_space<vmem>>) semaphore(%arg8 : memref<!tpu.dma_semaphore, #tpu.memory_space<semaphore_mem>>) {add = true}
      %mul3A_125 = arith.constant 8 : i32
      %mul3A_126 = arith.muli %mul3A_125, %scan3A_62 : i32
      %add3A_127 = arith.constant 7 : i32
      %add3A_128 = arith.addi %mul3A_126, %add3A_127 : i32
      %dma_start3A_129 = arith.constant 0 : i32
      %dma_start3A_130 = tpu.memref_slice %arg5[%add3A_128, %dma_start3A_129] : memref<80x128xi32, #tpu.memory_space<vmem>> -> memref<1x128xi32, #tpu.memory_space<vmem>>
      %dma_start3A_131 = tpu.memref_squeeze %dma_start3A_130 : memref<1x128xi32, #tpu.memory_space<vmem>> -> memref<128xi32, #tpu.memory_space<vmem>>
      %dma_start3A_132 = arith.constant 0 : i32
      %dma_start3A_133 = tpu.memref_slice %arg7[%dma_start3A_132] : memref<10240xf32, #tpu.memory_space<vmem_shared>> -> memref<10240xf32, #tpu.memory_space<vmem_shared>>
      tpu.enqueue_indirect_dma source(%arg6 : memref<128xf32, #tpu.memory_space<vmem>>) target(%dma_start3A_133 : memref<10240xf32, #tpu.memory_space<vmem_shared>>) offsets(%dma_start3A_131 : memref<128xi32, #tpu.memory_space<vmem>>) semaphore(%arg8 : memref<!tpu.dma_semaphore, #tpu.memory_space<semaphore_mem>>) {add = true}
      %mul3A_134 = arith.constant 8 : i32
      %mul3A_135 = arith.muli %mul3A_134, %scan3A_62 : i32
      %add3A_136 = arith.constant 0 : i32
      %add3A_137 = arith.addi %mul3A_135, %add3A_136 : i32
      %dma_wait3A = arith.constant 0 : i32
      %dma_wait3A_138 = tpu.memref_slice %arg5[%add3A_137, %dma_wait3A] : memref<80x128xi32, #tpu.memory_space<vmem>> -> memref<1x128xi32, #tpu.memory_space<vmem>>
      %dma_wait3A_139 = tpu.memref_squeeze %dma_wait3A_138 : memref<1x128xi32, #tpu.memory_space<vmem>> -> memref<128xi32, #tpu.memory_space<vmem>>
      %dma_wait3A_140 = arith.constant 0 : i32
      %dma_wait3A_141 = tpu.memref_slice %arg7[%dma_wait3A_140] : memref<10240xf32, #tpu.memory_space<vmem_shared>> -> memref<10240xf32, #tpu.memory_space<vmem_shared>>
      tpu.wait_indirect_dma semaphore(%arg8 : memref<!tpu.dma_semaphore, #tpu.memory_space<semaphore_mem>>) src(%arg6 : memref<128xf32, #tpu.memory_space<vmem>>) dst(%dma_wait3A_141 : memref<10240xf32, #tpu.memory_space<vmem_shared>>)
      %mul3A_142 = arith.constant 8 : i32
      %mul3A_143 = arith.muli %mul3A_142, %scan3A_62 : i32
      %add3A_144 = arith.constant 1 : i32
      %add3A_145 = arith.addi %mul3A_143, %add3A_144 : i32
      %dma_wait3A_146 = arith.constant 0 : i32
      %dma_wait3A_147 = tpu.memref_slice %arg5[%add3A_145, %dma_wait3A_146] : memref<80x128xi32, #tpu.memory_space<vmem>> -> memref<1x128xi32, #tpu.memory_space<vmem>>
      %dma_wait3A_148 = tpu.memref_squeeze %dma_wait3A_147 : memref<1x128xi32, #tpu.memory_space<vmem>> -> memref<128xi32, #tpu.memory_space<vmem>>
      %dma_wait3A_149 = arith.constant 0 : i32
      %dma_wait3A_150 = tpu.memref_slice %arg7[%dma_wait3A_149] : memref<10240xf32, #tpu.memory_space<vmem_shared>> -> memref<10240xf32, #tpu.memory_space<vmem_shared>>
      tpu.wait_indirect_dma semaphore(%arg8 : memref<!tpu.dma_semaphore, #tpu.memory_space<semaphore_mem>>) src(%arg6 : memref<128xf32, #tpu.memory_space<vmem>>) dst(%dma_wait3A_150 : memref<10240xf32, #tpu.memory_space<vmem_shared>>)
      %mul3A_151 = arith.constant 8 : i32
      %mul3A_152 = arith.muli %mul3A_151, %scan3A_62 : i32
      %add3A_153 = arith.constant 2 : i32
      %add3A_154 = arith.addi %mul3A_152, %add3A_153 : i32
      %dma_wait3A_155 = arith.constant 0 : i32
      %dma_wait3A_156 = tpu.memref_slice %arg5[%add3A_154, %dma_wait3A_155] : memref<80x128xi32, #tpu.memory_space<vmem>> -> memref<1x128xi32, #tpu.memory_space<vmem>>
      %dma_wait3A_157 = tpu.memref_squeeze %dma_wait3A_156 : memref<1x128xi32, #tpu.memory_space<vmem>> -> memref<128xi32, #tpu.memory_space<vmem>>
      %dma_wait3A_158 = arith.constant 0 : i32
      %dma_wait3A_159 = tpu.memref_slice %arg7[%dma_wait3A_158] : memref<10240xf32, #tpu.memory_space<vmem_shared>> -> memref<10240xf32, #tpu.memory_space<vmem_shared>>
      tpu.wait_indirect_dma semaphore(%arg8 : memref<!tpu.dma_semaphore, #tpu.memory_space<semaphore_mem>>) src(%arg6 : memref<128xf32, #tpu.memory_space<vmem>>) dst(%dma_wait3A_159 : memref<10240xf32, #tpu.memory_space<vmem_shared>>)
      %mul3A_160 = arith.constant 8 : i32
      %mul3A_161 = arith.muli %mul3A_160, %scan3A_62 : i32
      %add3A_162 = arith.constant 3 : i32
      %add3A_163 = arith.addi %mul3A_161, %add3A_162 : i32
      %dma_wait3A_164 = arith.constant 0 : i32
      %dma_wait3A_165 = tpu.memref_slice %arg5[%add3A_163, %dma_wait3A_164] : memref<80x128xi32, #tpu.memory_space<vmem>> -> memref<1x128xi32, #tpu.memory_space<vmem>>
      %dma_wait3A_166 = tpu.memref_squeeze %dma_wait3A_165 : memref<1x128xi32, #tpu.memory_space<vmem>> -> memref<128xi32, #tpu.memory_space<vmem>>
      %dma_wait3A_167 = arith.constant 0 : i32
      %dma_wait3A_168 = tpu.memref_slice %arg7[%dma_wait3A_167] : memref<10240xf32, #tpu.memory_space<vmem_shared>> -> memref<10240xf32, #tpu.memory_space<vmem_shared>>
      tpu.wait_indirect_dma semaphore(%arg8 : memref<!tpu.dma_semaphore, #tpu.memory_space<semaphore_mem>>) src(%arg6 : memref<128xf32, #tpu.memory_space<vmem>>) dst(%dma_wait3A_168 : memref<10240xf32, #tpu.memory_space<vmem_shared>>)
      %mul3A_169 = arith.constant 8 : i32
      %mul3A_170 = arith.muli %mul3A_169, %scan3A_62 : i32
      %add3A_171 = arith.constant 4 : i32
      %add3A_172 = arith.addi %mul3A_170, %add3A_171 : i32
      %dma_wait3A_173 = arith.constant 0 : i32
      %dma_wait3A_174 = tpu.memref_slice %arg5[%add3A_172, %dma_wait3A_173] : memref<80x128xi32, #tpu.memory_space<vmem>> -> memref<1x128xi32, #tpu.memory_space<vmem>>
      %dma_wait3A_175 = tpu.memref_squeeze %dma_wait3A_174 : memref<1x128xi32, #tpu.memory_space<vmem>> -> memref<128xi32, #tpu.memory_space<vmem>>
      %dma_wait3A_176 = arith.constant 0 : i32
      %dma_wait3A_177 = tpu.memref_slice %arg7[%dma_wait3A_176] : memref<10240xf32, #tpu.memory_space<vmem_shared>> -> memref<10240xf32, #tpu.memory_space<vmem_shared>>
      tpu.wait_indirect_dma semaphore(%arg8 : memref<!tpu.dma_semaphore, #tpu.memory_space<semaphore_mem>>) src(%arg6 : memref<128xf32, #tpu.memory_space<vmem>>) dst(%dma_wait3A_177 : memref<10240xf32, #tpu.memory_space<vmem_shared>>)
      %mul3A_178 = arith.constant 8 : i32
      %mul3A_179 = arith.muli %mul3A_178, %scan3A_62 : i32
      %add3A_180 = arith.constant 5 : i32
      %add3A_181 = arith.addi %mul3A_179, %add3A_180 : i32
      %dma_wait3A_182 = arith.constant 0 : i32
      %dma_wait3A_183 = tpu.memref_slice %arg5[%add3A_181, %dma_wait3A_182] : memref<80x128xi32, #tpu.memory_space<vmem>> -> memref<1x128xi32, #tpu.memory_space<vmem>>
      %dma_wait3A_184 = tpu.memref_squeeze %dma_wait3A_183 : memref<1x128xi32, #tpu.memory_space<vmem>> -> memref<128xi32, #tpu.memory_space<vmem>>
      %dma_wait3A_185 = arith.constant 0 : i32
      %dma_wait3A_186 = tpu.memref_slice %arg7[%dma_wait3A_185] : memref<10240xf32, #tpu.memory_space<vmem_shared>> -> memref<10240xf32, #tpu.memory_space<vmem_shared>>
      tpu.wait_indirect_dma semaphore(%arg8 : memref<!tpu.dma_semaphore, #tpu.memory_space<semaphore_mem>>) src(%arg6 : memref<128xf32, #tpu.memory_space<vmem>>) dst(%dma_wait3A_186 : memref<10240xf32, #tpu.memory_space<vmem_shared>>)
      %mul3A_187 = arith.constant 8 : i32
      %mul3A_188 = arith.muli %mul3A_187, %scan3A_62 : i32
      %add3A_189 = arith.constant 6 : i32
      %add3A_190 = arith.addi %mul3A_188, %add3A_189 : i32
      %dma_wait3A_191 = arith.constant 0 : i32
      %dma_wait3A_192 = tpu.memref_slice %arg5[%add3A_190, %dma_wait3A_191] : memref<80x128xi32, #tpu.memory_space<vmem>> -> memref<1x128xi32, #tpu.memory_space<vmem>>
      %dma_wait3A_193 = tpu.memref_squeeze %dma_wait3A_192 : memref<1x128xi32, #tpu.memory_space<vmem>> -> memref<128xi32, #tpu.memory_space<vmem>>
      %dma_wait3A_194 = arith.constant 0 : i32
      %dma_wait3A_195 = tpu.memref_slice %arg7[%dma_wait3A_194] : memref<10240xf32, #tpu.memory_space<vmem_shared>> -> memref<10240xf32, #tpu.memory_space<vmem_shared>>
      tpu.wait_indirect_dma semaphore(%arg8 : memref<!tpu.dma_semaphore, #tpu.memory_space<semaphore_mem>>) src(%arg6 : memref<128xf32, #tpu.memory_space<vmem>>) dst(%dma_wait3A_195 : memref<10240xf32, #tpu.memory_space<vmem_shared>>)
      %mul3A_196 = arith.constant 8 : i32
      %mul3A_197 = arith.muli %mul3A_196, %scan3A_62 : i32
      %add3A_198 = arith.constant 7 : i32
      %add3A_199 = arith.addi %mul3A_197, %add3A_198 : i32
      %dma_wait3A_200 = arith.constant 0 : i32
      %dma_wait3A_201 = tpu.memref_slice %arg5[%add3A_199, %dma_wait3A_200] : memref<80x128xi32, #tpu.memory_space<vmem>> -> memref<1x128xi32, #tpu.memory_space<vmem>>
      %dma_wait3A_202 = tpu.memref_squeeze %dma_wait3A_201 : memref<1x128xi32, #tpu.memory_space<vmem>> -> memref<128xi32, #tpu.memory_space<vmem>>
      %dma_wait3A_203 = arith.constant 0 : i32
      %dma_wait3A_204 = tpu.memref_slice %arg7[%dma_wait3A_203] : memref<10240xf32, #tpu.memory_space<vmem_shared>> -> memref<10240xf32, #tpu.memory_space<vmem_shared>>
      tpu.wait_indirect_dma semaphore(%arg8 : memref<!tpu.dma_semaphore, #tpu.memory_space<semaphore_mem>>) src(%arg6 : memref<128xf32, #tpu.memory_space<vmem>>) dst(%dma_wait3A_204 : memref<10240xf32, #tpu.memory_space<vmem_shared>>)
    }
    %scan3A_53 = arith.constant 10 : i32
    %barrier3A_54 = arith.constant 0 : index
    tpu.barrier barrier_id(%barrier3A_54)
    %mul3A_55 = arith.constant 640 : i32
    %mul3A_56 = arith.muli %arg1, %mul3A_55 : i32
    %mul3A_57 = arith.constant 10240 : i32
    %mul3A_58 = arith.muli %arg0, %mul3A_57 : i32
    %mul3A_59 = arith.constant 640 : i32
    %mul3A_60 = arith.muli %arg1, %mul3A_59 : i32
    %add3A_61 = arith.addi %mul3A_58, %mul3A_60 : i32
    "tpu.region"() ({
      %run_scoped3A = tpu.sem_alloc : memref<!tpu.dma_semaphore, #tpu.memory_space<semaphore_mem>>
      %dma_start3A = tpu.memref_slice %arg4[%add3A_61] : memref<20480xf32, #tpu.memory_space<hbm>> -> memref<640xf32, #tpu.memory_space<hbm>>
      %dma_start3A_62 = tpu.memref_slice %arg7[%mul3A_56] : memref<10240xf32, #tpu.memory_space<vmem_shared>> -> memref<640xf32, #tpu.memory_space<vmem_shared>>
      tpu.enqueue_dma source(%dma_start3A_62 : memref<640xf32, #tpu.memory_space<vmem_shared>>) target(%dma_start3A : memref<640xf32, #tpu.memory_space<hbm>>) target_semaphore(%run_scoped3A : memref<!tpu.dma_semaphore, #tpu.memory_space<semaphore_mem>>)
      %dma_wait3A = tpu.memref_slice %arg4[%add3A_61] : memref<20480xf32, #tpu.memory_space<hbm>> -> memref<640xf32, #tpu.memory_space<hbm>>
      %dma_wait3A_63 = tpu.memref_slice %arg7[%mul3A_56] : memref<10240xf32, #tpu.memory_space<vmem_shared>> -> memref<640xf32, #tpu.memory_space<vmem_shared>>
      tpu.wait_dma2 semaphore(%run_scoped3A : memref<!tpu.dma_semaphore, #tpu.memory_space<semaphore_mem>>) src(%dma_wait3A_63 : memref<640xf32, #tpu.memory_space<vmem_shared>>) dst(%dma_wait3A : memref<640xf32, #tpu.memory_space<hbm>>)
      tpu.yield
    }) : () -> ()
    return
  }
}

#map = affine_map<(d0, d1) -> (0, 0)>
#map1 = affine_map<(d0, d1) -> (0, 0, 0)>
module attributes {stable_mosaic.version = 14 : i64} {
  func.func @agg_kernel(%arg0: i32, %arg1: i32, %arg2: memref<10240x48xf32, #tpu.memory_space<hbm>>, %arg3: memref<32x80x128xi32, #tpu.memory_space<hbm>>, %arg4: memref<32x80x128xi32, #tpu.memory_space<hbm>>, %arg5: memref<640x48xf32, #tpu.memory_space<hbm>>, %arg6: memref<10240x128xf32, #tpu.memory_space<hbm>>, %arg7: memref<80x128xi32, #tpu.memory_space<vmem>>, %arg8: memref<80x128xi32, #tpu.memory_space<vmem>>, %arg9: memref<4x128x48xf32, #tpu.memory_space<vmem>>, %arg10: memref<10240x48xf32, #tpu.memory_space<vmem_shared>>, %arg11: memref<!tpu.dma_semaphore, #tpu.memory_space<semaphore_mem>>, %arg12: memref<!tpu.dma_semaphore, #tpu.memory_space<semaphore_mem>>, %arg13: memref<!tpu.dma_semaphore, #tpu.memory_space<semaphore_mem>>, %arg14: memref<!tpu.dma_semaphore, #tpu.memory_space<semaphore_mem>>) attributes {dimension_semantics = [#tpu.dimension_semantics<core_parallel>, #tpu.dimension_semantics<subcore_parallel>], iteration_bounds = array<i64: 2, 16>, scalar_prefetch = 0 : i64, scratch_operands = 8 : i64, tpu.core_type = #tpu.core_type<sc_vector_subcore>, window_params = [{transform_indices = #map}, {transform_indices = #map1}, {transform_indices = #map1}, {transform_indices = #map}, {transform_indices = #map}]} {
    %mul3A = arith.constant 16 : i32
    %mul3A_0 = arith.muli %arg0, %mul3A : i32
    %add3A = arith.addi %mul3A_0, %arg1 : i32
    "tpu.region"() ({
      %run_scoped3A = tpu.sem_alloc : memref<!tpu.dma_semaphore, #tpu.memory_space<semaphore_mem>>
      %dma_start3A_50 = arith.constant 0 : i32
      %dma_start3A_51 = arith.constant 0 : i32
      %dma_start3A_52 = tpu.memref_slice %arg3[%add3A, %dma_start3A_50, %dma_start3A_51] : memref<32x80x128xi32, #tpu.memory_space<hbm>> -> memref<1x80x128xi32, #tpu.memory_space<hbm>>
      %dma_start3A_53 = tpu.memref_squeeze %dma_start3A_52 : memref<1x80x128xi32, #tpu.memory_space<hbm>> -> memref<80x128xi32, #tpu.memory_space<hbm>>
      %dma_start3A_54 = arith.constant 0 : i32
      %dma_start3A_55 = arith.constant 0 : i32
      %dma_start3A_56 = tpu.memref_slice %arg3[%add3A, %dma_start3A_54, %dma_start3A_55] : memref<32x80x128xi32, #tpu.memory_space<hbm>> -> memref<1x80x128xi32, #tpu.memory_space<hbm>>
      %dma_start3A_57 = tpu.memref_squeeze %dma_start3A_56 : memref<1x80x128xi32, #tpu.memory_space<hbm>> -> memref<80x128xi32, #tpu.memory_space<hbm>>
      tpu.enqueue_dma source(%dma_start3A_57 : memref<80x128xi32, #tpu.memory_space<hbm>>) target(%arg7 : memref<80x128xi32, #tpu.memory_space<vmem>>) target_semaphore(%run_scoped3A : memref<!tpu.dma_semaphore, #tpu.memory_space<semaphore_mem>>)
      %dma_wait3A = arith.constant 0 : i32
      %dma_wait3A_58 = arith.constant 0 : i32
      %dma_wait3A_59 = tpu.memref_slice %arg3[%add3A, %dma_wait3A, %dma_wait3A_58] : memref<32x80x128xi32, #tpu.memory_space<hbm>> -> memref<1x80x128xi32, #tpu.memory_space<hbm>>
      %dma_wait3A_60 = tpu.memref_squeeze %dma_wait3A_59 : memref<1x80x128xi32, #tpu.memory_space<hbm>> -> memref<80x128xi32, #tpu.memory_space<hbm>>
      %dma_wait3A_61 = arith.constant 0 : i32
      %dma_wait3A_62 = arith.constant 0 : i32
      %dma_wait3A_63 = tpu.memref_slice %arg3[%add3A, %dma_wait3A_61, %dma_wait3A_62] : memref<32x80x128xi32, #tpu.memory_space<hbm>> -> memref<1x80x128xi32, #tpu.memory_space<hbm>>
      %dma_wait3A_64 = tpu.memref_squeeze %dma_wait3A_63 : memref<1x80x128xi32, #tpu.memory_space<hbm>> -> memref<80x128xi32, #tpu.memory_space<hbm>>
      tpu.wait_dma2 semaphore(%run_scoped3A : memref<!tpu.dma_semaphore, #tpu.memory_space<semaphore_mem>>) src(%dma_wait3A_64 : memref<80x128xi32, #tpu.memory_space<hbm>>) dst(%arg7 : memref<80x128xi32, #tpu.memory_space<vmem>>)
      tpu.yield
    }) : () -> ()
    "tpu.region"() ({
      %run_scoped3A = tpu.sem_alloc : memref<!tpu.dma_semaphore, #tpu.memory_space<semaphore_mem>>
      %dma_start3A_50 = arith.constant 0 : i32
      %dma_start3A_51 = arith.constant 0 : i32
      %dma_start3A_52 = tpu.memref_slice %arg4[%add3A, %dma_start3A_50, %dma_start3A_51] : memref<32x80x128xi32, #tpu.memory_space<hbm>> -> memref<1x80x128xi32, #tpu.memory_space<hbm>>
      %dma_start3A_53 = tpu.memref_squeeze %dma_start3A_52 : memref<1x80x128xi32, #tpu.memory_space<hbm>> -> memref<80x128xi32, #tpu.memory_space<hbm>>
      %dma_start3A_54 = arith.constant 0 : i32
      %dma_start3A_55 = arith.constant 0 : i32
      %dma_start3A_56 = tpu.memref_slice %arg4[%add3A, %dma_start3A_54, %dma_start3A_55] : memref<32x80x128xi32, #tpu.memory_space<hbm>> -> memref<1x80x128xi32, #tpu.memory_space<hbm>>
      %dma_start3A_57 = tpu.memref_squeeze %dma_start3A_56 : memref<1x80x128xi32, #tpu.memory_space<hbm>> -> memref<80x128xi32, #tpu.memory_space<hbm>>
      tpu.enqueue_dma source(%dma_start3A_57 : memref<80x128xi32, #tpu.memory_space<hbm>>) target(%arg8 : memref<80x128xi32, #tpu.memory_space<vmem>>) target_semaphore(%run_scoped3A : memref<!tpu.dma_semaphore, #tpu.memory_space<semaphore_mem>>)
      %dma_wait3A = arith.constant 0 : i32
      %dma_wait3A_58 = arith.constant 0 : i32
      %dma_wait3A_59 = tpu.memref_slice %arg4[%add3A, %dma_wait3A, %dma_wait3A_58] : memref<32x80x128xi32, #tpu.memory_space<hbm>> -> memref<1x80x128xi32, #tpu.memory_space<hbm>>
      %dma_wait3A_60 = tpu.memref_squeeze %dma_wait3A_59 : memref<1x80x128xi32, #tpu.memory_space<hbm>> -> memref<80x128xi32, #tpu.memory_space<hbm>>
      %dma_wait3A_61 = arith.constant 0 : i32
      %dma_wait3A_62 = arith.constant 0 : i32
      %dma_wait3A_63 = tpu.memref_slice %arg4[%add3A, %dma_wait3A_61, %dma_wait3A_62] : memref<32x80x128xi32, #tpu.memory_space<hbm>> -> memref<1x80x128xi32, #tpu.memory_space<hbm>>
      %dma_wait3A_64 = tpu.memref_squeeze %dma_wait3A_63 : memref<1x80x128xi32, #tpu.memory_space<hbm>> -> memref<80x128xi32, #tpu.memory_space<hbm>>
      tpu.wait_dma2 semaphore(%run_scoped3A : memref<!tpu.dma_semaphore, #tpu.memory_space<semaphore_mem>>) src(%dma_wait3A_64 : memref<80x128xi32, #tpu.memory_space<hbm>>) dst(%arg8 : memref<80x128xi32, #tpu.memory_space<vmem>>)
      tpu.yield
    }) : () -> ()
    %mul3A_1 = arith.constant 640 : i32
    %mul3A_2 = arith.muli %arg1, %mul3A_1 : i32
    "tpu.region"() ({
      %run_scoped3A = tpu.sem_alloc : memref<!tpu.dma_semaphore, #tpu.memory_space<semaphore_mem>>
      %dma_start3A_50 = arith.constant 0 : i32
      %dma_start3A_51 = tpu.memref_slice %arg10[%mul3A_2, %dma_start3A_50] : memref<10240x48xf32, #tpu.memory_space<vmem_shared>> -> memref<640x48xf32, #tpu.memory_space<vmem_shared>>
      tpu.enqueue_dma source(%arg5 : memref<640x48xf32, #tpu.memory_space<hbm>>) target(%dma_start3A_51 : memref<640x48xf32, #tpu.memory_space<vmem_shared>>) target_semaphore(%run_scoped3A : memref<!tpu.dma_semaphore, #tpu.memory_space<semaphore_mem>>)
      %dma_wait3A = arith.constant 0 : i32
      %dma_wait3A_52 = tpu.memref_slice %arg10[%mul3A_2, %dma_wait3A] : memref<10240x48xf32, #tpu.memory_space<vmem_shared>> -> memref<640x48xf32, #tpu.memory_space<vmem_shared>>
      tpu.wait_dma2 semaphore(%run_scoped3A : memref<!tpu.dma_semaphore, #tpu.memory_space<semaphore_mem>>) src(%arg5 : memref<640x48xf32, #tpu.memory_space<hbm>>) dst(%dma_wait3A_52 : memref<640x48xf32, #tpu.memory_space<vmem_shared>>)
      tpu.yield
    }) : () -> ()
    %barrier3A = arith.constant 0 : index
    tpu.barrier barrier_id(%barrier3A)
    %dma_start3A = arith.constant 0 : i32
    %dma_start3A_3 = arith.constant 0 : i32
    %dma_start3A_4 = arith.constant 0 : i32
    %dma_start3A_5 = arith.constant 0 : i32
    %dma_start3A_6 = tpu.memref_slice %arg9[%dma_start3A_3, %dma_start3A_4, %dma_start3A_5] : memref<4x128x48xf32, #tpu.memory_space<vmem>> -> memref<1x128x48xf32, #tpu.memory_space<vmem>>
    %dma_start3A_7 = tpu.memref_squeeze %dma_start3A_6 : memref<1x128x48xf32, #tpu.memory_space<vmem>> -> memref<128x48xf32, #tpu.memory_space<vmem>>
    %dma_start3A_8 = arith.constant 0 : i32
    %dma_start3A_9 = tpu.memref_slice %arg7[%dma_start3A, %dma_start3A_8] : memref<80x128xi32, #tpu.memory_space<vmem>> -> memref<1x128xi32, #tpu.memory_space<vmem>>
    %dma_start3A_10 = tpu.memref_squeeze %dma_start3A_9 : memref<1x128xi32, #tpu.memory_space<vmem>> -> memref<128xi32, #tpu.memory_space<vmem>>
    %dma_start3A_11 = arith.constant 0 : i32
    %dma_start3A_12 = arith.constant 0 : i32
    %dma_start3A_13 = tpu.memref_slice %arg2[%dma_start3A_11, %dma_start3A_12] : memref<10240x48xf32, #tpu.memory_space<hbm>> -> memref<10240x48xf32, #tpu.memory_space<hbm>>
    tpu.enqueue_indirect_dma source(%dma_start3A_13 : memref<10240x48xf32, #tpu.memory_space<hbm>>) target(%dma_start3A_7 : memref<128x48xf32, #tpu.memory_space<vmem>>) offsets(%dma_start3A_10 : memref<128xi32, #tpu.memory_space<vmem>>) semaphore(%arg11 : memref<!tpu.dma_semaphore, #tpu.memory_space<semaphore_mem>>)
    %dma_start3A_14 = arith.constant 1 : i32
    %dma_start3A_15 = arith.constant 1 : i32
    %dma_start3A_16 = arith.constant 0 : i32
    %dma_start3A_17 = arith.constant 0 : i32
    %dma_start3A_18 = tpu.memref_slice %arg9[%dma_start3A_15, %dma_start3A_16, %dma_start3A_17] : memref<4x128x48xf32, #tpu.memory_space<vmem>> -> memref<1x128x48xf32, #tpu.memory_space<vmem>>
    %dma_start3A_19 = tpu.memref_squeeze %dma_start3A_18 : memref<1x128x48xf32, #tpu.memory_space<vmem>> -> memref<128x48xf32, #tpu.memory_space<vmem>>
    %dma_start3A_20 = arith.constant 0 : i32
    %dma_start3A_21 = tpu.memref_slice %arg7[%dma_start3A_14, %dma_start3A_20] : memref<80x128xi32, #tpu.memory_space<vmem>> -> memref<1x128xi32, #tpu.memory_space<vmem>>
    %dma_start3A_22 = tpu.memref_squeeze %dma_start3A_21 : memref<1x128xi32, #tpu.memory_space<vmem>> -> memref<128xi32, #tpu.memory_space<vmem>>
    %dma_start3A_23 = arith.constant 0 : i32
    %dma_start3A_24 = arith.constant 0 : i32
    %dma_start3A_25 = tpu.memref_slice %arg2[%dma_start3A_23, %dma_start3A_24] : memref<10240x48xf32, #tpu.memory_space<hbm>> -> memref<10240x48xf32, #tpu.memory_space<hbm>>
    tpu.enqueue_indirect_dma source(%dma_start3A_25 : memref<10240x48xf32, #tpu.memory_space<hbm>>) target(%dma_start3A_19 : memref<128x48xf32, #tpu.memory_space<vmem>>) offsets(%dma_start3A_22 : memref<128xi32, #tpu.memory_space<vmem>>) semaphore(%arg12 : memref<!tpu.dma_semaphore, #tpu.memory_space<semaphore_mem>>)
    %dma_start3A_26 = arith.constant 2 : i32
    %dma_start3A_27 = arith.constant 2 : i32
    %dma_start3A_28 = arith.constant 0 : i32
    %dma_start3A_29 = arith.constant 0 : i32
    %dma_start3A_30 = tpu.memref_slice %arg9[%dma_start3A_27, %dma_start3A_28, %dma_start3A_29] : memref<4x128x48xf32, #tpu.memory_space<vmem>> -> memref<1x128x48xf32, #tpu.memory_space<vmem>>
    %dma_start3A_31 = tpu.memref_squeeze %dma_start3A_30 : memref<1x128x48xf32, #tpu.memory_space<vmem>> -> memref<128x48xf32, #tpu.memory_space<vmem>>
    %dma_start3A_32 = arith.constant 0 : i32
    %dma_start3A_33 = tpu.memref_slice %arg7[%dma_start3A_26, %dma_start3A_32] : memref<80x128xi32, #tpu.memory_space<vmem>> -> memref<1x128xi32, #tpu.memory_space<vmem>>
    %dma_start3A_34 = tpu.memref_squeeze %dma_start3A_33 : memref<1x128xi32, #tpu.memory_space<vmem>> -> memref<128xi32, #tpu.memory_space<vmem>>
    %dma_start3A_35 = arith.constant 0 : i32
    %dma_start3A_36 = arith.constant 0 : i32
    %dma_start3A_37 = tpu.memref_slice %arg2[%dma_start3A_35, %dma_start3A_36] : memref<10240x48xf32, #tpu.memory_space<hbm>> -> memref<10240x48xf32, #tpu.memory_space<hbm>>
    tpu.enqueue_indirect_dma source(%dma_start3A_37 : memref<10240x48xf32, #tpu.memory_space<hbm>>) target(%dma_start3A_31 : memref<128x48xf32, #tpu.memory_space<vmem>>) offsets(%dma_start3A_34 : memref<128xi32, #tpu.memory_space<vmem>>) semaphore(%arg13 : memref<!tpu.dma_semaphore, #tpu.memory_space<semaphore_mem>>)
    %scan3A = arith.constant 0 : i32
    %scan3A_38 = arith.constant 0 : i32
    %scan3A_39 = arith.constant 20 : i32
    %scan3A_40 = arith.addi %scan3A_38, %scan3A_39 : i32
    %scan3A_41 = arith.constant 1 : i32
    scf.for %scan3A_50 = %scan3A_38 to %scan3A_40 step %scan3A_41  : i32 {
      %mul3A_51 = arith.constant 4 : i32
      %mul3A_52 = arith.muli %mul3A_51, %scan3A_50 : i32
      %add3A_53 = arith.constant 0 : i32
      %add3A_54 = arith.addi %mul3A_52, %add3A_53 : i32
      %add3A_55 = arith.constant 3 : i32
      %add3A_56 = arith.addi %add3A_54, %add3A_55 : i32
      %lt3A = arith.constant 80 : i32
      %lt3A_57 = arith.cmpi slt, %add3A_56, %lt3A : i32
      %convert_element_type3A = arith.extui %lt3A_57 : i1 to i32
      %cond3A = arith.constant 0 : i32
      %cond3A_58 = arith.cmpi ne, %convert_element_type3A, %cond3A : i32
      scf.if %cond3A_58 {
        %add3A_132 = arith.constant 3 : i32
        %add3A_133 = arith.addi %add3A_54, %add3A_132 : i32
        %dma_start3A_134 = arith.constant 3 : i32
        %dma_start3A_135 = arith.constant 0 : i32
        %dma_start3A_136 = arith.constant 0 : i32
        %dma_start3A_137 = tpu.memref_slice %arg9[%dma_start3A_134, %dma_start3A_135, %dma_start3A_136] : memref<4x128x48xf32, #tpu.memory_space<vmem>> -> memref<1x128x48xf32, #tpu.memory_space<vmem>>
        %dma_start3A_138 = tpu.memref_squeeze %dma_start3A_137 : memref<1x128x48xf32, #tpu.memory_space<vmem>> -> memref<128x48xf32, #tpu.memory_space<vmem>>
        %dma_start3A_139 = arith.constant 0 : i32
        %dma_start3A_140 = tpu.memref_slice %arg7[%add3A_133, %dma_start3A_139] : memref<80x128xi32, #tpu.memory_space<vmem>> -> memref<1x128xi32, #tpu.memory_space<vmem>>
        %dma_start3A_141 = tpu.memref_squeeze %dma_start3A_140 : memref<1x128xi32, #tpu.memory_space<vmem>> -> memref<128xi32, #tpu.memory_space<vmem>>
        %dma_start3A_142 = arith.constant 0 : i32
        %dma_start3A_143 = arith.constant 0 : i32
        %dma_start3A_144 = tpu.memref_slice %arg2[%dma_start3A_142, %dma_start3A_143] : memref<10240x48xf32, #tpu.memory_space<hbm>> -> memref<10240x48xf32, #tpu.memory_space<hbm>>
        tpu.enqueue_indirect_dma source(%dma_start3A_144 : memref<10240x48xf32, #tpu.memory_space<hbm>>) target(%dma_start3A_138 : memref<128x48xf32, #tpu.memory_space<vmem>>) offsets(%dma_start3A_141 : memref<128xi32, #tpu.memory_space<vmem>>) semaphore(%arg14 : memref<!tpu.dma_semaphore, #tpu.memory_space<semaphore_mem>>)
      } else {
      }
      %dma_wait3A = arith.constant 0 : i32
      %dma_wait3A_59 = arith.constant 0 : i32
      %dma_wait3A_60 = arith.constant 0 : i32
      %dma_wait3A_61 = tpu.memref_slice %arg9[%dma_wait3A, %dma_wait3A_59, %dma_wait3A_60] : memref<4x128x48xf32, #tpu.memory_space<vmem>> -> memref<1x128x48xf32, #tpu.memory_space<vmem>>
      %dma_wait3A_62 = tpu.memref_squeeze %dma_wait3A_61 : memref<1x128x48xf32, #tpu.memory_space<vmem>> -> memref<128x48xf32, #tpu.memory_space<vmem>>
      %dma_wait3A_63 = arith.constant 0 : i32
      %dma_wait3A_64 = tpu.memref_slice %arg7[%add3A_54, %dma_wait3A_63] : memref<80x128xi32, #tpu.memory_space<vmem>> -> memref<1x128xi32, #tpu.memory_space<vmem>>
      %dma_wait3A_65 = tpu.memref_squeeze %dma_wait3A_64 : memref<1x128xi32, #tpu.memory_space<vmem>> -> memref<128xi32, #tpu.memory_space<vmem>>
      %dma_wait3A_66 = arith.constant 0 : i32
      %dma_wait3A_67 = arith.constant 0 : i32
      %dma_wait3A_68 = tpu.memref_slice %arg2[%dma_wait3A_66, %dma_wait3A_67] : memref<10240x48xf32, #tpu.memory_space<hbm>> -> memref<10240x48xf32, #tpu.memory_space<hbm>>
      tpu.wait_indirect_dma semaphore(%arg11 : memref<!tpu.dma_semaphore, #tpu.memory_space<semaphore_mem>>) src(%dma_wait3A_68 : memref<10240x48xf32, #tpu.memory_space<hbm>>) dst(%dma_wait3A_62 : memref<128x48xf32, #tpu.memory_space<vmem>>)
      %run_scoped3A = arith.constant 0 : i32
      "tpu.region"() ({
        %run_scoped3A_132 = tpu.sem_alloc : memref<!tpu.dma_semaphore, #tpu.memory_space<semaphore_mem>>
        %dma_start3A_133 = arith.constant 0 : i32
        %dma_start3A_134 = arith.constant 0 : i32
        %dma_start3A_135 = tpu.memref_slice %arg9[%run_scoped3A, %dma_start3A_133, %dma_start3A_134] : memref<4x128x48xf32, #tpu.memory_space<vmem>> -> memref<1x128x48xf32, #tpu.memory_space<vmem>>
        %dma_start3A_136 = tpu.memref_squeeze %dma_start3A_135 : memref<1x128x48xf32, #tpu.memory_space<vmem>> -> memref<128x48xf32, #tpu.memory_space<vmem>>
        %dma_start3A_137 = arith.constant 0 : i32
        %dma_start3A_138 = tpu.memref_slice %arg8[%add3A_54, %dma_start3A_137] : memref<80x128xi32, #tpu.memory_space<vmem>> -> memref<1x128xi32, #tpu.memory_space<vmem>>
        %dma_start3A_139 = tpu.memref_squeeze %dma_start3A_138 : memref<1x128xi32, #tpu.memory_space<vmem>> -> memref<128xi32, #tpu.memory_space<vmem>>
        %dma_start3A_140 = arith.constant 0 : i32
        %dma_start3A_141 = arith.constant 0 : i32
        %dma_start3A_142 = tpu.memref_slice %arg10[%dma_start3A_140, %dma_start3A_141] : memref<10240x48xf32, #tpu.memory_space<vmem_shared>> -> memref<10240x48xf32, #tpu.memory_space<vmem_shared>>
        tpu.enqueue_indirect_dma source(%dma_start3A_136 : memref<128x48xf32, #tpu.memory_space<vmem>>) target(%dma_start3A_142 : memref<10240x48xf32, #tpu.memory_space<vmem_shared>>) offsets(%dma_start3A_139 : memref<128xi32, #tpu.memory_space<vmem>>) semaphore(%run_scoped3A_132 : memref<!tpu.dma_semaphore, #tpu.memory_space<semaphore_mem>>) {add = true}
        %dma_wait3A_143 = arith.constant 0 : i32
        %dma_wait3A_144 = arith.constant 0 : i32
        %dma_wait3A_145 = tpu.memref_slice %arg9[%run_scoped3A, %dma_wait3A_143, %dma_wait3A_144] : memref<4x128x48xf32, #tpu.memory_space<vmem>> -> memref<1x128x48xf32, #tpu.memory_space<vmem>>
        %dma_wait3A_146 = tpu.memref_squeeze %dma_wait3A_145 : memref<1x128x48xf32, #tpu.memory_space<vmem>> -> memref<128x48xf32, #tpu.memory_space<vmem>>
        %dma_wait3A_147 = arith.constant 0 : i32
        %dma_wait3A_148 = tpu.memref_slice %arg8[%add3A_54, %dma_wait3A_147] : memref<80x128xi32, #tpu.memory_space<vmem>> -> memref<1x128xi32, #tpu.memory_space<vmem>>
        %dma_wait3A_149 = tpu.memref_squeeze %dma_wait3A_148 : memref<1x128xi32, #tpu.memory_space<vmem>> -> memref<128xi32, #tpu.memory_space<vmem>>
        %dma_wait3A_150 = arith.constant 0 : i32
        %dma_wait3A_151 = arith.constant 0 : i32
        %dma_wait3A_152 = tpu.memref_slice %arg10[%dma_wait3A_150, %dma_wait3A_151] : memref<10240x48xf32, #tpu.memory_space<vmem_shared>> -> memref<10240x48xf32, #tpu.memory_space<vmem_shared>>
        tpu.wait_indirect_dma semaphore(%run_scoped3A_132 : memref<!tpu.dma_semaphore, #tpu.memory_space<semaphore_mem>>) src(%dma_wait3A_146 : memref<128x48xf32, #tpu.memory_space<vmem>>) dst(%dma_wait3A_152 : memref<10240x48xf32, #tpu.memory_space<vmem_shared>>)
        tpu.yield
      }) : () -> ()
      %add3A_69 = arith.constant 1 : i32
      %add3A_70 = arith.addi %mul3A_52, %add3A_69 : i32
      %add3A_71 = arith.constant 3 : i32
      %add3A_72 = arith.addi %add3A_70, %add3A_71 : i32
      %lt3A_73 = arith.constant 80 : i32
      %lt3A_74 = arith.cmpi slt, %add3A_72, %lt3A_73 : i32
      %convert_element_type3A_75 = arith.extui %lt3A_74 : i1 to i32
      %cond3A_76 = arith.constant 0 : i32
      %cond3A_77 = arith.cmpi ne, %convert_element_type3A_75, %cond3A_76 : i32
      scf.if %cond3A_77 {
        %add3A_132 = arith.constant 3 : i32
        %add3A_133 = arith.addi %add3A_70, %add3A_132 : i32
        %dma_start3A_134 = arith.constant 0 : i32
        %dma_start3A_135 = arith.constant 0 : i32
        %dma_start3A_136 = arith.constant 0 : i32
        %dma_start3A_137 = tpu.memref_slice %arg9[%dma_start3A_134, %dma_start3A_135, %dma_start3A_136] : memref<4x128x48xf32, #tpu.memory_space<vmem>> -> memref<1x128x48xf32, #tpu.memory_space<vmem>>
        %dma_start3A_138 = tpu.memref_squeeze %dma_start3A_137 : memref<1x128x48xf32, #tpu.memory_space<vmem>> -> memref<128x48xf32, #tpu.memory_space<vmem>>
        %dma_start3A_139 = arith.constant 0 : i32
        %dma_start3A_140 = tpu.memref_slice %arg7[%add3A_133, %dma_start3A_139] : memref<80x128xi32, #tpu.memory_space<vmem>> -> memref<1x128xi32, #tpu.memory_space<vmem>>
        %dma_start3A_141 = tpu.memref_squeeze %dma_start3A_140 : memref<1x128xi32, #tpu.memory_space<vmem>> -> memref<128xi32, #tpu.memory_space<vmem>>
        %dma_start3A_142 = arith.constant 0 : i32
        %dma_start3A_143 = arith.constant 0 : i32
        %dma_start3A_144 = tpu.memref_slice %arg2[%dma_start3A_142, %dma_start3A_143] : memref<10240x48xf32, #tpu.memory_space<hbm>> -> memref<10240x48xf32, #tpu.memory_space<hbm>>
        tpu.enqueue_indirect_dma source(%dma_start3A_144 : memref<10240x48xf32, #tpu.memory_space<hbm>>) target(%dma_start3A_138 : memref<128x48xf32, #tpu.memory_space<vmem>>) offsets(%dma_start3A_141 : memref<128xi32, #tpu.memory_space<vmem>>) semaphore(%arg11 : memref<!tpu.dma_semaphore, #tpu.memory_space<semaphore_mem>>)
      } else {
      }
      %dma_wait3A_78 = arith.constant 1 : i32
      %dma_wait3A_79 = arith.constant 0 : i32
      %dma_wait3A_80 = arith.constant 0 : i32
      %dma_wait3A_81 = tpu.memref_slice %arg9[%dma_wait3A_78, %dma_wait3A_79, %dma_wait3A_80] : memref<4x128x48xf32, #tpu.memory_space<vmem>> -> memref<1x128x48xf32, #tpu.memory_space<vmem>>
      %dma_wait3A_82 = tpu.memref_squeeze %dma_wait3A_81 : memref<1x128x48xf32, #tpu.memory_space<vmem>> -> memref<128x48xf32, #tpu.memory_space<vmem>>
      %dma_wait3A_83 = arith.constant 0 : i32
      %dma_wait3A_84 = tpu.memref_slice %arg7[%add3A_70, %dma_wait3A_83] : memref<80x128xi32, #tpu.memory_space<vmem>> -> memref<1x128xi32, #tpu.memory_space<vmem>>
      %dma_wait3A_85 = tpu.memref_squeeze %dma_wait3A_84 : memref<1x128xi32, #tpu.memory_space<vmem>> -> memref<128xi32, #tpu.memory_space<vmem>>
      %dma_wait3A_86 = arith.constant 0 : i32
      %dma_wait3A_87 = arith.constant 0 : i32
      %dma_wait3A_88 = tpu.memref_slice %arg2[%dma_wait3A_86, %dma_wait3A_87] : memref<10240x48xf32, #tpu.memory_space<hbm>> -> memref<10240x48xf32, #tpu.memory_space<hbm>>
      tpu.wait_indirect_dma semaphore(%arg12 : memref<!tpu.dma_semaphore, #tpu.memory_space<semaphore_mem>>) src(%dma_wait3A_88 : memref<10240x48xf32, #tpu.memory_space<hbm>>) dst(%dma_wait3A_82 : memref<128x48xf32, #tpu.memory_space<vmem>>)
      %run_scoped3A_89 = arith.constant 1 : i32
      "tpu.region"() ({
        %run_scoped3A_132 = tpu.sem_alloc : memref<!tpu.dma_semaphore, #tpu.memory_space<semaphore_mem>>
        %dma_start3A_133 = arith.constant 0 : i32
        %dma_start3A_134 = arith.constant 0 : i32
        %dma_start3A_135 = tpu.memref_slice %arg9[%run_scoped3A_89, %dma_start3A_133, %dma_start3A_134] : memref<4x128x48xf32, #tpu.memory_space<vmem>> -> memref<1x128x48xf32, #tpu.memory_space<vmem>>
        %dma_start3A_136 = tpu.memref_squeeze %dma_start3A_135 : memref<1x128x48xf32, #tpu.memory_space<vmem>> -> memref<128x48xf32, #tpu.memory_space<vmem>>
        %dma_start3A_137 = arith.constant 0 : i32
        %dma_start3A_138 = tpu.memref_slice %arg8[%add3A_70, %dma_start3A_137] : memref<80x128xi32, #tpu.memory_space<vmem>> -> memref<1x128xi32, #tpu.memory_space<vmem>>
        %dma_start3A_139 = tpu.memref_squeeze %dma_start3A_138 : memref<1x128xi32, #tpu.memory_space<vmem>> -> memref<128xi32, #tpu.memory_space<vmem>>
        %dma_start3A_140 = arith.constant 0 : i32
        %dma_start3A_141 = arith.constant 0 : i32
        %dma_start3A_142 = tpu.memref_slice %arg10[%dma_start3A_140, %dma_start3A_141] : memref<10240x48xf32, #tpu.memory_space<vmem_shared>> -> memref<10240x48xf32, #tpu.memory_space<vmem_shared>>
        tpu.enqueue_indirect_dma source(%dma_start3A_136 : memref<128x48xf32, #tpu.memory_space<vmem>>) target(%dma_start3A_142 : memref<10240x48xf32, #tpu.memory_space<vmem_shared>>) offsets(%dma_start3A_139 : memref<128xi32, #tpu.memory_space<vmem>>) semaphore(%run_scoped3A_132 : memref<!tpu.dma_semaphore, #tpu.memory_space<semaphore_mem>>) {add = true}
        %dma_wait3A_143 = arith.constant 0 : i32
        %dma_wait3A_144 = arith.constant 0 : i32
        %dma_wait3A_145 = tpu.memref_slice %arg9[%run_scoped3A_89, %dma_wait3A_143, %dma_wait3A_144] : memref<4x128x48xf32, #tpu.memory_space<vmem>> -> memref<1x128x48xf32, #tpu.memory_space<vmem>>
        %dma_wait3A_146 = tpu.memref_squeeze %dma_wait3A_145 : memref<1x128x48xf32, #tpu.memory_space<vmem>> -> memref<128x48xf32, #tpu.memory_space<vmem>>
        %dma_wait3A_147 = arith.constant 0 : i32
        %dma_wait3A_148 = tpu.memref_slice %arg8[%add3A_70, %dma_wait3A_147] : memref<80x128xi32, #tpu.memory_space<vmem>> -> memref<1x128xi32, #tpu.memory_space<vmem>>
        %dma_wait3A_149 = tpu.memref_squeeze %dma_wait3A_148 : memref<1x128xi32, #tpu.memory_space<vmem>> -> memref<128xi32, #tpu.memory_space<vmem>>
        %dma_wait3A_150 = arith.constant 0 : i32
        %dma_wait3A_151 = arith.constant 0 : i32
        %dma_wait3A_152 = tpu.memref_slice %arg10[%dma_wait3A_150, %dma_wait3A_151] : memref<10240x48xf32, #tpu.memory_space<vmem_shared>> -> memref<10240x48xf32, #tpu.memory_space<vmem_shared>>
        tpu.wait_indirect_dma semaphore(%run_scoped3A_132 : memref<!tpu.dma_semaphore, #tpu.memory_space<semaphore_mem>>) src(%dma_wait3A_146 : memref<128x48xf32, #tpu.memory_space<vmem>>) dst(%dma_wait3A_152 : memref<10240x48xf32, #tpu.memory_space<vmem_shared>>)
        tpu.yield
      }) : () -> ()
      %add3A_90 = arith.constant 2 : i32
      %add3A_91 = arith.addi %mul3A_52, %add3A_90 : i32
      %add3A_92 = arith.constant 3 : i32
      %add3A_93 = arith.addi %add3A_91, %add3A_92 : i32
      %lt3A_94 = arith.constant 80 : i32
      %lt3A_95 = arith.cmpi slt, %add3A_93, %lt3A_94 : i32
      %convert_element_type3A_96 = arith.extui %lt3A_95 : i1 to i32
      %cond3A_97 = arith.constant 0 : i32
      %cond3A_98 = arith.cmpi ne, %convert_element_type3A_96, %cond3A_97 : i32
      scf.if %cond3A_98 {
        %add3A_132 = arith.constant 3 : i32
        %add3A_133 = arith.addi %add3A_91, %add3A_132 : i32
        %dma_start3A_134 = arith.constant 1 : i32
        %dma_start3A_135 = arith.constant 0 : i32
        %dma_start3A_136 = arith.constant 0 : i32
        %dma_start3A_137 = tpu.memref_slice %arg9[%dma_start3A_134, %dma_start3A_135, %dma_start3A_136] : memref<4x128x48xf32, #tpu.memory_space<vmem>> -> memref<1x128x48xf32, #tpu.memory_space<vmem>>
        %dma_start3A_138 = tpu.memref_squeeze %dma_start3A_137 : memref<1x128x48xf32, #tpu.memory_space<vmem>> -> memref<128x48xf32, #tpu.memory_space<vmem>>
        %dma_start3A_139 = arith.constant 0 : i32
        %dma_start3A_140 = tpu.memref_slice %arg7[%add3A_133, %dma_start3A_139] : memref<80x128xi32, #tpu.memory_space<vmem>> -> memref<1x128xi32, #tpu.memory_space<vmem>>
        %dma_start3A_141 = tpu.memref_squeeze %dma_start3A_140 : memref<1x128xi32, #tpu.memory_space<vmem>> -> memref<128xi32, #tpu.memory_space<vmem>>
        %dma_start3A_142 = arith.constant 0 : i32
        %dma_start3A_143 = arith.constant 0 : i32
        %dma_start3A_144 = tpu.memref_slice %arg2[%dma_start3A_142, %dma_start3A_143] : memref<10240x48xf32, #tpu.memory_space<hbm>> -> memref<10240x48xf32, #tpu.memory_space<hbm>>
        tpu.enqueue_indirect_dma source(%dma_start3A_144 : memref<10240x48xf32, #tpu.memory_space<hbm>>) target(%dma_start3A_138 : memref<128x48xf32, #tpu.memory_space<vmem>>) offsets(%dma_start3A_141 : memref<128xi32, #tpu.memory_space<vmem>>) semaphore(%arg12 : memref<!tpu.dma_semaphore, #tpu.memory_space<semaphore_mem>>)
      } else {
      }
      %dma_wait3A_99 = arith.constant 2 : i32
      %dma_wait3A_100 = arith.constant 0 : i32
      %dma_wait3A_101 = arith.constant 0 : i32
      %dma_wait3A_102 = tpu.memref_slice %arg9[%dma_wait3A_99, %dma_wait3A_100, %dma_wait3A_101] : memref<4x128x48xf32, #tpu.memory_space<vmem>> -> memref<1x128x48xf32, #tpu.memory_space<vmem>>
      %dma_wait3A_103 = tpu.memref_squeeze %dma_wait3A_102 : memref<1x128x48xf32, #tpu.memory_space<vmem>> -> memref<128x48xf32, #tpu.memory_space<vmem>>
      %dma_wait3A_104 = arith.constant 0 : i32
      %dma_wait3A_105 = tpu.memref_slice %arg7[%add3A_91, %dma_wait3A_104] : memref<80x128xi32, #tpu.memory_space<vmem>> -> memref<1x128xi32, #tpu.memory_space<vmem>>
      %dma_wait3A_106 = tpu.memref_squeeze %dma_wait3A_105 : memref<1x128xi32, #tpu.memory_space<vmem>> -> memref<128xi32, #tpu.memory_space<vmem>>
      %dma_wait3A_107 = arith.constant 0 : i32
      %dma_wait3A_108 = arith.constant 0 : i32
      %dma_wait3A_109 = tpu.memref_slice %arg2[%dma_wait3A_107, %dma_wait3A_108] : memref<10240x48xf32, #tpu.memory_space<hbm>> -> memref<10240x48xf32, #tpu.memory_space<hbm>>
      tpu.wait_indirect_dma semaphore(%arg13 : memref<!tpu.dma_semaphore, #tpu.memory_space<semaphore_mem>>) src(%dma_wait3A_109 : memref<10240x48xf32, #tpu.memory_space<hbm>>) dst(%dma_wait3A_103 : memref<128x48xf32, #tpu.memory_space<vmem>>)
      %run_scoped3A_110 = arith.constant 2 : i32
      "tpu.region"() ({
        %run_scoped3A_132 = tpu.sem_alloc : memref<!tpu.dma_semaphore, #tpu.memory_space<semaphore_mem>>
        %dma_start3A_133 = arith.constant 0 : i32
        %dma_start3A_134 = arith.constant 0 : i32
        %dma_start3A_135 = tpu.memref_slice %arg9[%run_scoped3A_110, %dma_start3A_133, %dma_start3A_134] : memref<4x128x48xf32, #tpu.memory_space<vmem>> -> memref<1x128x48xf32, #tpu.memory_space<vmem>>
        %dma_start3A_136 = tpu.memref_squeeze %dma_start3A_135 : memref<1x128x48xf32, #tpu.memory_space<vmem>> -> memref<128x48xf32, #tpu.memory_space<vmem>>
        %dma_start3A_137 = arith.constant 0 : i32
        %dma_start3A_138 = tpu.memref_slice %arg8[%add3A_91, %dma_start3A_137] : memref<80x128xi32, #tpu.memory_space<vmem>> -> memref<1x128xi32, #tpu.memory_space<vmem>>
        %dma_start3A_139 = tpu.memref_squeeze %dma_start3A_138 : memref<1x128xi32, #tpu.memory_space<vmem>> -> memref<128xi32, #tpu.memory_space<vmem>>
        %dma_start3A_140 = arith.constant 0 : i32
        %dma_start3A_141 = arith.constant 0 : i32
        %dma_start3A_142 = tpu.memref_slice %arg10[%dma_start3A_140, %dma_start3A_141] : memref<10240x48xf32, #tpu.memory_space<vmem_shared>> -> memref<10240x48xf32, #tpu.memory_space<vmem_shared>>
        tpu.enqueue_indirect_dma source(%dma_start3A_136 : memref<128x48xf32, #tpu.memory_space<vmem>>) target(%dma_start3A_142 : memref<10240x48xf32, #tpu.memory_space<vmem_shared>>) offsets(%dma_start3A_139 : memref<128xi32, #tpu.memory_space<vmem>>) semaphore(%run_scoped3A_132 : memref<!tpu.dma_semaphore, #tpu.memory_space<semaphore_mem>>) {add = true}
        %dma_wait3A_143 = arith.constant 0 : i32
        %dma_wait3A_144 = arith.constant 0 : i32
        %dma_wait3A_145 = tpu.memref_slice %arg9[%run_scoped3A_110, %dma_wait3A_143, %dma_wait3A_144] : memref<4x128x48xf32, #tpu.memory_space<vmem>> -> memref<1x128x48xf32, #tpu.memory_space<vmem>>
        %dma_wait3A_146 = tpu.memref_squeeze %dma_wait3A_145 : memref<1x128x48xf32, #tpu.memory_space<vmem>> -> memref<128x48xf32, #tpu.memory_space<vmem>>
        %dma_wait3A_147 = arith.constant 0 : i32
        %dma_wait3A_148 = tpu.memref_slice %arg8[%add3A_91, %dma_wait3A_147] : memref<80x128xi32, #tpu.memory_space<vmem>> -> memref<1x128xi32, #tpu.memory_space<vmem>>
        %dma_wait3A_149 = tpu.memref_squeeze %dma_wait3A_148 : memref<1x128xi32, #tpu.memory_space<vmem>> -> memref<128xi32, #tpu.memory_space<vmem>>
        %dma_wait3A_150 = arith.constant 0 : i32
        %dma_wait3A_151 = arith.constant 0 : i32
        %dma_wait3A_152 = tpu.memref_slice %arg10[%dma_wait3A_150, %dma_wait3A_151] : memref<10240x48xf32, #tpu.memory_space<vmem_shared>> -> memref<10240x48xf32, #tpu.memory_space<vmem_shared>>
        tpu.wait_indirect_dma semaphore(%run_scoped3A_132 : memref<!tpu.dma_semaphore, #tpu.memory_space<semaphore_mem>>) src(%dma_wait3A_146 : memref<128x48xf32, #tpu.memory_space<vmem>>) dst(%dma_wait3A_152 : memref<10240x48xf32, #tpu.memory_space<vmem_shared>>)
        tpu.yield
      }) : () -> ()
      %add3A_111 = arith.constant 3 : i32
      %add3A_112 = arith.addi %mul3A_52, %add3A_111 : i32
      %add3A_113 = arith.constant 3 : i32
      %add3A_114 = arith.addi %add3A_112, %add3A_113 : i32
      %lt3A_115 = arith.constant 80 : i32
      %lt3A_116 = arith.cmpi slt, %add3A_114, %lt3A_115 : i32
      %convert_element_type3A_117 = arith.extui %lt3A_116 : i1 to i32
      %cond3A_118 = arith.constant 0 : i32
      %cond3A_119 = arith.cmpi ne, %convert_element_type3A_117, %cond3A_118 : i32
      scf.if %cond3A_119 {
        %add3A_132 = arith.constant 3 : i32
        %add3A_133 = arith.addi %add3A_112, %add3A_132 : i32
        %dma_start3A_134 = arith.constant 2 : i32
        %dma_start3A_135 = arith.constant 0 : i32
        %dma_start3A_136 = arith.constant 0 : i32
        %dma_start3A_137 = tpu.memref_slice %arg9[%dma_start3A_134, %dma_start3A_135, %dma_start3A_136] : memref<4x128x48xf32, #tpu.memory_space<vmem>> -> memref<1x128x48xf32, #tpu.memory_space<vmem>>
        %dma_start3A_138 = tpu.memref_squeeze %dma_start3A_137 : memref<1x128x48xf32, #tpu.memory_space<vmem>> -> memref<128x48xf32, #tpu.memory_space<vmem>>
        %dma_start3A_139 = arith.constant 0 : i32
        %dma_start3A_140 = tpu.memref_slice %arg7[%add3A_133, %dma_start3A_139] : memref<80x128xi32, #tpu.memory_space<vmem>> -> memref<1x128xi32, #tpu.memory_space<vmem>>
        %dma_start3A_141 = tpu.memref_squeeze %dma_start3A_140 : memref<1x128xi32, #tpu.memory_space<vmem>> -> memref<128xi32, #tpu.memory_space<vmem>>
        %dma_start3A_142 = arith.constant 0 : i32
        %dma_start3A_143 = arith.constant 0 : i32
        %dma_start3A_144 = tpu.memref_slice %arg2[%dma_start3A_142, %dma_start3A_143] : memref<10240x48xf32, #tpu.memory_space<hbm>> -> memref<10240x48xf32, #tpu.memory_space<hbm>>
        tpu.enqueue_indirect_dma source(%dma_start3A_144 : memref<10240x48xf32, #tpu.memory_space<hbm>>) target(%dma_start3A_138 : memref<128x48xf32, #tpu.memory_space<vmem>>) offsets(%dma_start3A_141 : memref<128xi32, #tpu.memory_space<vmem>>) semaphore(%arg13 : memref<!tpu.dma_semaphore, #tpu.memory_space<semaphore_mem>>)
      } else {
      }
      %dma_wait3A_120 = arith.constant 3 : i32
      %dma_wait3A_121 = arith.constant 0 : i32
      %dma_wait3A_122 = arith.constant 0 : i32
      %dma_wait3A_123 = tpu.memref_slice %arg9[%dma_wait3A_120, %dma_wait3A_121, %dma_wait3A_122] : memref<4x128x48xf32, #tpu.memory_space<vmem>> -> memref<1x128x48xf32, #tpu.memory_space<vmem>>
      %dma_wait3A_124 = tpu.memref_squeeze %dma_wait3A_123 : memref<1x128x48xf32, #tpu.memory_space<vmem>> -> memref<128x48xf32, #tpu.memory_space<vmem>>
      %dma_wait3A_125 = arith.constant 0 : i32
      %dma_wait3A_126 = tpu.memref_slice %arg7[%add3A_112, %dma_wait3A_125] : memref<80x128xi32, #tpu.memory_space<vmem>> -> memref<1x128xi32, #tpu.memory_space<vmem>>
      %dma_wait3A_127 = tpu.memref_squeeze %dma_wait3A_126 : memref<1x128xi32, #tpu.memory_space<vmem>> -> memref<128xi32, #tpu.memory_space<vmem>>
      %dma_wait3A_128 = arith.constant 0 : i32
      %dma_wait3A_129 = arith.constant 0 : i32
      %dma_wait3A_130 = tpu.memref_slice %arg2[%dma_wait3A_128, %dma_wait3A_129] : memref<10240x48xf32, #tpu.memory_space<hbm>> -> memref<10240x48xf32, #tpu.memory_space<hbm>>
      tpu.wait_indirect_dma semaphore(%arg14 : memref<!tpu.dma_semaphore, #tpu.memory_space<semaphore_mem>>) src(%dma_wait3A_130 : memref<10240x48xf32, #tpu.memory_space<hbm>>) dst(%dma_wait3A_124 : memref<128x48xf32, #tpu.memory_space<vmem>>)
      %run_scoped3A_131 = arith.constant 3 : i32
      "tpu.region"() ({
        %run_scoped3A_132 = tpu.sem_alloc : memref<!tpu.dma_semaphore, #tpu.memory_space<semaphore_mem>>
        %dma_start3A_133 = arith.constant 0 : i32
        %dma_start3A_134 = arith.constant 0 : i32
        %dma_start3A_135 = tpu.memref_slice %arg9[%run_scoped3A_131, %dma_start3A_133, %dma_start3A_134] : memref<4x128x48xf32, #tpu.memory_space<vmem>> -> memref<1x128x48xf32, #tpu.memory_space<vmem>>
        %dma_start3A_136 = tpu.memref_squeeze %dma_start3A_135 : memref<1x128x48xf32, #tpu.memory_space<vmem>> -> memref<128x48xf32, #tpu.memory_space<vmem>>
        %dma_start3A_137 = arith.constant 0 : i32
        %dma_start3A_138 = tpu.memref_slice %arg8[%add3A_112, %dma_start3A_137] : memref<80x128xi32, #tpu.memory_space<vmem>> -> memref<1x128xi32, #tpu.memory_space<vmem>>
        %dma_start3A_139 = tpu.memref_squeeze %dma_start3A_138 : memref<1x128xi32, #tpu.memory_space<vmem>> -> memref<128xi32, #tpu.memory_space<vmem>>
        %dma_start3A_140 = arith.constant 0 : i32
        %dma_start3A_141 = arith.constant 0 : i32
        %dma_start3A_142 = tpu.memref_slice %arg10[%dma_start3A_140, %dma_start3A_141] : memref<10240x48xf32, #tpu.memory_space<vmem_shared>> -> memref<10240x48xf32, #tpu.memory_space<vmem_shared>>
        tpu.enqueue_indirect_dma source(%dma_start3A_136 : memref<128x48xf32, #tpu.memory_space<vmem>>) target(%dma_start3A_142 : memref<10240x48xf32, #tpu.memory_space<vmem_shared>>) offsets(%dma_start3A_139 : memref<128xi32, #tpu.memory_space<vmem>>) semaphore(%run_scoped3A_132 : memref<!tpu.dma_semaphore, #tpu.memory_space<semaphore_mem>>) {add = true}
        %dma_wait3A_143 = arith.constant 0 : i32
        %dma_wait3A_144 = arith.constant 0 : i32
        %dma_wait3A_145 = tpu.memref_slice %arg9[%run_scoped3A_131, %dma_wait3A_143, %dma_wait3A_144] : memref<4x128x48xf32, #tpu.memory_space<vmem>> -> memref<1x128x48xf32, #tpu.memory_space<vmem>>
        %dma_wait3A_146 = tpu.memref_squeeze %dma_wait3A_145 : memref<1x128x48xf32, #tpu.memory_space<vmem>> -> memref<128x48xf32, #tpu.memory_space<vmem>>
        %dma_wait3A_147 = arith.constant 0 : i32
        %dma_wait3A_148 = tpu.memref_slice %arg8[%add3A_112, %dma_wait3A_147] : memref<80x128xi32, #tpu.memory_space<vmem>> -> memref<1x128xi32, #tpu.memory_space<vmem>>
        %dma_wait3A_149 = tpu.memref_squeeze %dma_wait3A_148 : memref<1x128xi32, #tpu.memory_space<vmem>> -> memref<128xi32, #tpu.memory_space<vmem>>
        %dma_wait3A_150 = arith.constant 0 : i32
        %dma_wait3A_151 = arith.constant 0 : i32
        %dma_wait3A_152 = tpu.memref_slice %arg10[%dma_wait3A_150, %dma_wait3A_151] : memref<10240x48xf32, #tpu.memory_space<vmem_shared>> -> memref<10240x48xf32, #tpu.memory_space<vmem_shared>>
        tpu.wait_indirect_dma semaphore(%run_scoped3A_132 : memref<!tpu.dma_semaphore, #tpu.memory_space<semaphore_mem>>) src(%dma_wait3A_146 : memref<128x48xf32, #tpu.memory_space<vmem>>) dst(%dma_wait3A_152 : memref<10240x48xf32, #tpu.memory_space<vmem_shared>>)
        tpu.yield
      }) : () -> ()
    }
    %scan3A_42 = arith.constant 20 : i32
    %barrier3A_43 = arith.constant 0 : index
    tpu.barrier barrier_id(%barrier3A_43)
    %mul3A_44 = arith.constant 640 : i32
    %mul3A_45 = arith.muli %arg1, %mul3A_44 : i32
    %mul3A_46 = arith.constant 640 : i32
    %mul3A_47 = arith.muli %arg1, %mul3A_46 : i32
    %mul3A_48 = arith.constant 48 : i32
    %mul3A_49 = arith.muli %arg0, %mul3A_48 : i32
    "tpu.region"() ({
      %run_scoped3A = tpu.sem_alloc : memref<!tpu.dma_semaphore, #tpu.memory_space<semaphore_mem>>
      %dma_start3A_50 = tpu.memref_slice %arg6[%mul3A_47, %mul3A_49] : memref<10240x128xf32, #tpu.memory_space<hbm>> -> memref<640x48xf32, #tpu.memory_space<hbm>>
      %dma_start3A_51 = arith.constant 0 : i32
      %dma_start3A_52 = tpu.memref_slice %arg10[%mul3A_45, %dma_start3A_51] : memref<10240x48xf32, #tpu.memory_space<vmem_shared>> -> memref<640x48xf32, #tpu.memory_space<vmem_shared>>
      tpu.enqueue_dma source(%dma_start3A_52 : memref<640x48xf32, #tpu.memory_space<vmem_shared>>) target(%dma_start3A_50 : memref<640x48xf32, #tpu.memory_space<hbm>>) target_semaphore(%run_scoped3A : memref<!tpu.dma_semaphore, #tpu.memory_space<semaphore_mem>>)
      %dma_wait3A = tpu.memref_slice %arg6[%mul3A_47, %mul3A_49] : memref<10240x128xf32, #tpu.memory_space<hbm>> -> memref<640x48xf32, #tpu.memory_space<hbm>>
      %dma_wait3A_53 = arith.constant 0 : i32
      %dma_wait3A_54 = tpu.memref_slice %arg10[%mul3A_45, %dma_wait3A_53] : memref<10240x48xf32, #tpu.memory_space<vmem_shared>> -> memref<640x48xf32, #tpu.memory_space<vmem_shared>>
      tpu.wait_dma2 semaphore(%run_scoped3A : memref<!tpu.dma_semaphore, #tpu.memory_space<semaphore_mem>>) src(%dma_wait3A_54 : memref<640x48xf32, #tpu.memory_space<vmem_shared>>) dst(%dma_wait3A : memref<640x48xf32, #tpu.memory_space<hbm>>)
      tpu.yield
    }) : () -> ()
    return
  }
}

module attributes {stable_mosaic.version = 14 : i64} {
  func.func @body(%arg0: i32, %arg1: memref<1024x128xf32, #tpu.memory_space<vmem>>, %arg2: memref<128x64xf32, #tpu.memory_space<vmem>>, %arg3: memref<2x1024xf32, #tpu.memory_space<vmem>>, %arg4: memref<1024x64xf32, #tpu.memory_space<vmem>>, %arg5: memref<1024x64xf32, #tpu.memory_space<vmem>>, %arg6: memref<1024xf32, #tpu.memory_space<vmem>>, %arg7: memref<1024xf32, #tpu.memory_space<vmem>>) attributes {dimension_semantics = [#tpu.dimension_semantics<arbitrary>], iteration_bounds = array<i64: 10>, scalar_prefetch = 0 : i64, scratch_operands = 0 : i64, tpu.core_type = #tpu.core_type<tc>, window_params = [{transform_indices = @transform_0, window_bounds = array<i64: 1024, 128>}, {pipeline_mode = #tpu.pipeline_mode<synchronous>, transform_indices = @transform_1, window_bounds = array<i64: 128, 64>}, {transform_indices = @transform_2, window_bounds = array<i64: 2, 1024>}, {transform_indices = @transform_3, window_bounds = array<i64: 1024, 64>}, {transform_indices = @transform_4, window_bounds = array<i64: 1024, 64>}, {transform_indices = @transform_5, window_bounds = array<i64: 1024>}, {transform_indices = @transform_6, window_bounds = array<i64: 1024>}]} {
    %get3A = arith.constant 0 : index
    %get3A_0 = arith.constant 0 : index
    %get3A_1 = vector.load %arg3[%get3A, %get3A_0] : memref<2x1024xf32, #tpu.memory_space<vmem>>, vector<1x1024xf32>
    %get3A_2 = vector.shape_cast %get3A_1 : vector<1x1024xf32> to vector<1024xf32>
    %get3A_3 = arith.constant 1 : index
    %get3A_4 = arith.constant 0 : index
    %get3A_5 = vector.load %arg3[%get3A_3, %get3A_4] : memref<2x1024xf32, #tpu.memory_space<vmem>>, vector<1x1024xf32>
    %get3A_6 = vector.shape_cast %get3A_5 : vector<1x1024xf32> to vector<1024xf32>
    %add3A = arith.addf %get3A_2, %get3A_6 : vector<1024xf32>
    %add3A_7 = arith.constant 1.000000e+00 : f32
    %add3A_8 = vector.broadcast %add3A_7 : f32 to vector<1024xf32>
    %add3A_9 = arith.addf %add3A, %add3A_8 : vector<1024xf32>
    %broadcast_in_dim3A = vector.shape_cast %add3A_9 : vector<1024xf32> to vector<1024x1xf32>
    %rsqrt3A = math.rsqrt %broadcast_in_dim3A : vector<1024x1xf32>
    %div3A = arith.constant 1.000000e+00 : f32
    %div3A_10 = vector.broadcast %div3A : f32 to vector<1024x1xf32>
    %div3A_11 = arith.divf %div3A_10, %broadcast_in_dim3A : vector<1024x1xf32>
    %get3A_12 = arith.constant 0 : index
    %get3A_13 = arith.constant 0 : index
    %get3A_14 = vector.load %arg1[%get3A_12, %get3A_13] : memref<1024x128xf32, #tpu.memory_space<vmem>>, vector<1024x128xf32>
    %get3A_15 = arith.constant 0 : index
    %get3A_16 = arith.constant 0 : index
    %get3A_17 = vector.load %arg2[%get3A_15, %get3A_16] : memref<128x64xf32, #tpu.memory_space<vmem>>, vector<128x64xf32>
    %dot_general3A = arith.constant dense<0.000000e+00> : vector<1024x64xf32>
    %dot_general3A_18 = tpu.matmul %get3A_14, %get3A_17, %dot_general3A {dimension_numbers = #tpu.dot_dimension_numbers<[1], [0], [0], [1], [0, 0, 1, 1], [], []>, transpose_lhs_hint = false} : vector<1024x128xf32>, vector<128x64xf32>, vector<1024x64xf32> -> vector<1024x64xf32>
    %swap3A = arith.constant 0 : index
    %swap3A_19 = arith.constant 0 : index
    %swap3A_20 = vector.load %arg4[%swap3A, %swap3A_19] : memref<1024x64xf32, #tpu.memory_space<vmem>>, vector<1024x64xf32>
    tpu.vector_store %arg4[%swap3A, %swap3A_19], %dot_general3A_18 {strides = array<i32>} : memref<1024x64xf32, #tpu.memory_space<vmem>>, vector<1024x64xf32>,
    %mul3A = vector.broadcast %rsqrt3A : vector<1024x1xf32> to vector<1024x64xf32>
    %mul3A_21 = arith.mulf %dot_general3A_18, %mul3A : vector<1024x64xf32>
    %swap3A_22 = arith.constant 0 : index
    %swap3A_23 = arith.constant 0 : index
    %swap3A_24 = vector.load %arg5[%swap3A_22, %swap3A_23] : memref<1024x64xf32, #tpu.memory_space<vmem>>, vector<1024x64xf32>
    tpu.vector_store %arg5[%swap3A_22, %swap3A_23], %mul3A_21 {strides = array<i32>} : memref<1024x64xf32, #tpu.memory_space<vmem>>, vector<1024x64xf32>,
    %squeeze3A = vector.shape_cast %rsqrt3A : vector<1024x1xf32> to vector<1024xf32>
    %swap3A_25 = arith.constant 0 : index
    %swap3A_26 = vector.load %arg6[%swap3A_25] : memref<1024xf32, #tpu.memory_space<vmem>>, vector<1024xf32>
    tpu.vector_store %arg6[%swap3A_25], %squeeze3A {strides = array<i32>} : memref<1024xf32, #tpu.memory_space<vmem>>, vector<1024xf32>,
    %squeeze3A_27 = vector.shape_cast %div3A_11 : vector<1024x1xf32> to vector<1024xf32>
    %swap3A_28 = arith.constant 0 : index
    %swap3A_29 = vector.load %arg7[%swap3A_28] : memref<1024xf32, #tpu.memory_space<vmem>>, vector<1024xf32>
    tpu.vector_store %arg7[%swap3A_28], %squeeze3A_27 {strides = array<i32>} : memref<1024xf32, #tpu.memory_space<vmem>>, vector<1024xf32>,
    return
  }
  func.func @transform_0(%arg0: i32) -> (i32, i32) {
    %c0_i32 = arith.constant 0 : i32
    %c0_i32_0 = arith.constant 0 : i32
    return %arg0, %c0_i32 : i32, i32
  }
  func.func @transform_1(%arg0: i32) -> (i32, i32) {
    %c0_i32 = arith.constant 0 : i32
    %c0_i32_0 = arith.constant 0 : i32
    %c0_i32_1 = arith.constant 0 : i32
    return %c0_i32, %c0_i32_0 : i32, i32
  }
  func.func @transform_2(%arg0: i32) -> (i32, i32) {
    %c0_i32 = arith.constant 0 : i32
    %c0_i32_0 = arith.constant 0 : i32
    return %c0_i32, %arg0 : i32, i32
  }
  func.func @transform_3(%arg0: i32) -> (i32, i32) {
    %c0_i32 = arith.constant 0 : i32
    %c0_i32_0 = arith.constant 0 : i32
    return %arg0, %c0_i32 : i32, i32
  }
  func.func @transform_4(%arg0: i32) -> (i32, i32) {
    %c0_i32 = arith.constant 0 : i32
    %c0_i32_0 = arith.constant 0 : i32
    return %arg0, %c0_i32 : i32, i32
  }
  func.func @transform_5(%arg0: i32) -> i32 {
    %c0_i32 = arith.constant 0 : i32
    return %arg0 : i32
  }
  func.func @transform_6(%arg0: i32) -> i32 {
    %c0_i32 = arith.constant 0 : i32
    return %arg0 : i32
  }
}

module attributes {stable_mosaic.version = 14 : i64} {
  func.func @body(%arg0: i32, %arg1: memref<1024x128xf32, #tpu.memory_space<vmem>>, %arg2: memref<1024x64xf32, #tpu.memory_space<vmem>>, %arg3: memref<1024xf32, #tpu.memory_space<vmem>>, %arg4: memref<1024xf32, #tpu.memory_space<vmem>>, %arg5: memref<1x64xf32, #tpu.memory_space<vmem>>, %arg6: memref<64x48xf32, #tpu.memory_space<vmem>>, %arg7: memref<1024x48xf32, #tpu.memory_space<vmem>>, %arg8: memref<1024x48xf32, #tpu.memory_space<vmem>>) attributes {dimension_semantics = [#tpu.dimension_semantics<arbitrary>], iteration_bounds = array<i64: 10>, scalar_prefetch = 0 : i64, scratch_operands = 0 : i64, tpu.core_type = #tpu.core_type<tc>, window_params = [{transform_indices = @transform_0, window_bounds = array<i64: 1024, 128>}, {transform_indices = @transform_1, window_bounds = array<i64: 1024, 64>}, {transform_indices = @transform_2, window_bounds = array<i64: 1024>}, {transform_indices = @transform_3, window_bounds = array<i64: 1024>}, {pipeline_mode = #tpu.pipeline_mode<synchronous>, transform_indices = @transform_4, window_bounds = array<i64: 1, 64>}, {pipeline_mode = #tpu.pipeline_mode<synchronous>, transform_indices = @transform_5, window_bounds = array<i64: 64, 48>}, {transform_indices = @transform_6, window_bounds = array<i64: 1024, 48>}, {transform_indices = @transform_7, window_bounds = array<i64: 1024, 48>}]} {
    %get3A = arith.constant 0 : index
    %get3A_0 = vector.load %arg3[%get3A] : memref<1024xf32, #tpu.memory_space<vmem>>, vector<1024xf32>
    %broadcast_in_dim3A = vector.shape_cast %get3A_0 : vector<1024xf32> to vector<1024x1xf32>
    %get3A_1 = arith.constant 0 : index
    %get3A_2 = arith.constant 0 : index
    %get3A_3 = vector.load %arg1[%get3A_1, %get3A_2] : memref<1024x128xf32, #tpu.memory_space<vmem>>, vector<1024x64xf32>
    %get3A_4 = arith.constant 0 : index
    %get3A_5 = arith.constant 64 : index
    %get3A_6 = vector.load %arg1[%get3A_4, %get3A_5] : memref<1024x128xf32, #tpu.memory_space<vmem>>, vector<1024x64xf32>
    %add3A = arith.addf %get3A_3, %get3A_6 : vector<1024x64xf32>
    %mul3A = vector.broadcast %broadcast_in_dim3A : vector<1024x1xf32> to vector<1024x64xf32>
    %mul3A_7 = arith.mulf %add3A, %mul3A : vector<1024x64xf32>
    %get3A_8 = arith.constant 0 : index
    %get3A_9 = arith.constant 0 : index
    %get3A_10 = vector.load %arg2[%get3A_8, %get3A_9] : memref<1024x64xf32, #tpu.memory_space<vmem>>, vector<1024x64xf32>
    %get3A_11 = arith.constant 0 : index
    %get3A_12 = vector.load %arg4[%get3A_11] : memref<1024xf32, #tpu.memory_space<vmem>>, vector<1024xf32>
    %broadcast_in_dim3A_13 = vector.shape_cast %get3A_12 : vector<1024xf32> to vector<1024x1xf32>
    %mul3A_14 = vector.broadcast %broadcast_in_dim3A_13 : vector<1024x1xf32> to vector<1024x64xf32>
    %mul3A_15 = arith.mulf %get3A_10, %mul3A_14 : vector<1024x64xf32>
    %add3A_16 = arith.addf %mul3A_7, %mul3A_15 : vector<1024x64xf32>
    %get3A_17 = arith.constant 0 : index
    %get3A_18 = arith.constant 0 : index
    %get3A_19 = vector.load %arg5[%get3A_17, %get3A_18] : memref<1x64xf32, #tpu.memory_space<vmem>>, vector<1x64xf32>
    %add3A_20 = vector.broadcast %get3A_19 : vector<1x64xf32> to vector<1024x64xf32>
    %add3A_21 = arith.addf %add3A_16, %add3A_20 : vector<1024x64xf32>
    %max3A = arith.constant 0.000000e+00 : f32
    %max3A_22 = vector.broadcast %max3A : f32 to vector<1024x64xf32>
    %max3A_23 = arith.maximumf %add3A_21, %max3A_22 : vector<1024x64xf32>
    %get3A_24 = arith.constant 0 : index
    %get3A_25 = arith.constant 0 : index
    %get3A_26 = vector.load %arg6[%get3A_24, %get3A_25] : memref<64x48xf32, #tpu.memory_space<vmem>>, vector<64x48xf32>
    %dot_general3A = arith.constant dense<0.000000e+00> : vector<1024x48xf32>
    %dot_general3A_27 = tpu.matmul %max3A_23, %get3A_26, %dot_general3A {dimension_numbers = #tpu.dot_dimension_numbers<[1], [0], [0], [1], [0, 0, 1, 1], [], []>, transpose_lhs_hint = false} : vector<1024x64xf32>, vector<64x48xf32>, vector<1024x48xf32> -> vector<1024x48xf32>
    %swap3A = arith.constant 0 : index
    %swap3A_28 = arith.constant 0 : index
    %swap3A_29 = vector.load %arg7[%swap3A, %swap3A_28] : memref<1024x48xf32, #tpu.memory_space<vmem>>, vector<1024x48xf32>
    tpu.vector_store %arg7[%swap3A, %swap3A_28], %dot_general3A_27 {strides = array<i32>} : memref<1024x48xf32, #tpu.memory_space<vmem>>, vector<1024x48xf32>,
    %mul3A_30 = vector.broadcast %broadcast_in_dim3A : vector<1024x1xf32> to vector<1024x48xf32>
    %mul3A_31 = arith.mulf %dot_general3A_27, %mul3A_30 : vector<1024x48xf32>
    %swap3A_32 = arith.constant 0 : index
    %swap3A_33 = arith.constant 0 : index
    %swap3A_34 = vector.load %arg8[%swap3A_32, %swap3A_33] : memref<1024x48xf32, #tpu.memory_space<vmem>>, vector<1024x48xf32>
    tpu.vector_store %arg8[%swap3A_32, %swap3A_33], %mul3A_31 {strides = array<i32>} : memref<1024x48xf32, #tpu.memory_space<vmem>>, vector<1024x48xf32>,
    return
  }
  func.func @transform_0(%arg0: i32) -> (i32, i32) {
    %c0_i32 = arith.constant 0 : i32
    %c0_i32_0 = arith.constant 0 : i32
    return %arg0, %c0_i32 : i32, i32
  }
  func.func @transform_1(%arg0: i32) -> (i32, i32) {
    %c0_i32 = arith.constant 0 : i32
    %c0_i32_0 = arith.constant 0 : i32
    return %arg0, %c0_i32 : i32, i32
  }
  func.func @transform_2(%arg0: i32) -> i32 {
    %c0_i32 = arith.constant 0 : i32
    return %arg0 : i32
  }
  func.func @transform_3(%arg0: i32) -> i32 {
    %c0_i32 = arith.constant 0 : i32
    return %arg0 : i32
  }
  func.func @transform_4(%arg0: i32) -> (i32, i32) {
    %c0_i32 = arith.constant 0 : i32
    %c0_i32_0 = arith.constant 0 : i32
    %c0_i32_1 = arith.constant 0 : i32
    return %c0_i32, %c0_i32_0 : i32, i32
  }
  func.func @transform_5(%arg0: i32) -> (i32, i32) {
    %c0_i32 = arith.constant 0 : i32
    %c0_i32_0 = arith.constant 0 : i32
    %c0_i32_1 = arith.constant 0 : i32
    return %c0_i32, %c0_i32_0 : i32, i32
  }
  func.func @transform_6(%arg0: i32) -> (i32, i32) {
    %c0_i32 = arith.constant 0 : i32
    %c0_i32_0 = arith.constant 0 : i32
    return %arg0, %c0_i32 : i32, i32
  }
  func.func @transform_7(%arg0: i32) -> (i32, i32) {
    %c0_i32 = arith.constant 0 : i32
    %c0_i32_0 = arith.constant 0 : i32
    return %arg0, %c0_i32 : i32, i32
  }
}

module attributes {stable_mosaic.version = 14 : i64} {
  func.func @body(%arg0: i32, %arg1: memref<1024x128xf32, #tpu.memory_space<vmem>>, %arg2: memref<1024x48xf32, #tpu.memory_space<vmem>>, %arg3: memref<1024xf32, #tpu.memory_space<vmem>>, %arg4: memref<1024xf32, #tpu.memory_space<vmem>>, %arg5: memref<1x48xf32, #tpu.memory_space<vmem>>, %arg6: memref<1024x40xf32, #tpu.memory_space<vmem>>) attributes {dimension_semantics = [#tpu.dimension_semantics<arbitrary>], iteration_bounds = array<i64: 10>, scalar_prefetch = 0 : i64, scratch_operands = 0 : i64, tpu.core_type = #tpu.core_type<tc>, window_params = [{transform_indices = @transform_0, window_bounds = array<i64: 1024, 128>}, {transform_indices = @transform_1, window_bounds = array<i64: 1024, 48>}, {transform_indices = @transform_2, window_bounds = array<i64: 1024>}, {transform_indices = @transform_3, window_bounds = array<i64: 1024>}, {pipeline_mode = #tpu.pipeline_mode<synchronous>, transform_indices = @transform_4, window_bounds = array<i64: 1, 48>}, {transform_indices = @transform_5, window_bounds = array<i64: 1024, 40>}]} {
    %get3A = arith.constant 0 : index
    %get3A_0 = arith.constant 0 : index
    %get3A_1 = vector.load %arg1[%get3A, %get3A_0] : memref<1024x128xf32, #tpu.memory_space<vmem>>, vector<1024x48xf32>
    %get3A_2 = arith.constant 0 : index
    %get3A_3 = arith.constant 48 : index
    %get3A_4 = vector.load %arg1[%get3A_2, %get3A_3] : memref<1024x128xf32, #tpu.memory_space<vmem>>, vector<1024x48xf32>
    %add3A = arith.addf %get3A_1, %get3A_4 : vector<1024x48xf32>
    %get3A_5 = arith.constant 0 : index
    %get3A_6 = vector.load %arg3[%get3A_5] : memref<1024xf32, #tpu.memory_space<vmem>>, vector<1024xf32>
    %broadcast_in_dim3A = vector.shape_cast %get3A_6 : vector<1024xf32> to vector<1024x1xf32>
    %mul3A = vector.broadcast %broadcast_in_dim3A : vector<1024x1xf32> to vector<1024x48xf32>
    %mul3A_7 = arith.mulf %add3A, %mul3A : vector<1024x48xf32>
    %get3A_8 = arith.constant 0 : index
    %get3A_9 = arith.constant 0 : index
    %get3A_10 = vector.load %arg2[%get3A_8, %get3A_9] : memref<1024x48xf32, #tpu.memory_space<vmem>>, vector<1024x48xf32>
    %get3A_11 = arith.constant 0 : index
    %get3A_12 = vector.load %arg4[%get3A_11] : memref<1024xf32, #tpu.memory_space<vmem>>, vector<1024xf32>
    %broadcast_in_dim3A_13 = vector.shape_cast %get3A_12 : vector<1024xf32> to vector<1024x1xf32>
    %mul3A_14 = vector.broadcast %broadcast_in_dim3A_13 : vector<1024x1xf32> to vector<1024x48xf32>
    %mul3A_15 = arith.mulf %get3A_10, %mul3A_14 : vector<1024x48xf32>
    %add3A_16 = arith.addf %mul3A_7, %mul3A_15 : vector<1024x48xf32>
    %get3A_17 = arith.constant 0 : index
    %get3A_18 = arith.constant 0 : index
    %get3A_19 = vector.load %arg5[%get3A_17, %get3A_18] : memref<1x48xf32, #tpu.memory_space<vmem>>, vector<1x48xf32>
    %add3A_20 = vector.broadcast %get3A_19 : vector<1x48xf32> to vector<1024x48xf32>
    %add3A_21 = arith.addf %add3A_16, %add3A_20 : vector<1024x48xf32>
    %max3A = arith.constant 0.000000e+00 : f32
    %max3A_22 = vector.broadcast %max3A : f32 to vector<1024x48xf32>
    %max3A_23 = arith.maximumf %add3A_21, %max3A_22 : vector<1024x48xf32>
    %slice3A = vector.extract_strided_slice %max3A_23 {offsets = [0, 0], sizes = [1024, 40], strides = [1, 1]} : vector<1024x48xf32> to vector<1024x40xf32>
    %swap3A = arith.constant 0 : index
    %swap3A_24 = arith.constant 0 : index
    %swap3A_25 = vector.load %arg6[%swap3A, %swap3A_24] : memref<1024x40xf32, #tpu.memory_space<vmem>>, vector<1024x40xf32>
    tpu.vector_store %arg6[%swap3A, %swap3A_24], %slice3A {strides = array<i32>} : memref<1024x40xf32, #tpu.memory_space<vmem>>, vector<1024x40xf32>,
    return
  }
  func.func @transform_0(%arg0: i32) -> (i32, i32) {
    %c0_i32 = arith.constant 0 : i32
    %c0_i32_0 = arith.constant 0 : i32
    return %arg0, %c0_i32 : i32, i32
  }
  func.func @transform_1(%arg0: i32) -> (i32, i32) {
    %c0_i32 = arith.constant 0 : i32
    %c0_i32_0 = arith.constant 0 : i32
    return %arg0, %c0_i32 : i32, i32
  }
  func.func @transform_2(%arg0: i32) -> i32 {
    %c0_i32 = arith.constant 0 : i32
    return %arg0 : i32
  }
  func.func @transform_3(%arg0: i32) -> i32 {
    %c0_i32 = arith.constant 0 : i32
    return %arg0 : i32
  }
  func.func @transform_4(%arg0: i32) -> (i32, i32) {
    %c0_i32 = arith.constant 0 : i32
    %c0_i32_0 = arith.constant 0 : i32
    %c0_i32_1 = arith.constant 0 : i32
    return %c0_i32, %c0_i32_0 : i32, i32
  }
  func.func @transform_5(%arg0: i32) -> (i32, i32) {
    %c0_i32 = arith.constant 0 : i32
    %c0_i32_0 = arith.constant 0 : i32
    return %arg0, %c0_i32 : i32, i32
  }
}

</mosaic_0001>

<sc_bundles>
// kernel: kernel.11.cloned.1.call-start
scs
__scs_entry_jumppad:
0x0: {  	(pc) =	sbr.rel $0x88, $3  }
0x1: {  	(tag) =	ssettag $0x0;
	lr =	simm.s32 $0x1  }
0x2: {  	[smem:$0x3F9B] =	sst lr;
	_ =	strace $0xD0000000  }
0x3: {  	_ = 	snop  }
0x4: {  	_ = 	snop  }
0x5: {  	_ = 	snop  }
0x6: {  	_ = 	snop  }
0x7: {  	_ = 	snop  }
__scs_overlays_trampoline_lowered:
0x8: {  	[smem:$0x3FAA] =	sst s0  }
0x9: {  	[smem:$0x3FAB] =	sst s1  }
0xa: {  	[smem:$0x3FAC] =	sst s2  }
0xb: {  	[smem:$0x3FAD] =	sst s3  }
0xc: {  	[smem:$0x3FAE] =	sst s4  }
0xd: {  	[smem:$0x3FAF] =	sst s5  }
0xe: {  	[smem:$0x3FB0] =	sst s6  }
0xf: {  	[smem:$0x3FB1] =	sst s7  }
0x10: {  	[smem:$0x3FB2] =	sst s8  }
0x11: {  	[smem:$0x3FB3] =	sst s9;
	s0 =	simm.s32 @!p0 $0x0  }
0x12: {  	s1 =	sld [smem:$0x3F99];
	s0 =	simm.s32 @p0 $0x1  }
0x13: {  	[smem:$0x3FB4] =	sst s0;
	s0 =	simm.s32 @!p1 $0x0  }
0x14: {  	s2 =	sld [smem:$0x3F98];
	s0 =	simm.s32 @p1 $0x1  }
0x15: {  	[smem:$0x3FB5] =	sst s0;
	s0 =	simm.s32 @!p2 $0x0  }
0x16: {  	s3 =	sld [smem:$0x3FDB];
	s0 =	simm.s32 @p2 $0x1  }
0x17: {  	s4 =	simm.s32 $0x1BF5;
	[smem:$0x3FB7] =	sst s0  }
0x18: {  	s0 =	sld [smem:$0x3F9A];
	_ =	swait.ge [sflag:s4], $0x0  }
0x19: {  	s7 =	sld [smem:$0x3F9B]  }
0x1a: {  	s8 =	sadd.s32 $0xFFFFE003, lr  }
0x1b: {  	s9 =	sadd.s32 $0xFFFFFEF7, lr;
	s5 =	simm.s32 $0xFFFFFFFF;
	p2 =	slt.u32 s8, $0xFFFFF086  }
0x1c: {  	p1 =	slt.u32 s9, $0xF7A;
	s5 =	simm.s32 @!p2 $0x0  }
0x1d: {  	s5 =	simm.s32 @p1 $0x1;
	p0 =	seq.s32 s7, s2  }
0x1e: {  	s7 =	smul.u32 @!p0 $0xF7A, s2;
	p2 =	seq.s32 @!p0 s5, $0x0  }
0x1f: {  	s9 =	smul.u32 $0xF7A, s1;
	s8 =	simm.s32 @!p0 $0x1BF5;
	p2 =	por !p2, p0  }
0x20: {  	[sflag:s8] =	ssyncset.s32 @!p0 $0xFFFFF086;
	s6 =	sadd.s32 @!p0 s3, s7;
	s7 =	simm.s32 @!p0 $0x108  }
0x21: {  	s3 =	sadd.s32 s3, s9;
	s6 =	sadd.s32 @!p0 $0x88, s6;
	s7 =	simm.s32 @p2 $0x1082  }
0x22: {  	[simem:s7], [sflag:s8] =	dma.local @!p0 [hbm:s6], $0xF7A  }
0x23: {  	s9 =	sor.u32 $0xD0000000, s2;
	s6 =	simm.s32 $0x108;
	_ =	swait.ge @!p0 [sflag:s8], $0x0  }
0x24: {  	s3 =	sadd.s32 $0x88, s3;
	s6 =	simm.s32 @!p1 $0x1082;
	[sflag:s4] =	ssyncset.s32 $0xFFFFF086  }
0x25: {  	[simem:s6], [sflag:s4] =	dma.local [hbm:s3], $0xF7A  }
0x26: {  	[smem:$0x3F9B] =	sst s1;
	(tag) =	ssettag s2;
	_ =	strace s9  }
0x27: {  	s1 =	sld [smem:$0x3FAB]  }
0x28: {  	s2 =	sld [smem:$0x3FAC]  }
0x29: {  	s4 =	sld [smem:$0x3FAE]  }
0x2a: {  	p0 =	seq.s32 s5, $0x0;
	s5 =	sld [smem:$0x3FAF]  }
0x2b: {  	s6 =	sld [smem:$0x3FB0]  }
0x2c: {  	s7 =	sld [smem:$0x3FB1]  }
0x2d: {  	s3 =	simm.s32 $0x108;
	s8 =	sld [smem:$0x3FB2]  }
0x2e: {  	s3 =	simm.s32 @!p0 $0x1082;
	s9 =	sld [smem:$0x3FB3]  }
0x2f: {  	lr =	sadd.s32 s0, s3;
	s0 =	sld [smem:$0x3FAA]  }
0x30: {  	s3 =	sld [smem:$0x3FAD]  }
0x31: {  	[smem:$0x3FB6] =	sst s10  }
0x32: {  	s10 =	sld [smem:$0x3FB4];
	_ =	sdelay $0x3  }
0x33: {  	p0 =	seq.s32 s10, $0x1;
	s10 =	sld [smem:$0x3FB6];
	_ =	sdelay $0x3  }
0x34: {  	[smem:$0x3FB6] =	sst s10  }
0x35: {  	s10 =	sld [smem:$0x3FB5];
	_ =	sdelay $0x3  }
0x36: {  	p1 =	seq.s32 s10, $0x1;
	s10 =	sld [smem:$0x3FB6];
	_ =	sdelay $0x3  }
0x37: {  	[smem:$0x3FB6] =	sst s10  }
0x38: {  	s10 =	sld [smem:$0x3FB7]  }
0x39: {  	_ = 	snop;
	(pc) =	sbr.ind lr, $3  }
0x3a: {  	_ = 	snop  }
0x3b: {  	_ = 	snop  }
0x3c: {  	p2 =	seq.s32 s10, $0x1;
	s10 =	sld [smem:$0x3FB6]  }
0x3d: {  	_ =	shalt  }
0x3e: {  	_ =	shalt  }
0x3f: {  	_ =	shalt  }
0x40: {  	_ =	shalt  }
0x41: {  	_ =	shalt  }
0x42: {  	_ =	shalt  }
0x43: {  	_ =	shalt  }
0x44: {  	_ =	shalt  }
0x45: {  	_ =	shalt  }
0x46: {  	_ =	shalt  }
0x47: {  	_ =	shalt  }
0x48: {  	_ =	shalt  }
0x49: {  	_ =	shalt  }
0x4a: {  	_ =	shalt  }
0x4b: {  	_ =	shalt  }
0x4c: {  	_ =	shalt  }
0x4d: {  	_ =	shalt  }
0x4e: {  	_ =	shalt  }
0x4f: {  	_ =	shalt  }
0x50: {  	_ =	shalt  }
0x51: {  	_ =	shalt  }
0x52: {  	_ =	shalt  }
0x53: {  	_ =	shalt  }
0x54: {  	_ =	shalt  }
0x55: {  	_ =	shalt  }
0x56: {  	_ =	shalt  }
0x57: {  	_ =	shalt  }
0x58: {  	_ =	shalt  }
0x59: {  	_ =	shalt  }
0x5a: {  	_ =	shalt  }
0x5b: {  	_ =	shalt  }
0x5c: {  	_ =	shalt  }
0x5d: {  	_ =	shalt  }
0x5e: {  	_ =	shalt  }
0x5f: {  	_ =	shalt  }
0x60: {  	_ =	shalt  }
0x61: {  	_ =	shalt  }
0x62: {  	_ =	shalt  }
0x63: {  	_ =	shalt  }
0x64: {  	_ =	shalt  }
0x65: {  	_ =	shalt  }
0x66: {  	_ =	shalt  }
0x67: {  	_ =	shalt  }
0x68: {  	_ =	shalt  }
0x69: {  	_ =	shalt  }
0x6a: {  	_ =	shalt  }
0x6b: {  	_ =	shalt  }
0x6c: {  	_ =	shalt  }
0x6d: {  	_ =	shalt  }
0x6e: {  	_ =	shalt  }
0x6f: {  	_ =	shalt  }
0x70: {  	_ =	shalt  }
0x71: {  	_ =	shalt  }
0x72: {  	_ =	shalt  }
0x73: {  	_ =	shalt  }
0x74: {  	_ =	shalt  }
0x75: {  	_ =	shalt  }
0x76: {  	_ =	shalt  }
0x77: {  	_ =	shalt  }
0x78: {  	_ =	shalt  }
0x79: {  	_ =	shalt  }
0x7a: {  	_ =	shalt  }
0x7b: {  	_ =	shalt  }
0x7c: {  	_ =	shalt  }
0x7d: {  	_ =	shalt  }
0x7e: {  	_ =	shalt  }
0x7f: {  	_ =	shalt  }
0x80: {  	_ =	shalt  }
0x81: {  	_ =	shalt  }
0x82: {  	_ =	shalt  }
0x83: {  	_ =	shalt  }
0x84: {  	_ =	shalt  }
0x85: {  	_ =	shalt  }
0x86: {  	_ =	shalt  }
0x87: {  	_ =	shalt  }
.Lfunc_end0:
.L_simem_size_0:
called_computation.1_lowered:
.L_overlay_start_0:
0x88: {  	s2 =	sld [smem:$0x3FD9]  }
0x89: {  	s3 =	sld [smem:$0x3FFE];
	_ =	sdelay $0x1  }
0x8a: {  	s1 =	srdreg.scid  }
0x8b: {  	s0 =	sand.u32 $0x1, s1  }
0x8c: {  	s17 =	sshll.u32 s0, $0xA;
	s2 =	sadd.s32 s3, s2  }
0x8d: {  	s2 =	sadd.s32 s2, s17  }
0x8e: {  	[smem:$0x3FC2] =	sst s2  }
0x8f: {  	_ = 	snop  }
0x90: {  	s2 =	sld [smem:$0x3FD0];
	(tm) =	ssettm $0x1  }
0x91: {  	s18 =	sld [smem:$0x3FFB];
	_ =	sdelay $0x3  }
0x92: {  	_ =	strace s18  }
0x93: {  	s3 =	sld [smem:$0x3FFC];
	_ =	sdelay $0x3  }
0x94: {  	_ =	strace s3  }
0x95: {  	s3 =	sld [smem:$0x3FFD];
	_ =	sdelay $0x3  }
0x96: {  	_ =	strace s3  }
0x97: {  	_ =	strace $0x8FFFFFFF  }
0x98: {  	s19 =	sld [smem:$0x3FDB];
	_ =	sdelay $0x1  }
0x99: {  	s4 =	simm.s32 $_scs_section_size  }
0x9a: {  	s5 =	simm.s32 $_size__tile_overlayer_lowered;
	s6 =	simm.s32 $_tile_overlayer_lowered  }
0x9b: {  	s22 =	simm.s32 $0x1BFF;
	s21 =	sshll.u32 s6, $0x1;
	s3 =	sadd.s32 s4, s19  }
0x9c: {  	s7 =	simm.s32 $0x0;
	s20 =	sshll.u32 s5, $0x1;
	s5 =	sadd.s32 s21, s3  }
0x9d: {  	[timem:s7], [sflag:s22] =	dma.local [hbm:s5], s20  }
0x9e: {  	_ =	swait.ge [sflag:s22], s20  }
0x9f: {  	s4 =	ssub.s32 $0x0, s20;
	[sflag:s22] =	ssyncset.done $0x0  }
0xa0: {  	[sflag:s22] =	ssyncadd.s32 s4;
	_ =	sdelay $0x1  }
0xa1: {  	s23 =	simm.s32 $0x1B8B  }
0xa2: {  	_ =	swait.ge [sflag:s23], $0x1  }
0xa3: {  	[sflag:s23] =	ssyncset.done $0x0  }
0xa4: {  	s25 =	simm.s32 $0x1B8E;
	s24 =	sld [smem:$0x3FFE];
	[sflag:s23] =	ssyncadd.s32 $0xFFFFFFFF  }
0xa5: {  	s26 =	simm.s32 $execute0_lowered;
	[smem:$0x3FD2] =	sst s25  }
0xa6: {  	s5 =	sshll.u32 s26, $0x1;
	_ =	strace $0x80000049;
	[dreg:$0x1] =	wrdreg $0xFFFFFFFF  }
0xa7: {  	s28 =	simm.s32 $_size_execute0_lowered;
	s3 =	sadd.s32 s3, s5;
	[dreg:$0x0] =	wrdreg $0x0  }
0xa8: {  	s5 =	sshll.u32 s28, $0x1;
	[dreg:$0x2] =	wrdreg s3  }
0xa9: {  	[dreg:$0x3] =	wrdreg s5  }
0xaa: {  	[dreg:$0x4] =	wrdreg $0xC0  }
0xab: {  	_ =	task [dreg:s7], $0x5FFFF  }
0xac: {  	[dreg:$0x1] =	wrdreg $0xFFFFFFFF  }
0xad: {  	[dreg:$0x0] =	wrdreg $0x60  }
0xae: {  	[dreg:$0x2] =	wrdreg s24  }
0xaf: {  	[dreg:$0x3] =	wrdreg s2  }
0xb0: {  	[dreg:$0x4] =	wrdreg $0xD0000  }
0xb1: {  	[dreg:$0x5] =	wrdreg $0x9  }
0xb2: {  	_ =	task.clear_ibuf [dreg:s7], $0x6FFFF;
	_ =	strace $0x90000049  }
0xb3: {  	s29 =	simm.s32 $0x9;
	_ =	strace $0x8000004B  }
0xb4: {  	_ =	swait.ge [sflag:s29], $0x1  }
0xb5: {  	[sflag:s29] =	ssyncadd.s32 $0xFFFFFFFF  }
0xb6: {  	_ =	strace $0x9000004B  }
0xb7: {  	_ =	sfence  }
0xb8: {  	s30 =	sld [smem:$0x0];
	_ =	sdelay $0x2  }
0xb9: {  	s31 =	sshll.u32 s1, $0xD;
	s1 =	sshrl.u32 s1, $0x2  }
0xba: {  	s3 =	sand.u32 $0x4000, s31;
	s1 =	sadd.s32 s1, s30  }
0xbb: {  	s0 =	sor.u32 s3, s0;
	s1 =	sshll.u32 s1, $0x11  }
0xbc: {  	s0 =	sor.u32 s1, s0  }
0xbd: {  	s0 =	sadd.s32 $0x8F2B, s0  }
0xbe: {  	[sflag:s0] =	ssyncadd.remote.s32 $0x1  }
0xbf: {  	_ =	sfence.sel $0xFFFF  }
0xc0: {  	[dreg:$0x0] =	wrdreg $0xFFFFFFFF;
	(pc) =	sbr.abs _section_cstart, $3  }
0xc1: {  	[dreg:$0x1] =	wrdreg $0xFFFFFFFF  }
0xc2: {  	_ =	task.clear_ibuf [dreg:s7], $0x2FFFF;
	_ =	strace $0x9FFFFFFF  }
0xc3: {  	(tm) =	ssettm $0x7FFFFFFF  }
tec
execute0_lowered:
.L_overlay_start_1:
0x0: {  	(tag) =	ssettag $0x1  }
0x1: {  	s0 =	srdreg.scid;
	s1 =	rddreg [dreg:$0x0]  }
0x2: {  	s7 =	rddreg [dreg:$0x1];
	s12 =	stileid.u32  }
0x3: {  	s2 =	rddreg [dreg:$0x2];
	s14 =	simm.s32 $0x80;
	s15 =	simm.s32 $0x5000  }
0x4: {  	s16 =	simm.s32 $0x7000;
	s18 =	simm.s32 $0x9000;
	s19 =	simm.s32 $0xB000  }
0x5: {  	s20 =	simm.s32 $0x1;
	s21 =	simm.s32 $0x2;
	s22 =	simm.s32 $0x3  }
0x6: {  	s23 =	simm.s32 $0x4;
	s28 =	simm.s32 $0x4F00;
	s29 =	simm.s32 $0x4F80  }
0x7: {  	s30 =	simm.s32 $0x10;
	s31 =	simm.s32 $0x8;
	s5 =	smul.u32 $0x14000, s12  }
0x8: {  	s0 =	sand.u32 $0x1, s0;
	s10 =	smul.u32 $0x28000, s12;
	s26 =	sshll.u32 s12, $0x6  }
0x9: {  	s3 =	sshll.u32 s0, $0x4;
	s6 =	sshll.u32 s0, $0x6;
	s0 =	ssub.s32 $0x2, s0  }
0xa: {  	s4 =	sor.u32 s12, s3;
	s3 =	simm.s32 $0x0;
	s5 =	sor.u32 s6, s5  }
0xb: {  	s24 =	sshrl.u32 s0, $0x1;
	s25 =	sshrl.u32 s10, $0x2;
	s10 =	simm.s32 $0x5  }
0xc: {  	s12 =	sor.u32 $0x1C05, s26;
	s26 =	simm.s32 $0x4E80;
	s8 =	smul.u32 $0x500, s4  }
0xd: {  	[smem:$0x7FF] =	sst s3;
	s4 =	sadd.s32 $0xBE00, s1;
	s6 =	sshrl.u32 s5, $0x3  }
0xe: {  	s5 =	sadd.s32 $0x1FE00, s1;
	s0 =	ssub.s32 s0, s24;
	s11 =	sadd.s32 s25, s2  }
0xf: {  	_ =	strace $0x8000004A;
	s13 =	sshrl.u32 s11, $0x3;
	s9 =	sadd.s32 s8, s1  }
0x10: {  	s1 =	sadd.s32 s6, s1;
	s7 =	sadd.s32 s7, s8;
	s6 =	sadd.s32 $0x1E00, s9  }
0x11: {  	s8 =	sadd.s32 $0x21200, s1;
	s9 =	smax.u32 s0, $0x1;
	s1 =	simm.s32 $0x0  }
.LBB2_1:
0x12: {  	[tilespmem:s3], [sflag:$0x5] =	stream.linear.gather [hbm4b:s6+s3], $0x2800, $0x38;
	[tilespmem:$0x17000] =	vst v63  }
0x13: {  	_ =	swait.ge [sflag:s10], $0x2800  }
0x14: {  	[sflag:s10] =	ssyncset.done $0x0  }
0x15: {  	s0 =	simm.s32 $0x2800;
	[sflag:s10] =	ssyncadd.s32 $0xFFFFD800  }
0x16: {  	[tilespmem:s0], [sflag:$0x5] =	stream.linear.gather [hbm4b:s7+s3], $0x2800, $0x38;
	[tilespmem:$0x17000] =	vst v63  }
0x17: {  	_ =	swait.ge [sflag:s10], $0x2800  }
0x18: {  	[sflag:s10] =	ssyncset.done $0x0  }
0x19: {  	[sflag:s10] =	ssyncadd.s32 $0xFFFFD800  }
0x1a: {  	[spmem:s13], [sflag:s12] =	dma.local [hbm:s5], $0x1400  }
0x1b: {  	_ =	swait.ge [sflag:s10], $0x1400  }
0x1c: {  	[sflag:s10] =	ssyncset.done $0x0  }
0x1d: {  	[sflag:s10] =	ssyncadd.s32 $0xFFFFEC00  }
0x1e: {  	[bflag:$0x0] =	sbarrier.arrive $0xFFFF  }
0x1f: {  	[tilespmem:s15], [sflag:$0x1] =	stream.indirect.gather [hbm4b:s4+s14], $0x40, s3, s14, $0xb8;
	[tilespmem:$0x17000] =	vst v63  }
0x20: {  	_ = 	snop  }
0x21: {  	[tilespmem:s16], [sflag:$0x2] =	stream.indirect.gather [hbm4b:s4+s14], $0x40, s14, s14, $0xb8;
	[tilespmem:$0x17000] =	vst v63  }
0x22: {  	s25 =	simm.s32 $0x100  }
0x23: {  	[tilespmem:s18], [sflag:$0x3] =	stream.indirect.gather [hbm4b:s4+s14], $0x40, s25, s14, $0xb8;
	[tilespmem:$0x17000] =	vst v63  }
0x24: {  	s11 =	simm.s32 $0x180  }
0x25: {  	[tilespmem:s19], [sflag:$0x4] =	stream.indirect.gather [hbm4b:s4+s14], $0x40, s11, s14, $0xb8;
	[tilespmem:$0x17000] =	vst v63  }
0x26: {  	_ =	swait.ge [sflag:s20], $0x2000  }
0x27: {  	[sflag:s20] =	ssyncset.done $0x0  }
0x28: {  	s17 =	simm.s32 $0x2800;
	[sflag:s20] =	ssyncadd.s32 $0xFFFFE000  }
0x29: {  	[spmem:s2] =	stream.indirect.scatter.add.f32 [tilespmem:s15], [sflag:$0x5], $0x40, s17, s14, $0xb8;
	[tilespmem:$0x17000] =	vst v63  }
0x2a: {  	_ =	swait.ge [sflag:s10], $0x2000  }
0x2b: {  	[sflag:s10] =	ssyncset.done $0x0  }
0x2c: {  	s24 =	simm.s32 $0x200;
	[sflag:s10] =	ssyncadd.s32 $0xFFFFE000  }
0x2d: {  	[tilespmem:s15], [sflag:$0x1] =	stream.indirect.gather [hbm4b:s4+s14], $0x40, s24, s14, $0xb8;
	[tilespmem:$0x17000] =	vst v63  }
0x2e: {  	_ =	swait.ge [sflag:s21], $0x2000  }
0x2f: {  	[sflag:s21] =	ssyncset.done $0x0  }
0x30: {  	s25 =	simm.s32 $0x2880;
	[sflag:s21] =	ssyncadd.s32 $0xFFFFE000  }
0x31: {  	[spmem:s2] =	stream.indirect.scatter.add.f32 [tilespmem:s16], [sflag:$0x5], $0x40, s25, s14, $0xb8;
	[tilespmem:$0x17000] =	vst v63  }
0x32: {  	_ =	swait.ge [sflag:s10], $0x2000  }
0x33: {  	[sflag:s10] =	ssyncset.done $0x0  }
0x34: {  	s11 =	simm.s32 $0x280;
	[sflag:s10] =	ssyncadd.s32 $0xFFFFE000  }
0x35: {  	[tilespmem:s16], [sflag:$0x2] =	stream.indirect.gather [hbm4b:s4+s14], $0x40, s11, s14, $0xb8;
	[tilespmem:$0x17000] =	vst v63  }
0x36: {  	_ =	swait.ge [sflag:s22], $0x2000  }
0x37: {  	[sflag:s22] =	ssyncset.done $0x0  }
0x38: {  	s17 =	simm.s32 $0x2900;
	[sflag:s22] =	ssyncadd.s32 $0xFFFFE000  }
0x39: {  	[spmem:s2] =	stream.indirect.scatter.add.f32 [tilespmem:s18], [sflag:$0x5], $0x40, s17, s14, $0xb8;
	[tilespmem:$0x17000] =	vst v63  }
0x3a: {  	_ =	swait.ge [sflag:s10], $0x2000  }
0x3b: {  	[sflag:s10] =	ssyncset.done $0x0  }
0x3c: {  	s24 =	simm.s32 $0x300;
	[sflag:s10] =	ssyncadd.s32 $0xFFFFE000  }
0x3d: {  	[tilespmem:s18], [sflag:$0x3] =	stream.indirect.gather [hbm4b:s4+s14], $0x40, s24, s14, $0xb8;
	[tilespmem:$0x17000] =	vst v63  }
0x3e: {  	_ =	swait.ge [sflag:s23], $0x2000  }
0x3f: {  	[sflag:s23] =	ssyncset.done $0x0  }
0x40: {  	s25 =	simm.s32 $0x2980;
	[sflag:s23] =	ssyncadd.s32 $0xFFFFE000  }
0x41: {  	[spmem:s2] =	stream.indirect.scatter.add.f32 [tilespmem:s19], [sflag:$0x5], $0x40, s25, s14, $0xb8;
	[tilespmem:$0x17000] =	vst v63  }
0x42: {  	_ =	swait.ge [sflag:s10], $0x2000  }
0x43: {  	s0 =	simm.s32 $0x200;
	s11 =	simm.s32 $0x1000;
	[sflag:s10] =	ssyncset.done $0x0  }
.LBB2_2:
0x44: {  	s25 =	sadd.s32 $0x180, s0  }
0x45: {  	[sflag:s10] =	ssyncadd.s32 $0xFFFFE000;
	s17 =	smov.u32 s11;
	s24 =	sadd.s32 $0x800, s11  }
0x46: {  	[tilespmem:s19], [sflag:$0x4] =	stream.indirect.gather [hbm4b:s4+s14], $0x40, s25, s14, $0xb8;
	[tilespmem:$0x17000] =	vst v63  }
0x47: {  	p0 =	sne.s32 s11, $0x9000;
	_ =	swait.ge [sflag:s20], $0x2000  }
0x48: {  	[sflag:s20] =	ssyncset.done $0x0  }
0x49: {  	s11 =	sadd.s32 $0x2800, s0;
	[sflag:s20] =	ssyncadd.s32 $0xFFFFE000  }
0x4a: {  	[spmem:s2] =	stream.indirect.scatter.add.f32 [tilespmem:s15], [sflag:$0x5], $0x40, s11, s14, $0xb8;
	[tilespmem:$0x17000] =	vst v63  }
0x4b: {  	_ =	swait.ge [sflag:s10], $0x2000  }
0x4c: {  	[sflag:s10] =	ssyncset.done $0x0  }
0x4d: {  	s11 =	sadd.s32 $0x200, s0;
	[sflag:s10] =	ssyncadd.s32 $0xFFFFE000  }
0x4e: {  	[tilespmem:s15], [sflag:$0x1] =	stream.indirect.gather [hbm4b:s4+s14], $0x40, s11, s14, $0xb8;
	[tilespmem:$0x17000] =	vst v63  }
0x4f: {  	_ =	swait.ge [sflag:s21], $0x2000  }
0x50: {  	[sflag:s21] =	ssyncset.done $0x0  }
0x51: {  	s11 =	sadd.s32 $0x2880, s0;
	[sflag:s21] =	ssyncadd.s32 $0xFFFFE000  }
0x52: {  	[spmem:s2] =	stream.indirect.scatter.add.f32 [tilespmem:s16], [sflag:$0x5], $0x40, s11, s14, $0xb8;
	[tilespmem:$0x17000] =	vst v63  }
0x53: {  	_ =	swait.ge [sflag:s10], $0x2000  }
0x54: {  	[sflag:s10] =	ssyncset.done $0x0  }
0x55: {  	s11 =	sadd.s32 $0x280, s0;
	[sflag:s10] =	ssyncadd.s32 $0xFFFFE000  }
0x56: {  	[tilespmem:s16], [sflag:$0x2] =	stream.indirect.gather [hbm4b:s4+s14], $0x40, s11, s14, $0xb8;
	[tilespmem:$0x17000] =	vst v63  }
0x57: {  	_ =	swait.ge [sflag:s22], $0x2000  }
0x58: {  	[sflag:s22] =	ssyncset.done $0x0  }
0x59: {  	s11 =	sadd.s32 $0x2900, s0;
	[sflag:s22] =	ssyncadd.s32 $0xFFFFE000  }
0x5a: {  	[spmem:s2] =	stream.indirect.scatter.add.f32 [tilespmem:s18], [sflag:$0x5], $0x40, s11, s14, $0xb8;
	[tilespmem:$0x17000] =	vst v63  }
0x5b: {  	_ =	swait.ge [sflag:s10], $0x2000  }
0x5c: {  	[sflag:s10] =	ssyncset.done $0x0  }
0x5d: {  	s11 =	sadd.s32 $0x300, s0;
	[sflag:s10] =	ssyncadd.s32 $0xFFFFE000  }
0x5e: {  	[tilespmem:s18], [sflag:$0x3] =	stream.indirect.gather [hbm4b:s4+s14], $0x40, s11, s14, $0xb8;
	[tilespmem:$0x17000] =	vst v63  }
0x5f: {  	_ =	swait.ge [sflag:s23], $0x2000  }
.Ltmp0:
0x60: {  	[sflag:s23] =	ssyncset.done $0x0;
	(pc) =	sbr.rel @p0 .LBB2_2-.Ltmp0, $4  }
0x61: {  	s0 =	sadd.s32 $0x2980, s0;
	[sflag:s23] =	ssyncadd.s32 $0xFFFFE000  }
0x62: {  	[spmem:s2] =	stream.indirect.scatter.add.f32 [tilespmem:s19], [sflag:$0x5], $0x40, s0, s14, $0xb8;
	[tilespmem:$0x17000] =	vst v63  }
0x63: {  	_ =	swait.ge [sflag:s10], $0x2000  }
0x64: {  	s11 =	smov.u32 s24;
	s0 =	sshra.s32 s17, $0x2;
	[sflag:s10] =	ssyncset.done $0x0  }
0x65: {  	s11 =	sadd.s32 $0x180, s0;
	[sflag:s10] =	ssyncadd.s32 $0xFFFFE000  }
0x66: {  	[tilespmem:s19], [sflag:$0x4] =	stream.indirect.gather [hbm4b:s4+s14], $0x40, s11, s14, $0xb8;
	[tilespmem:$0x17000] =	vst v63  }
0x67: {  	_ =	swait.ge [sflag:s20], $0x2000  }
0x68: {  	[sflag:s20] =	ssyncset.done $0x0  }
0x69: {  	s17 =	sadd.s32 $0x2800, s0;
	[sflag:s20] =	ssyncadd.s32 $0xFFFFE000  }
0x6a: {  	[spmem:s2] =	stream.indirect.scatter.add.f32 [tilespmem:s15], [sflag:$0x5], $0x40, s17, s14, $0xb8;
	[tilespmem:$0x17000] =	vst v63  }
0x6b: {  	_ =	swait.ge [sflag:s10], $0x2000  }
0x6c: {  	[sflag:s10] =	ssyncset.done $0x0  }
0x6d: {  	s24 =	sadd.s32 $0x200, s0;
	[sflag:s10] =	ssyncadd.s32 $0xFFFFE000  }
0x6e: {  	[tilespmem:s15], [sflag:$0x1] =	stream.indirect.gather [hbm4b:s4+s14], $0x40, s24, s14, $0xb8;
	[tilespmem:$0x17000] =	vst v63  }
0x6f: {  	_ =	swait.ge [sflag:s21], $0x2000  }
0x70: {  	[sflag:s21] =	ssyncset.done $0x0  }
0x71: {  	s25 =	sadd.s32 $0x2880, s0;
	[sflag:s21] =	ssyncadd.s32 $0xFFFFE000  }
0x72: {  	[spmem:s2] =	stream.indirect.scatter.add.f32 [tilespmem:s16], [sflag:$0x5], $0x40, s25, s14, $0xb8;
	[tilespmem:$0x17000] =	vst v63  }
0x73: {  	_ =	swait.ge [sflag:s10], $0x2000  }
0x74: {  	[sflag:s10] =	ssyncset.done $0x0  }
0x75: {  	s17 =	sadd.s32 $0x280, s0;
	[sflag:s10] =	ssyncadd.s32 $0xFFFFE000  }
0x76: {  	[tilespmem:s16], [sflag:$0x2] =	stream.indirect.gather [hbm4b:s4+s14], $0x40, s17, s14, $0xb8;
	[tilespmem:$0x17000] =	vst v63  }
0x77: {  	_ =	swait.ge [sflag:s22], $0x2000  }
0x78: {  	[sflag:s22] =	ssyncset.done $0x0  }
0x79: {  	s24 =	sadd.s32 $0x2900, s0;
	[sflag:s22] =	ssyncadd.s32 $0xFFFFE000  }
0x7a: {  	[spmem:s2] =	stream.indirect.scatter.add.f32 [tilespmem:s18], [sflag:$0x5], $0x40, s24, s14, $0xb8;
	[tilespmem:$0x17000] =	vst v63  }
0x7b: {  	_ =	swait.ge [sflag:s10], $0x2000  }
0x7c: {  	[sflag:s10] =	ssyncset.done $0x0  }
0x7d: {  	s25 =	sadd.s32 $0x300, s0;
	[sflag:s10] =	ssyncadd.s32 $0xFFFFE000  }
0x7e: {  	[tilespmem:s18], [sflag:$0x3] =	stream.indirect.gather [hbm4b:s4+s14], $0x40, s25, s14, $0xb8;
	[tilespmem:$0x17000] =	vst v63  }
0x7f: {  	_ =	swait.ge [sflag:s23], $0x2000  }
0x80: {  	[sflag:s23] =	ssyncset.done $0x0  }
0x81: {  	s17 =	sadd.s32 $0x2980, s0;
	[sflag:s23] =	ssyncadd.s32 $0xFFFFE000  }
0x82: {  	[spmem:s2] =	stream.indirect.scatter.add.f32 [tilespmem:s19], [sflag:$0x5], $0x40, s17, s14, $0xb8;
	[tilespmem:$0x17000] =	vst v63  }
0x83: {  	_ =	swait.ge [sflag:s10], $0x2000  }
0x84: {  	[sflag:s10] =	ssyncset.done $0x0  }
0x85: {  	s24 =	simm.s32 $0x2780;
	[sflag:s10] =	ssyncadd.s32 $0xFFFFE000  }
0x86: {  	[tilespmem:s19], [sflag:$0x4] =	stream.indirect.gather [hbm4b:s4+s14], $0x40, s24, s14, $0xb8;
	[tilespmem:$0x17000] =	vst v63  }
0x87: {  	_ =	swait.ge [sflag:s20], $0x2000  }
0x88: {  	[sflag:s20] =	ssyncset.done $0x0  }
0x89: {  	s25 =	simm.s32 $0x4E00;
	[sflag:s20] =	ssyncadd.s32 $0xFFFFE000  }
0x8a: {  	[spmem:s2] =	stream.indirect.scatter.add.f32 [tilespmem:s15], [sflag:$0x5], $0x40, s25, s14, $0xb8;
	[tilespmem:$0x17000] =	vst v63  }
0x8b: {  	_ =	swait.ge [sflag:s10], $0x2000  }
0x8c: {  	[sflag:s10] =	ssyncset.done $0x0  }
0x8d: {  	[sflag:s10] =	ssyncadd.s32 $0xFFFFE000  }
0x8e: {  	_ =	swait.ge [sflag:s21], $0x2000  }
0x8f: {  	[sflag:s21] =	ssyncset.done $0x0  }
0x90: {  	[sflag:s21] =	ssyncadd.s32 $0xFFFFE000  }
0x91: {  	[spmem:s2] =	stream.indirect.scatter.add.f32 [tilespmem:s16], [sflag:$0x5], $0x40, s26, s14, $0xb8;
	[tilespmem:$0x17000] =	vst v63  }
0x92: {  	_ =	swait.ge [sflag:s10], $0x2000  }
0x93: {  	[sflag:s10] =	ssyncset.done $0x0  }
0x94: {  	[sflag:s10] =	ssyncadd.s32 $0xFFFFE000  }
0x95: {  	_ =	swait.ge [sflag:s22], $0x2000  }
0x96: {  	[sflag:s22] =	ssyncset.done $0x0  }
0x97: {  	[sflag:s22] =	ssyncadd.s32 $0xFFFFE000  }
0x98: {  	[spmem:s2] =	stream.indirect.scatter.add.f32 [tilespmem:s18], [sflag:$0x5], $0x40, s28, s14, $0xb8;
	[tilespmem:$0x17000] =	vst v63  }
0x99: {  	_ =	swait.ge [sflag:s10], $0x2000  }
0x9a: {  	[sflag:s10] =	ssyncset.done $0x0  }
0x9b: {  	[sflag:s10] =	ssyncadd.s32 $0xFFFFE000  }
0x9c: {  	_ =	swait.ge [sflag:s23], $0x2000  }
0x9d: {  	[sflag:s23] =	ssyncset.done $0x0  }
0x9e: {  	[sflag:s23] =	ssyncadd.s32 $0xFFFFE000  }
0x9f: {  	[spmem:s2] =	stream.indirect.scatter.add.f32 [tilespmem:s19], [sflag:$0x5], $0x40, s29, s14, $0xb8;
	[tilespmem:$0x17000] =	vst v63  }
0xa0: {  	_ =	swait.ge [sflag:s10], $0x2000  }
0xa1: {  	s1 =	sadd.s32 $0x1, s1;
	[sflag:s10] =	ssyncset.done $0x0  }
0xa2: {  	p0 =	sne.s32 s1, s9;
	[sflag:s10] =	ssyncadd.s32 $0xFFFFE000  }
.Ltmp1:
0xa3: {  	[bflag:$0x0] =	sbarrier.arrive $0xFFFF;
	(pc) =	sbr.rel @p0 .LBB2_1-.Ltmp1, $4  }
0xa4: {  	[hbm:s8@s30], [sflag:s12] =	dma.strided [spmem:s13@s31], $0x1400, s20, $0x8   }
0xa5: {  	_ =	swait.ge [sflag:s10], $0x1400  }
0xa6: {  	[sflag:s10] =	ssyncset.done $0x0  }
0xa7: {  	[sflag:s10] =	ssyncadd.s32 $0xFFFFEC00  }
0xa8: {  	_ =	sfence.sel $0x180000  }
0xa9: {  	[bflag:$0x0] =	sbarrier.arrive $0xFFFF  }
0xaa: {  	_ =	strace $0x9000004A  }
0xab: {  	s0 =	stileid.u32;
	[bflag:$0x2] =	sbarrier.arrive $0xFFFF  }
0xac: {  	p0 =	sne.s32 s0, $0x0;
	s0 =	rddreg [dreg:$0x3]  }
0xad: {  	s0 =	sadd.s32 @!p0 $0x100000, s0  }
0xae: {  	[sflag:s0] =	ssyncadd.tile.s32 @!p0 $0x1;
	_ =	shalt  }
.Lfunc_end2:
_tile_overlayer_lowered:
.L_overlay_start_2:
0xaf: {  	(tag) =	ssettag $0x2  }
0xb0: {  	s0 =	rddreg [dreg:$0x0];
	s2 =	stileid.u32  }
0xb1: {  	s1 =	rddreg [dreg:$0x1];
	p0 =	sne.s32 s2, $0x0  }
0xb2: {  	s3 =	rddreg [dreg:$0x2];
	[bflag:$0x3] =	sbarrier.arrive $0xFFFF;
	s2 =	simm.s32 @!p0 $0x1C05  }
0xb3: {  	[timem:s3], [sflag:s2] =	dma.local @!p0 [hbm:s0], s1  }
0xb4: {  	s0 =	simm.s32 @!p0 $0x5  }
0xb5: {  	_ =	swait.ge @!p0 [sflag:s0], s1  }
0xb6: {  	s1 =	ssub.s32 @!p0 $0x0, s1;
	[sflag:s0] =	ssyncset.done @!p0 $0x0  }
0xb7: {  	[sflag:s0] =	ssyncadd.s32 @!p0 s1  }
0xb8: {  	[bflag:$0x3] =	sbarrier.arrive $0xFFFF  }
0xb9: {  	_ =	shalt  }

// kernel: kernel.14.cloned.1.call-start
scs
__scs_entry_jumppad:
0x0: {  	(pc) =	sbr.rel $0x88, $3  }
0x1: {  	(tag) =	ssettag $0x0;
	lr =	simm.s32 $0x1  }
0x2: {  	[smem:$0x3F9B] =	sst lr;
	_ =	strace $0xD0000000  }
0x3: {  	_ = 	snop  }
0x4: {  	_ = 	snop  }
0x5: {  	_ = 	snop  }
0x6: {  	_ = 	snop  }
0x7: {  	_ = 	snop  }
__scs_overlays_trampoline_lowered:
0x8: {  	[smem:$0x3FAA] =	sst s0  }
0x9: {  	[smem:$0x3FAB] =	sst s1  }
0xa: {  	[smem:$0x3FAC] =	sst s2  }
0xb: {  	[smem:$0x3FAD] =	sst s3  }
0xc: {  	[smem:$0x3FAE] =	sst s4  }
0xd: {  	[smem:$0x3FAF] =	sst s5  }
0xe: {  	[smem:$0x3FB0] =	sst s6  }
0xf: {  	[smem:$0x3FB1] =	sst s7  }
0x10: {  	[smem:$0x3FB2] =	sst s8  }
0x11: {  	[smem:$0x3FB3] =	sst s9;
	s0 =	simm.s32 @!p0 $0x0  }
0x12: {  	s1 =	sld [smem:$0x3F99];
	s0 =	simm.s32 @p0 $0x1  }
0x13: {  	[smem:$0x3FB4] =	sst s0;
	s0 =	simm.s32 @!p1 $0x0  }
0x14: {  	s2 =	sld [smem:$0x3F98];
	s0 =	simm.s32 @p1 $0x1  }
0x15: {  	[smem:$0x3FB5] =	sst s0;
	s0 =	simm.s32 @!p2 $0x0  }
0x16: {  	s3 =	sld [smem:$0x3FDB];
	s0 =	simm.s32 @p2 $0x1  }
0x17: {  	s4 =	simm.s32 $0x1BF5;
	[smem:$0x3FB7] =	sst s0  }
0x18: {  	s0 =	sld [smem:$0x3F9A];
	_ =	swait.ge [sflag:s4], $0x0  }
0x19: {  	s7 =	sld [smem:$0x3F9B]  }
0x1a: {  	s8 =	sadd.s32 $0xFFFFE003, lr  }
0x1b: {  	s9 =	sadd.s32 $0xFFFFFEF7, lr;
	s5 =	simm.s32 $0xFFFFFFFF;
	p2 =	slt.u32 s8, $0xFFFFF086  }
0x1c: {  	p1 =	slt.u32 s9, $0xF7A;
	s5 =	simm.s32 @!p2 $0x0  }
0x1d: {  	s5 =	simm.s32 @p1 $0x1;
	p0 =	seq.s32 s7, s2  }
0x1e: {  	s7 =	smul.u32 @!p0 $0xF7A, s2;
	p2 =	seq.s32 @!p0 s5, $0x0  }
0x1f: {  	s9 =	smul.u32 $0xF7A, s1;
	s8 =	simm.s32 @!p0 $0x1BF5;
	p2 =	por !p2, p0  }
0x20: {  	[sflag:s8] =	ssyncset.s32 @!p0 $0xFFFFF086;
	s6 =	sadd.s32 @!p0 s3, s7;
	s7 =	simm.s32 @!p0 $0x108  }
0x21: {  	s3 =	sadd.s32 s3, s9;
	s6 =	sadd.s32 @!p0 $0x88, s6;
	s7 =	simm.s32 @p2 $0x1082  }
0x22: {  	[simem:s7], [sflag:s8] =	dma.local @!p0 [hbm:s6], $0xF7A  }
0x23: {  	s9 =	sor.u32 $0xD0000000, s2;
	s6 =	simm.s32 $0x108;
	_ =	swait.ge @!p0 [sflag:s8], $0x0  }
0x24: {  	s3 =	sadd.s32 $0x88, s3;
	s6 =	simm.s32 @!p1 $0x1082;
	[sflag:s4] =	ssyncset.s32 $0xFFFFF086  }
0x25: {  	[simem:s6], [sflag:s4] =	dma.local [hbm:s3], $0xF7A  }
0x26: {  	[smem:$0x3F9B] =	sst s1;
	(tag) =	ssettag s2;
	_ =	strace s9  }
0x27: {  	s1 =	sld [smem:$0x3FAB]  }
0x28: {  	s2 =	sld [smem:$0x3FAC]  }
0x29: {  	s4 =	sld [smem:$0x3FAE]  }
0x2a: {  	p0 =	seq.s32 s5, $0x0;
	s5 =	sld [smem:$0x3FAF]  }
0x2b: {  	s6 =	sld [smem:$0x3FB0]  }
0x2c: {  	s7 =	sld [smem:$0x3FB1]  }
0x2d: {  	s3 =	simm.s32 $0x108;
	s8 =	sld [smem:$0x3FB2]  }
0x2e: {  	s3 =	simm.s32 @!p0 $0x1082;
	s9 =	sld [smem:$0x3FB3]  }
0x2f: {  	lr =	sadd.s32 s0, s3;
	s0 =	sld [smem:$0x3FAA]  }
0x30: {  	s3 =	sld [smem:$0x3FAD]  }
0x31: {  	[smem:$0x3FB6] =	sst s10  }
0x32: {  	s10 =	sld [smem:$0x3FB4];
	_ =	sdelay $0x3  }
0x33: {  	p0 =	seq.s32 s10, $0x1;
	s10 =	sld [smem:$0x3FB6];
	_ =	sdelay $0x3  }
0x34: {  	[smem:$0x3FB6] =	sst s10  }
0x35: {  	s10 =	sld [smem:$0x3FB5];
	_ =	sdelay $0x3  }
0x36: {  	p1 =	seq.s32 s10, $0x1;
	s10 =	sld [smem:$0x3FB6];
	_ =	sdelay $0x3  }
0x37: {  	[smem:$0x3FB6] =	sst s10  }
0x38: {  	s10 =	sld [smem:$0x3FB7]  }
0x39: {  	_ = 	snop;
	(pc) =	sbr.ind lr, $3  }
0x3a: {  	_ = 	snop  }
0x3b: {  	_ = 	snop  }
0x3c: {  	p2 =	seq.s32 s10, $0x1;
	s10 =	sld [smem:$0x3FB6]  }
0x3d: {  	_ =	shalt  }
0x3e: {  	_ =	shalt  }
0x3f: {  	_ =	shalt  }
0x40: {  	_ =	shalt  }
0x41: {  	_ =	shalt  }
0x42: {  	_ =	shalt  }
0x43: {  	_ =	shalt  }
0x44: {  	_ =	shalt  }
0x45: {  	_ =	shalt  }
0x46: {  	_ =	shalt  }
0x47: {  	_ =	shalt  }
0x48: {  	_ =	shalt  }
0x49: {  	_ =	shalt  }
0x4a: {  	_ =	shalt  }
0x4b: {  	_ =	shalt  }
0x4c: {  	_ =	shalt  }
0x4d: {  	_ =	shalt  }
0x4e: {  	_ =	shalt  }
0x4f: {  	_ =	shalt  }
0x50: {  	_ =	shalt  }
0x51: {  	_ =	shalt  }
0x52: {  	_ =	shalt  }
0x53: {  	_ =	shalt  }
0x54: {  	_ =	shalt  }
0x55: {  	_ =	shalt  }
0x56: {  	_ =	shalt  }
0x57: {  	_ =	shalt  }
0x58: {  	_ =	shalt  }
0x59: {  	_ =	shalt  }
0x5a: {  	_ =	shalt  }
0x5b: {  	_ =	shalt  }
0x5c: {  	_ =	shalt  }
0x5d: {  	_ =	shalt  }
0x5e: {  	_ =	shalt  }
0x5f: {  	_ =	shalt  }
0x60: {  	_ =	shalt  }
0x61: {  	_ =	shalt  }
0x62: {  	_ =	shalt  }
0x63: {  	_ =	shalt  }
0x64: {  	_ =	shalt  }
0x65: {  	_ =	shalt  }
0x66: {  	_ =	shalt  }
0x67: {  	_ =	shalt  }
0x68: {  	_ =	shalt  }
0x69: {  	_ =	shalt  }
0x6a: {  	_ =	shalt  }
0x6b: {  	_ =	shalt  }
0x6c: {  	_ =	shalt  }
0x6d: {  	_ =	shalt  }
0x6e: {  	_ =	shalt  }
0x6f: {  	_ =	shalt  }
0x70: {  	_ =	shalt  }
0x71: {  	_ =	shalt  }
0x72: {  	_ =	shalt  }
0x73: {  	_ =	shalt  }
0x74: {  	_ =	shalt  }
0x75: {  	_ =	shalt  }
0x76: {  	_ =	shalt  }
0x77: {  	_ =	shalt  }
0x78: {  	_ =	shalt  }
0x79: {  	_ =	shalt  }
0x7a: {  	_ =	shalt  }
0x7b: {  	_ =	shalt  }
0x7c: {  	_ =	shalt  }
0x7d: {  	_ =	shalt  }
0x7e: {  	_ =	shalt  }
0x7f: {  	_ =	shalt  }
0x80: {  	_ =	shalt  }
0x81: {  	_ =	shalt  }
0x82: {  	_ =	shalt  }
0x83: {  	_ =	shalt  }
0x84: {  	_ =	shalt  }
0x85: {  	_ =	shalt  }
0x86: {  	_ =	shalt  }
0x87: {  	_ =	shalt  }
.Lfunc_end0:
.L_simem_size_0:
called_computation.2_lowered:
.L_overlay_start_0:
0x88: {  	s2 =	sld [smem:$0x3FD9]  }
0x89: {  	s3 =	sld [smem:$0x3FFE];
	_ =	sdelay $0x1  }
0x8a: {  	s1 =	srdreg.scid  }
0x8b: {  	s0 =	sand.u32 $0x1, s1  }
0x8c: {  	s17 =	sshll.u32 s0, $0xA;
	s2 =	sadd.s32 s3, s2  }
0x8d: {  	s2 =	sadd.s32 s2, s17  }
0x8e: {  	[smem:$0x3FC2] =	sst s2  }
0x8f: {  	_ = 	snop  }
0x90: {  	s2 =	sld [smem:$0x3FD0];
	(tm) =	ssettm $0x1  }
0x91: {  	s18 =	sld [smem:$0x3FFB];
	_ =	sdelay $0x3  }
0x92: {  	_ =	strace s18  }
0x93: {  	s3 =	sld [smem:$0x3FFC];
	_ =	sdelay $0x3  }
0x94: {  	_ =	strace s3  }
0x95: {  	s3 =	sld [smem:$0x3FFD];
	_ =	sdelay $0x3  }
0x96: {  	_ =	strace s3  }
0x97: {  	_ =	strace $0x8FFFFFFF  }
0x98: {  	s19 =	sld [smem:$0x3FDB];
	_ =	sdelay $0x1  }
0x99: {  	s4 =	simm.s32 $_scs_section_size  }
0x9a: {  	s5 =	simm.s32 $_size__tile_overlayer_lowered;
	s6 =	simm.s32 $_tile_overlayer_lowered  }
0x9b: {  	s22 =	simm.s32 $0x1BFF;
	s21 =	sshll.u32 s6, $0x1;
	s3 =	sadd.s32 s4, s19  }
0x9c: {  	s7 =	simm.s32 $0x0;
	s20 =	sshll.u32 s5, $0x1;
	s5 =	sadd.s32 s21, s3  }
0x9d: {  	[timem:s7], [sflag:s22] =	dma.local [hbm:s5], s20  }
0x9e: {  	_ =	swait.ge [sflag:s22], s20  }
0x9f: {  	s4 =	ssub.s32 $0x0, s20;
	[sflag:s22] =	ssyncset.done $0x0  }
0xa0: {  	[sflag:s22] =	ssyncadd.s32 s4;
	_ =	sdelay $0x1  }
0xa1: {  	s23 =	simm.s32 $0x1B8B  }
0xa2: {  	_ =	swait.ge [sflag:s23], $0x1  }
0xa3: {  	[sflag:s23] =	ssyncset.done $0x0  }
0xa4: {  	s25 =	simm.s32 $0x1B8E;
	s24 =	sld [smem:$0x3FFE];
	[sflag:s23] =	ssyncadd.s32 $0xFFFFFFFF  }
0xa5: {  	s26 =	simm.s32 $execute0_lowered;
	[smem:$0x3FD2] =	sst s25  }
0xa6: {  	s5 =	sshll.u32 s26, $0x1;
	_ =	strace $0x8000004C;
	[dreg:$0x1] =	wrdreg $0xFFFFFFFF  }
0xa7: {  	s28 =	simm.s32 $_size_execute0_lowered;
	s3 =	sadd.s32 s3, s5;
	[dreg:$0x0] =	wrdreg $0x0  }
0xa8: {  	s5 =	sshll.u32 s28, $0x1;
	[dreg:$0x2] =	wrdreg s3  }
0xa9: {  	[dreg:$0x3] =	wrdreg s5  }
0xaa: {  	[dreg:$0x4] =	wrdreg $0xC0  }
0xab: {  	_ =	task [dreg:s7], $0x5FFFF  }
0xac: {  	[dreg:$0x1] =	wrdreg $0xFFFFFFFF  }
0xad: {  	[dreg:$0x0] =	wrdreg $0x60  }
0xae: {  	[dreg:$0x2] =	wrdreg s24  }
0xaf: {  	[dreg:$0x3] =	wrdreg s2  }
0xb0: {  	[dreg:$0x4] =	wrdreg $0xB0000  }
0xb1: {  	[dreg:$0x5] =	wrdreg $0x9  }
0xb2: {  	_ =	task.clear_ibuf [dreg:s7], $0x6FFFF;
	_ =	strace $0x9000004C  }
0xb3: {  	s29 =	simm.s32 $0x9;
	_ =	strace $0x8000004E  }
0xb4: {  	_ =	swait.ge [sflag:s29], $0x1  }
0xb5: {  	[sflag:s29] =	ssyncadd.s32 $0xFFFFFFFF  }
0xb6: {  	_ =	strace $0x9000004E  }
0xb7: {  	_ =	sfence  }
0xb8: {  	s30 =	sld [smem:$0x0];
	_ =	sdelay $0x2  }
0xb9: {  	s31 =	sshll.u32 s1, $0xD;
	s1 =	sshrl.u32 s1, $0x2  }
0xba: {  	s3 =	sand.u32 $0x4000, s31;
	s1 =	sadd.s32 s1, s30  }
0xbb: {  	s0 =	sor.u32 s3, s0;
	s1 =	sshll.u32 s1, $0x11  }
0xbc: {  	s0 =	sor.u32 s1, s0  }
0xbd: {  	s0 =	sadd.s32 $0x8F2B, s0  }
0xbe: {  	[sflag:s0] =	ssyncadd.remote.s32 $0x1  }
0xbf: {  	_ =	sfence.sel $0xFFFF  }
0xc0: {  	[dreg:$0x0] =	wrdreg $0xFFFFFFFF;
	(pc) =	sbr.abs _section_cstart, $3  }
0xc1: {  	[dreg:$0x1] =	wrdreg $0xFFFFFFFF  }
0xc2: {  	_ =	task.clear_ibuf [dreg:s7], $0x2FFFF;
	_ =	strace $0x9FFFFFFF  }
0xc3: {  	(tm) =	ssettm $0x7FFFFFFF  }
tec
execute0_lowered:
.L_overlay_start_1:
0x0: {  	(tag) =	ssettag $0x1  }
0x1: {  	s0 =	srdreg.scid;
	s1 =	rddreg [dreg:$0x0]  }
0x2: {  	s12 =	stileid.u32;
	s7 =	rddreg [dreg:$0x1]  }
0x3: {  	s14 =	simm.s32 $0x80;
	s15 =	simm.s32 $0x5000;
	s16 =	simm.s32 $0x6800  }
0x4: {  	s18 =	simm.s32 $0x8000;
	s19 =	simm.s32 $0x9800;
	s20 =	simm.s32 $0x1  }
0x5: {  	s21 =	simm.s32 $0x2;
	s22 =	simm.s32 $0x3;
	s23 =	simm.s32 $0x4  }
0x6: {  	s28 =	simm.s32 $0x4F00;
	s29 =	simm.s32 $0x4F80;
	s30 =	simm.s32 $0x10  }
0x7: {  	s31 =	simm.s32 $0x6;
	s0 =	sand.u32 $0x1, s0;
	s5 =	smul.u32 $0x14000, s12  }
0x8: {  	s4 =	sadd.s32 $0xBE00, s1;
	s10 =	smul.u32 $0x1E000, s12;
	s26 =	sshll.u32 s12, $0x6  }
0x9: {  	s2 =	sshll.u32 s0, $0x4;
	s6 =	smul.u32 $0x30, s0;
	s0 =	ssub.s32 $0x2, s0  }
0xa: {  	s3 =	sor.u32 s12, s2;
	s2 =	rddreg [dreg:$0x2];
	s24 =	sshrl.u32 s0, $0x1  }
0xb: {  	s25 =	sshrl.u32 s10, $0x2;
	s10 =	simm.s32 $0x5;
	s12 =	sor.u32 $0x1C05, s26  }
0xc: {  	s26 =	simm.s32 $0x4E80;
	s8 =	smul.u32 $0x500, s3;
	s3 =	simm.s32 $0x0  }
0xd: {  	s5 =	sor.u32 s6, s5;
	s0 =	ssub.s32 s0, s24;
	s11 =	sadd.s32 s25, s2  }
0xe: {  	[smem:$0x7FF] =	sst s3;
	s6 =	sshrl.u32 s5, $0x3;
	s5 =	sadd.s32 $0x1AE00, s1  }
0xf: {  	s13 =	sshrl.u32 s11, $0x3;
	_ =	strace $0x8000004D;
	s9 =	sadd.s32 s8, s1  }
0x10: {  	s1 =	sadd.s32 s6, s1;
	s7 =	sadd.s32 s7, s8;
	s6 =	sadd.s32 $0x1E00, s9  }
0x11: {  	s8 =	sadd.s32 $0x1BE00, s1;
	s9 =	smax.u32 s0, $0x1;
	s1 =	simm.s32 $0x0  }
.LBB2_1:
0x12: {  	[tilespmem:s3], [sflag:$0x5] =	stream.linear.gather [hbm4b:s6+s3], $0x2800, $0x38;
	[tilespmem:$0x12800] =	vst v63  }
0x13: {  	_ =	swait.ge [sflag:s10], $0x2800  }
0x14: {  	[sflag:s10] =	ssyncset.done $0x0  }
0x15: {  	s0 =	simm.s32 $0x2800;
	[sflag:s10] =	ssyncadd.s32 $0xFFFFD800  }
0x16: {  	[tilespmem:s0], [sflag:$0x5] =	stream.linear.gather [hbm4b:s7+s3], $0x2800, $0x38;
	[tilespmem:$0x12800] =	vst v63  }
0x17: {  	_ =	swait.ge [sflag:s10], $0x2800  }
0x18: {  	[sflag:s10] =	ssyncset.done $0x0  }
0x19: {  	[sflag:s10] =	ssyncadd.s32 $0xFFFFD800  }
0x1a: {  	[spmem:s13], [sflag:s12] =	dma.local [hbm:s5], $0xF00  }
0x1b: {  	_ =	swait.ge [sflag:s10], $0xF00  }
0x1c: {  	[sflag:s10] =	ssyncset.done $0x0  }
0x1d: {  	[sflag:s10] =	ssyncadd.s32 $0xFFFFF100  }
0x1e: {  	[bflag:$0x0] =	sbarrier.arrive $0xFFFF  }
0x1f: {  	[tilespmem:s15], [sflag:$0x1] =	stream.indirect.gather [hbm4b:s4+s14], $0x30, s3, s14, $0xb8;
	[tilespmem:$0x12800] =	vst v63  }
0x20: {  	_ = 	snop  }
0x21: {  	[tilespmem:s16], [sflag:$0x2] =	stream.indirect.gather [hbm4b:s4+s14], $0x30, s14, s14, $0xb8;
	[tilespmem:$0x12800] =	vst v63  }
0x22: {  	s25 =	simm.s32 $0x100  }
0x23: {  	[tilespmem:s18], [sflag:$0x3] =	stream.indirect.gather [hbm4b:s4+s14], $0x30, s25, s14, $0xb8;
	[tilespmem:$0x12800] =	vst v63  }
0x24: {  	s11 =	simm.s32 $0x180  }
0x25: {  	[tilespmem:s19], [sflag:$0x4] =	stream.indirect.gather [hbm4b:s4+s14], $0x30, s11, s14, $0xb8;
	[tilespmem:$0x12800] =	vst v63  }
0x26: {  	_ =	swait.ge [sflag:s20], $0x1800  }
0x27: {  	[sflag:s20] =	ssyncset.done $0x0  }
0x28: {  	s17 =	simm.s32 $0x2800;
	[sflag:s20] =	ssyncadd.s32 $0xFFFFE800  }
0x29: {  	[spmem:s2] =	stream.indirect.scatter.add.f32 [tilespmem:s15], [sflag:$0x5], $0x30, s17, s14, $0xb8;
	[tilespmem:$0x12800] =	vst v63  }
0x2a: {  	_ =	swait.ge [sflag:s10], $0x1800  }
0x2b: {  	[sflag:s10] =	ssyncset.done $0x0  }
0x2c: {  	s24 =	simm.s32 $0x200;
	[sflag:s10] =	ssyncadd.s32 $0xFFFFE800  }
0x2d: {  	[tilespmem:s15], [sflag:$0x1] =	stream.indirect.gather [hbm4b:s4+s14], $0x30, s24, s14, $0xb8;
	[tilespmem:$0x12800] =	vst v63  }
0x2e: {  	_ =	swait.ge [sflag:s21], $0x1800  }
0x2f: {  	[sflag:s21] =	ssyncset.done $0x0  }
0x30: {  	s25 =	simm.s32 $0x2880;
	[sflag:s21] =	ssyncadd.s32 $0xFFFFE800  }
0x31: {  	[spmem:s2] =	stream.indirect.scatter.add.f32 [tilespmem:s16], [sflag:$0x5], $0x30, s25, s14, $0xb8;
	[tilespmem:$0x12800] =	vst v63  }
0x32: {  	_ =	swait.ge [sflag:s10], $0x1800  }
0x33: {  	[sflag:s10] =	ssyncset.done $0x0  }
0x34: {  	s11 =	simm.s32 $0x280;
	[sflag:s10] =	ssyncadd.s32 $0xFFFFE800  }
0x35: {  	[tilespmem:s16], [sflag:$0x2] =	stream.indirect.gather [hbm4b:s4+s14], $0x30, s11, s14, $0xb8;
	[tilespmem:$0x12800] =	vst v63  }
0x36: {  	_ =	swait.ge [sflag:s22], $0x1800  }
0x37: {  	[sflag:s22] =	ssyncset.done $0x0  }
0x38: {  	s17 =	simm.s32 $0x2900;
	[sflag:s22] =	ssyncadd.s32 $0xFFFFE800  }
0x39: {  	[spmem:s2] =	stream.indirect.scatter.add.f32 [tilespmem:s18], [sflag:$0x5], $0x30, s17, s14, $0xb8;
	[tilespmem:$0x12800] =	vst v63  }
0x3a: {  	_ =	swait.ge [sflag:s10], $0x1800  }
0x3b: {  	[sflag:s10] =	ssyncset.done $0x0  }
0x3c: {  	s24 =	simm.s32 $0x300;
	[sflag:s10] =	ssyncadd.s32 $0xFFFFE800  }
0x3d: {  	[tilespmem:s18], [sflag:$0x3] =	stream.indirect.gather [hbm4b:s4+s14], $0x30, s24, s14, $0xb8;
	[tilespmem:$0x12800] =	vst v63  }
0x3e: {  	_ =	swait.ge [sflag:s23], $0x1800  }
0x3f: {  	[sflag:s23] =	ssyncset.done $0x0  }
0x40: {  	s25 =	simm.s32 $0x2980;
	[sflag:s23] =	ssyncadd.s32 $0xFFFFE800  }
0x41: {  	[spmem:s2] =	stream.indirect.scatter.add.f32 [tilespmem:s19], [sflag:$0x5], $0x30, s25, s14, $0xb8;
	[tilespmem:$0x12800] =	vst v63  }
0x42: {  	_ =	swait.ge [sflag:s10], $0x1800  }
0x43: {  	s0 =	simm.s32 $0x200;
	s11 =	simm.s32 $0x1000;
	[sflag:s10] =	ssyncset.done $0x0  }
.LBB2_2:
0x44: {  	s25 =	sadd.s32 $0x180, s0  }
0x45: {  	[sflag:s10] =	ssyncadd.s32 $0xFFFFE800;
	s17 =	smov.u32 s11;
	s24 =	sadd.s32 $0x800, s11  }
0x46: {  	[tilespmem:s19], [sflag:$0x4] =	stream.indirect.gather [hbm4b:s4+s14], $0x30, s25, s14, $0xb8;
	[tilespmem:$0x12800] =	vst v63  }
0x47: {  	p0 =	sne.s32 s11, $0x9000;
	_ =	swait.ge [sflag:s20], $0x1800  }
0x48: {  	[sflag:s20] =	ssyncset.done $0x0  }
0x49: {  	s11 =	sadd.s32 $0x2800, s0;
	[sflag:s20] =	ssyncadd.s32 $0xFFFFE800  }
0x4a: {  	[spmem:s2] =	stream.indirect.scatter.add.f32 [tilespmem:s15], [sflag:$0x5], $0x30, s11, s14, $0xb8;
	[tilespmem:$0x12800] =	vst v63  }
0x4b: {  	_ =	swait.ge [sflag:s10], $0x1800  }
0x4c: {  	[sflag:s10] =	ssyncset.done $0x0  }
0x4d: {  	s11 =	sadd.s32 $0x200, s0;
	[sflag:s10] =	ssyncadd.s32 $0xFFFFE800  }
0x4e: {  	[tilespmem:s15], [sflag:$0x1] =	stream.indirect.gather [hbm4b:s4+s14], $0x30, s11, s14, $0xb8;
	[tilespmem:$0x12800] =	vst v63  }
0x4f: {  	_ =	swait.ge [sflag:s21], $0x1800  }
0x50: {  	[sflag:s21] =	ssyncset.done $0x0  }
0x51: {  	s11 =	sadd.s32 $0x2880, s0;
	[sflag:s21] =	ssyncadd.s32 $0xFFFFE800  }
0x52: {  	[spmem:s2] =	stream.indirect.scatter.add.f32 [tilespmem:s16], [sflag:$0x5], $0x30, s11, s14, $0xb8;
	[tilespmem:$0x12800] =	vst v63  }
0x53: {  	_ =	swait.ge [sflag:s10], $0x1800  }
0x54: {  	[sflag:s10] =	ssyncset.done $0x0  }
0x55: {  	s11 =	sadd.s32 $0x280, s0;
	[sflag:s10] =	ssyncadd.s32 $0xFFFFE800  }
0x56: {  	[tilespmem:s16], [sflag:$0x2] =	stream.indirect.gather [hbm4b:s4+s14], $0x30, s11, s14, $0xb8;
	[tilespmem:$0x12800] =	vst v63  }
0x57: {  	_ =	swait.ge [sflag:s22], $0x1800  }
0x58: {  	[sflag:s22] =	ssyncset.done $0x0  }
0x59: {  	s11 =	sadd.s32 $0x2900, s0;
	[sflag:s22] =	ssyncadd.s32 $0xFFFFE800  }
0x5a: {  	[spmem:s2] =	stream.indirect.scatter.add.f32 [tilespmem:s18], [sflag:$0x5], $0x30, s11, s14, $0xb8;
	[tilespmem:$0x12800] =	vst v63  }
0x5b: {  	_ =	swait.ge [sflag:s10], $0x1800  }
0x5c: {  	[sflag:s10] =	ssyncset.done $0x0  }
0x5d: {  	s11 =	sadd.s32 $0x300, s0;
	[sflag:s10] =	ssyncadd.s32 $0xFFFFE800  }
0x5e: {  	[tilespmem:s18], [sflag:$0x3] =	stream.indirect.gather [hbm4b:s4+s14], $0x30, s11, s14, $0xb8;
	[tilespmem:$0x12800] =	vst v63  }
0x5f: {  	_ =	swait.ge [sflag:s23], $0x1800  }
.Ltmp0:
0x60: {  	[sflag:s23] =	ssyncset.done $0x0;
	(pc) =	sbr.rel @p0 .LBB2_2-.Ltmp0, $4  }
0x61: {  	s0 =	sadd.s32 $0x2980, s0;
	[sflag:s23] =	ssyncadd.s32 $0xFFFFE800  }
0x62: {  	[spmem:s2] =	stream.indirect.scatter.add.f32 [tilespmem:s19], [sflag:$0x5], $0x30, s0, s14, $0xb8;
	[tilespmem:$0x12800] =	vst v63  }
0x63: {  	_ =	swait.ge [sflag:s10], $0x1800  }
0x64: {  	s11 =	smov.u32 s24;
	s0 =	sshra.s32 s17, $0x2;
	[sflag:s10] =	ssyncset.done $0x0  }
0x65: {  	s11 =	sadd.s32 $0x180, s0;
	[sflag:s10] =	ssyncadd.s32 $0xFFFFE800  }
0x66: {  	[tilespmem:s19], [sflag:$0x4] =	stream.indirect.gather [hbm4b:s4+s14], $0x30, s11, s14, $0xb8;
	[tilespmem:$0x12800] =	vst v63  }
0x67: {  	_ =	swait.ge [sflag:s20], $0x1800  }
0x68: {  	[sflag:s20] =	ssyncset.done $0x0  }
0x69: {  	s17 =	sadd.s32 $0x2800, s0;
	[sflag:s20] =	ssyncadd.s32 $0xFFFFE800  }
0x6a: {  	[spmem:s2] =	stream.indirect.scatter.add.f32 [tilespmem:s15], [sflag:$0x5], $0x30, s17, s14, $0xb8;
	[tilespmem:$0x12800] =	vst v63  }
0x6b: {  	_ =	swait.ge [sflag:s10], $0x1800  }
0x6c: {  	[sflag:s10] =	ssyncset.done $0x0  }
0x6d: {  	s24 =	sadd.s32 $0x200, s0;
	[sflag:s10] =	ssyncadd.s32 $0xFFFFE800  }
0x6e: {  	[tilespmem:s15], [sflag:$0x1] =	stream.indirect.gather [hbm4b:s4+s14], $0x30, s24, s14, $0xb8;
	[tilespmem:$0x12800] =	vst v63  }
0x6f: {  	_ =	swait.ge [sflag:s21], $0x1800  }
0x70: {  	[sflag:s21] =	ssyncset.done $0x0  }
0x71: {  	s25 =	sadd.s32 $0x2880, s0;
	[sflag:s21] =	ssyncadd.s32 $0xFFFFE800  }
0x72: {  	[spmem:s2] =	stream.indirect.scatter.add.f32 [tilespmem:s16], [sflag:$0x5], $0x30, s25, s14, $0xb8;
	[tilespmem:$0x12800] =	vst v63  }
0x73: {  	_ =	swait.ge [sflag:s10], $0x1800  }
0x74: {  	[sflag:s10] =	ssyncset.done $0x0  }
0x75: {  	s17 =	sadd.s32 $0x280, s0;
	[sflag:s10] =	ssyncadd.s32 $0xFFFFE800  }
0x76: {  	[tilespmem:s16], [sflag:$0x2] =	stream.indirect.gather [hbm4b:s4+s14], $0x30, s17, s14, $0xb8;
	[tilespmem:$0x12800] =	vst v63  }
0x77: {  	_ =	swait.ge [sflag:s22], $0x1800  }
0x78: {  	[sflag:s22] =	ssyncset.done $0x0  }
0x79: {  	s24 =	sadd.s32 $0x2900, s0;
	[sflag:s22] =	ssyncadd.s32 $0xFFFFE800  }
0x7a: {  	[spmem:s2] =	stream.indirect.scatter.add.f32 [tilespmem:s18], [sflag:$0x5], $0x30, s24, s14, $0xb8;
	[tilespmem:$0x12800] =	vst v63  }
0x7b: {  	_ =	swait.ge [sflag:s10], $0x1800  }
0x7c: {  	[sflag:s10] =	ssyncset.done $0x0  }
0x7d: {  	s25 =	sadd.s32 $0x300, s0;
	[sflag:s10] =	ssyncadd.s32 $0xFFFFE800  }
0x7e: {  	[tilespmem:s18], [sflag:$0x3] =	stream.indirect.gather [hbm4b:s4+s14], $0x30, s25, s14, $0xb8;
	[tilespmem:$0x12800] =	vst v63  }
0x7f: {  	_ =	swait.ge [sflag:s23], $0x1800  }
0x80: {  	[sflag:s23] =	ssyncset.done $0x0  }
0x81: {  	s17 =	sadd.s32 $0x2980, s0;
	[sflag:s23] =	ssyncadd.s32 $0xFFFFE800  }
0x82: {  	[spmem:s2] =	stream.indirect.scatter.add.f32 [tilespmem:s19], [sflag:$0x5], $0x30, s17, s14, $0xb8;
	[tilespmem:$0x12800] =	vst v63  }
0x83: {  	_ =	swait.ge [sflag:s10], $0x1800  }
0x84: {  	[sflag:s10] =	ssyncset.done $0x0  }
0x85: {  	s24 =	simm.s32 $0x2780;
	[sflag:s10] =	ssyncadd.s32 $0xFFFFE800  }
0x86: {  	[tilespmem:s19], [sflag:$0x4] =	stream.indirect.gather [hbm4b:s4+s14], $0x30, s24, s14, $0xb8;
	[tilespmem:$0x12800] =	vst v63  }
0x87: {  	_ =	swait.ge [sflag:s20], $0x1800  }
0x88: {  	[sflag:s20] =	ssyncset.done $0x0  }
0x89: {  	s25 =	simm.s32 $0x4E00;
	[sflag:s20] =	ssyncadd.s32 $0xFFFFE800  }
0x8a: {  	[spmem:s2] =	stream.indirect.scatter.add.f32 [tilespmem:s15], [sflag:$0x5], $0x30, s25, s14, $0xb8;
	[tilespmem:$0x12800] =	vst v63  }
0x8b: {  	_ =	swait.ge [sflag:s10], $0x1800  }
0x8c: {  	[sflag:s10] =	ssyncset.done $0x0  }
0x8d: {  	[sflag:s10] =	ssyncadd.s32 $0xFFFFE800  }
0x8e: {  	_ =	swait.ge [sflag:s21], $0x1800  }
0x8f: {  	[sflag:s21] =	ssyncset.done $0x0  }
0x90: {  	[sflag:s21] =	ssyncadd.s32 $0xFFFFE800  }
0x91: {  	[spmem:s2] =	stream.indirect.scatter.add.f32 [tilespmem:s16], [sflag:$0x5], $0x30, s26, s14, $0xb8;
	[tilespmem:$0x12800] =	vst v63  }
0x92: {  	_ =	swait.ge [sflag:s10], $0x1800  }
0x93: {  	[sflag:s10] =	ssyncset.done $0x0  }
0x94: {  	[sflag:s10] =	ssyncadd.s32 $0xFFFFE800  }
0x95: {  	_ =	swait.ge [sflag:s22], $0x1800  }
0x96: {  	[sflag:s22] =	ssyncset.done $0x0  }
0x97: {  	[sflag:s22] =	ssyncadd.s32 $0xFFFFE800  }
0x98: {  	[spmem:s2] =	stream.indirect.scatter.add.f32 [tilespmem:s18], [sflag:$0x5], $0x30, s28, s14, $0xb8;
	[tilespmem:$0x12800] =	vst v63  }
0x99: {  	_ =	swait.ge [sflag:s10], $0x1800  }
0x9a: {  	[sflag:s10] =	ssyncset.done $0x0  }
0x9b: {  	[sflag:s10] =	ssyncadd.s32 $0xFFFFE800  }
0x9c: {  	_ =	swait.ge [sflag:s23], $0x1800  }
0x9d: {  	[sflag:s23] =	ssyncset.done $0x0  }
0x9e: {  	[sflag:s23] =	ssyncadd.s32 $0xFFFFE800  }
0x9f: {  	[spmem:s2] =	stream.indirect.scatter.add.f32 [tilespmem:s19], [sflag:$0x5], $0x30, s29, s14, $0xb8;
	[tilespmem:$0x12800] =	vst v63  }
0xa0: {  	_ =	swait.ge [sflag:s10], $0x1800  }
0xa1: {  	s1 =	sadd.s32 $0x1, s1;
	[sflag:s10] =	ssyncset.done $0x0  }
0xa2: {  	p0 =	sne.s32 s1, s9;
	[sflag:s10] =	ssyncadd.s32 $0xFFFFE800  }
.Ltmp1:
0xa3: {  	[bflag:$0x0] =	sbarrier.arrive $0xFFFF;
	(pc) =	sbr.rel @p0 .LBB2_1-.Ltmp1, $4  }
0xa4: {  	[hbm:s8@s30], [sflag:s12] =	dma.strided [spmem:s13@s31], $0xF00, s20, $0x6   }
0xa5: {  	_ =	swait.ge [sflag:s10], $0xF00  }
0xa6: {  	[sflag:s10] =	ssyncset.done $0x0  }
0xa7: {  	[sflag:s10] =	ssyncadd.s32 $0xFFFFF100  }
0xa8: {  	_ =	sfence.sel $0x180000  }
0xa9: {  	[bflag:$0x0] =	sbarrier.arrive $0xFFFF  }
0xaa: {  	_ =	strace $0x9000004D  }
0xab: {  	s0 =	stileid.u32;
	[bflag:$0x2] =	sbarrier.arrive $0xFFFF  }
0xac: {  	p0 =	sne.s32 s0, $0x0;
	s0 =	rddreg [dreg:$0x3]  }
0xad: {  	s0 =	sadd.s32 @!p0 $0x100000, s0  }
0xae: {  	[sflag:s0] =	ssyncadd.tile.s32 @!p0 $0x1;
	_ =	shalt  }
.Lfunc_end2:
_tile_overlayer_lowered:
.L_overlay_start_2:
0xaf: {  	(tag) =	ssettag $0x2  }
0xb0: {  	s0 =	rddreg [dreg:$0x0];
	s2 =	stileid.u32  }
0xb1: {  	s1 =	rddreg [dreg:$0x1];
	p0 =	sne.s32 s2, $0x0  }
0xb2: {  	s3 =	rddreg [dreg:$0x2];
	[bflag:$0x3] =	sbarrier.arrive $0xFFFF;
	s2 =	simm.s32 @!p0 $0x1C05  }
0xb3: {  	[timem:s3], [sflag:s2] =	dma.local @!p0 [hbm:s0], s1  }
0xb4: {  	s0 =	simm.s32 @!p0 $0x5  }
0xb5: {  	_ =	swait.ge @!p0 [sflag:s0], s1  }
0xb6: {  	s1 =	ssub.s32 @!p0 $0x0, s1;
	[sflag:s0] =	ssyncset.done @!p0 $0x0  }
0xb7: {  	[sflag:s0] =	ssyncadd.s32 @!p0 s1  }
0xb8: {  	[bflag:$0x3] =	sbarrier.arrive $0xFFFF  }
0xb9: {  	_ =	shalt  }

// kernel: kernel.8.cloned.1.call-start
scs
__scs_entry_jumppad:
0x0: {  	(pc) =	sbr.rel $0x88, $3  }
0x1: {  	(tag) =	ssettag $0x0;
	lr =	simm.s32 $0x1  }
0x2: {  	[smem:$0x3F9B] =	sst lr;
	_ =	strace $0xD0000000  }
0x3: {  	_ = 	snop  }
0x4: {  	_ = 	snop  }
0x5: {  	_ = 	snop  }
0x6: {  	_ = 	snop  }
0x7: {  	_ = 	snop  }
__scs_overlays_trampoline_lowered:
0x8: {  	[smem:$0x3FAA] =	sst s0  }
0x9: {  	[smem:$0x3FAB] =	sst s1  }
0xa: {  	[smem:$0x3FAC] =	sst s2  }
0xb: {  	[smem:$0x3FAD] =	sst s3  }
0xc: {  	[smem:$0x3FAE] =	sst s4  }
0xd: {  	[smem:$0x3FAF] =	sst s5  }
0xe: {  	[smem:$0x3FB0] =	sst s6  }
0xf: {  	[smem:$0x3FB1] =	sst s7  }
0x10: {  	[smem:$0x3FB2] =	sst s8  }
0x11: {  	[smem:$0x3FB3] =	sst s9;
	s0 =	simm.s32 @!p0 $0x0  }
0x12: {  	s1 =	sld [smem:$0x3F99];
	s0 =	simm.s32 @p0 $0x1  }
0x13: {  	[smem:$0x3FB4] =	sst s0;
	s0 =	simm.s32 @!p1 $0x0  }
0x14: {  	s2 =	sld [smem:$0x3F98];
	s0 =	simm.s32 @p1 $0x1  }
0x15: {  	[smem:$0x3FB5] =	sst s0;
	s0 =	simm.s32 @!p2 $0x0  }
0x16: {  	s3 =	sld [smem:$0x3FDB];
	s0 =	simm.s32 @p2 $0x1  }
0x17: {  	s4 =	simm.s32 $0x1BF5;
	[smem:$0x3FB7] =	sst s0  }
0x18: {  	s0 =	sld [smem:$0x3F9A];
	_ =	swait.ge [sflag:s4], $0x0  }
0x19: {  	s7 =	sld [smem:$0x3F9B]  }
0x1a: {  	s8 =	sadd.s32 $0xFFFFE003, lr  }
0x1b: {  	s9 =	sadd.s32 $0xFFFFFEF7, lr;
	s5 =	simm.s32 $0xFFFFFFFF;
	p2 =	slt.u32 s8, $0xFFFFF086  }
0x1c: {  	p1 =	slt.u32 s9, $0xF7A;
	s5 =	simm.s32 @!p2 $0x0  }
0x1d: {  	s5 =	simm.s32 @p1 $0x1;
	p0 =	seq.s32 s7, s2  }
0x1e: {  	s7 =	smul.u32 @!p0 $0xF7A, s2;
	p2 =	seq.s32 @!p0 s5, $0x0  }
0x1f: {  	s9 =	smul.u32 $0xF7A, s1;
	s8 =	simm.s32 @!p0 $0x1BF5;
	p2 =	por !p2, p0  }
0x20: {  	[sflag:s8] =	ssyncset.s32 @!p0 $0xFFFFF086;
	s6 =	sadd.s32 @!p0 s3, s7;
	s7 =	simm.s32 @!p0 $0x108  }
0x21: {  	s3 =	sadd.s32 s3, s9;
	s6 =	sadd.s32 @!p0 $0x88, s6;
	s7 =	simm.s32 @p2 $0x1082  }
0x22: {  	[simem:s7], [sflag:s8] =	dma.local @!p0 [hbm:s6], $0xF7A  }
0x23: {  	s9 =	sor.u32 $0xD0000000, s2;
	s6 =	simm.s32 $0x108;
	_ =	swait.ge @!p0 [sflag:s8], $0x0  }
0x24: {  	s3 =	sadd.s32 $0x88, s3;
	s6 =	simm.s32 @!p1 $0x1082;
	[sflag:s4] =	ssyncset.s32 $0xFFFFF086  }
0x25: {  	[simem:s6], [sflag:s4] =	dma.local [hbm:s3], $0xF7A  }
0x26: {  	[smem:$0x3F9B] =	sst s1;
	(tag) =	ssettag s2;
	_ =	strace s9  }
0x27: {  	s1 =	sld [smem:$0x3FAB]  }
0x28: {  	s2 =	sld [smem:$0x3FAC]  }
0x29: {  	s4 =	sld [smem:$0x3FAE]  }
0x2a: {  	p0 =	seq.s32 s5, $0x0;
	s5 =	sld [smem:$0x3FAF]  }
0x2b: {  	s6 =	sld [smem:$0x3FB0]  }
0x2c: {  	s7 =	sld [smem:$0x3FB1]  }
0x2d: {  	s3 =	simm.s32 $0x108;
	s8 =	sld [smem:$0x3FB2]  }
0x2e: {  	s3 =	simm.s32 @!p0 $0x1082;
	s9 =	sld [smem:$0x3FB3]  }
0x2f: {  	lr =	sadd.s32 s0, s3;
	s0 =	sld [smem:$0x3FAA]  }
0x30: {  	s3 =	sld [smem:$0x3FAD]  }
0x31: {  	[smem:$0x3FB6] =	sst s10  }
0x32: {  	s10 =	sld [smem:$0x3FB4];
	_ =	sdelay $0x3  }
0x33: {  	p0 =	seq.s32 s10, $0x1;
	s10 =	sld [smem:$0x3FB6];
	_ =	sdelay $0x3  }
0x34: {  	[smem:$0x3FB6] =	sst s10  }
0x35: {  	s10 =	sld [smem:$0x3FB5];
	_ =	sdelay $0x3  }
0x36: {  	p1 =	seq.s32 s10, $0x1;
	s10 =	sld [smem:$0x3FB6];
	_ =	sdelay $0x3  }
0x37: {  	[smem:$0x3FB6] =	sst s10  }
0x38: {  	s10 =	sld [smem:$0x3FB7]  }
0x39: {  	_ = 	snop;
	(pc) =	sbr.ind lr, $3  }
0x3a: {  	_ = 	snop  }
0x3b: {  	_ = 	snop  }
0x3c: {  	p2 =	seq.s32 s10, $0x1;
	s10 =	sld [smem:$0x3FB6]  }
0x3d: {  	_ =	shalt  }
0x3e: {  	_ =	shalt  }
0x3f: {  	_ =	shalt  }
0x40: {  	_ =	shalt  }
0x41: {  	_ =	shalt  }
0x42: {  	_ =	shalt  }
0x43: {  	_ =	shalt  }
0x44: {  	_ =	shalt  }
0x45: {  	_ =	shalt  }
0x46: {  	_ =	shalt  }
0x47: {  	_ =	shalt  }
0x48: {  	_ =	shalt  }
0x49: {  	_ =	shalt  }
0x4a: {  	_ =	shalt  }
0x4b: {  	_ =	shalt  }
0x4c: {  	_ =	shalt  }
0x4d: {  	_ =	shalt  }
0x4e: {  	_ =	shalt  }
0x4f: {  	_ =	shalt  }
0x50: {  	_ =	shalt  }
0x51: {  	_ =	shalt  }
0x52: {  	_ =	shalt  }
0x53: {  	_ =	shalt  }
0x54: {  	_ =	shalt  }
0x55: {  	_ =	shalt  }
0x56: {  	_ =	shalt  }
0x57: {  	_ =	shalt  }
0x58: {  	_ =	shalt  }
0x59: {  	_ =	shalt  }
0x5a: {  	_ =	shalt  }
0x5b: {  	_ =	shalt  }
0x5c: {  	_ =	shalt  }
0x5d: {  	_ =	shalt  }
0x5e: {  	_ =	shalt  }
0x5f: {  	_ =	shalt  }
0x60: {  	_ =	shalt  }
0x61: {  	_ =	shalt  }
0x62: {  	_ =	shalt  }
0x63: {  	_ =	shalt  }
0x64: {  	_ =	shalt  }
0x65: {  	_ =	shalt  }
0x66: {  	_ =	shalt  }
0x67: {  	_ =	shalt  }
0x68: {  	_ =	shalt  }
0x69: {  	_ =	shalt  }
0x6a: {  	_ =	shalt  }
0x6b: {  	_ =	shalt  }
0x6c: {  	_ =	shalt  }
0x6d: {  	_ =	shalt  }
0x6e: {  	_ =	shalt  }
0x6f: {  	_ =	shalt  }
0x70: {  	_ =	shalt  }
0x71: {  	_ =	shalt  }
0x72: {  	_ =	shalt  }
0x73: {  	_ =	shalt  }
0x74: {  	_ =	shalt  }
0x75: {  	_ =	shalt  }
0x76: {  	_ =	shalt  }
0x77: {  	_ =	shalt  }
0x78: {  	_ =	shalt  }
0x79: {  	_ =	shalt  }
0x7a: {  	_ =	shalt  }
0x7b: {  	_ =	shalt  }
0x7c: {  	_ =	shalt  }
0x7d: {  	_ =	shalt  }
0x7e: {  	_ =	shalt  }
0x7f: {  	_ =	shalt  }
0x80: {  	_ =	shalt  }
0x81: {  	_ =	shalt  }
0x82: {  	_ =	shalt  }
0x83: {  	_ =	shalt  }
0x84: {  	_ =	shalt  }
0x85: {  	_ =	shalt  }
0x86: {  	_ =	shalt  }
0x87: {  	_ =	shalt  }
.Lfunc_end0:
.L_simem_size_0:
called_computation_lowered:
.L_overlay_start_0:
0x88: {  	s2 =	sld [smem:$0x3FD9]  }
0x89: {  	s3 =	sld [smem:$0x3FFE];
	_ =	sdelay $0x1  }
0x8a: {  	s1 =	srdreg.scid  }
0x8b: {  	s0 =	sand.u32 $0x1, s1  }
0x8c: {  	s17 =	sshll.u32 s0, $0xA;
	s2 =	sadd.s32 s3, s2  }
0x8d: {  	s2 =	sadd.s32 s2, s17  }
0x8e: {  	[smem:$0x3FC2] =	sst s2  }
0x8f: {  	_ = 	snop  }
0x90: {  	s2 =	sld [smem:$0x3FD0];
	(tm) =	ssettm $0x1  }
0x91: {  	s18 =	sld [smem:$0x3FFB];
	_ =	sdelay $0x3  }
0x92: {  	_ =	strace s18  }
0x93: {  	s3 =	sld [smem:$0x3FFC];
	_ =	sdelay $0x3  }
0x94: {  	_ =	strace s3  }
0x95: {  	s3 =	sld [smem:$0x3FFD];
	_ =	sdelay $0x3  }
0x96: {  	_ =	strace s3  }
0x97: {  	_ =	strace $0x8FFFFFFF  }
0x98: {  	s19 =	sld [smem:$0x3FDB];
	_ =	sdelay $0x1  }
0x99: {  	s4 =	simm.s32 $_scs_section_size  }
0x9a: {  	s5 =	simm.s32 $_size__tile_overlayer_lowered;
	s6 =	simm.s32 $_tile_overlayer_lowered  }
0x9b: {  	s22 =	simm.s32 $0x1BFF;
	s21 =	sshll.u32 s6, $0x1;
	s3 =	sadd.s32 s4, s19  }
0x9c: {  	s7 =	simm.s32 $0x0;
	s20 =	sshll.u32 s5, $0x1;
	s5 =	sadd.s32 s21, s3  }
0x9d: {  	[timem:s7], [sflag:s22] =	dma.local [hbm:s5], s20  }
0x9e: {  	_ =	swait.ge [sflag:s22], s20  }
0x9f: {  	s4 =	ssub.s32 $0x0, s20;
	[sflag:s22] =	ssyncset.done $0x0  }
0xa0: {  	[sflag:s22] =	ssyncadd.s32 s4;
	_ =	sdelay $0x1  }
0xa1: {  	s23 =	simm.s32 $0x1B8B  }
0xa2: {  	_ =	swait.ge [sflag:s23], $0x1  }
0xa3: {  	[sflag:s23] =	ssyncset.done $0x0  }
0xa4: {  	s25 =	simm.s32 $0x1B8E;
	s24 =	sld [smem:$0x3FFE];
	[sflag:s23] =	ssyncadd.s32 $0xFFFFFFFF  }
0xa5: {  	s26 =	simm.s32 $execute0_lowered;
	[smem:$0x3FD2] =	sst s25  }
0xa6: {  	s5 =	sshll.u32 s26, $0x1;
	_ =	strace $0x80000046;
	[dreg:$0x1] =	wrdreg $0xFFFFFFFF  }
0xa7: {  	s28 =	simm.s32 $_size_execute0_lowered;
	s3 =	sadd.s32 s3, s5;
	[dreg:$0x0] =	wrdreg $0x0  }
0xa8: {  	s5 =	sshll.u32 s28, $0x1;
	[dreg:$0x2] =	wrdreg s3  }
0xa9: {  	[dreg:$0x3] =	wrdreg s5  }
0xaa: {  	[dreg:$0x4] =	wrdreg $0xC0  }
0xab: {  	_ =	task [dreg:s7], $0x5FFFF  }
0xac: {  	[dreg:$0x1] =	wrdreg $0xFFFFFFFF  }
0xad: {  	[dreg:$0x0] =	wrdreg $0x60  }
0xae: {  	[dreg:$0x2] =	wrdreg s2  }
0xaf: {  	[dreg:$0x3] =	wrdreg s24  }
0xb0: {  	[dreg:$0x4] =	wrdreg $0x28800  }
0xb1: {  	[dreg:$0x5] =	wrdreg $0x9  }
0xb2: {  	_ =	task.clear_ibuf [dreg:s7], $0x6FFFF;
	_ =	strace $0x90000046  }
0xb3: {  	s29 =	simm.s32 $0x9;
	_ =	strace $0x80000048  }
0xb4: {  	_ =	swait.ge [sflag:s29], $0x1  }
0xb5: {  	[sflag:s29] =	ssyncadd.s32 $0xFFFFFFFF  }
0xb6: {  	_ =	strace $0x90000048  }
0xb7: {  	_ =	sfence  }
0xb8: {  	s30 =	sld [smem:$0x0];
	_ =	sdelay $0x2  }
0xb9: {  	s31 =	sshll.u32 s1, $0xD;
	s1 =	sshrl.u32 s1, $0x2  }
0xba: {  	s3 =	sand.u32 $0x4000, s31;
	s1 =	sadd.s32 s1, s30  }
0xbb: {  	s0 =	sor.u32 s3, s0;
	s1 =	sshll.u32 s1, $0x11  }
0xbc: {  	s0 =	sor.u32 s1, s0  }
0xbd: {  	s0 =	sadd.s32 $0x8F2B, s0  }
0xbe: {  	[sflag:s0] =	ssyncadd.remote.s32 $0x1  }
0xbf: {  	_ =	sfence.sel $0xFFFF  }
0xc0: {  	[dreg:$0x0] =	wrdreg $0xFFFFFFFF;
	(pc) =	sbr.abs _section_cstart, $3  }
0xc1: {  	[dreg:$0x1] =	wrdreg $0xFFFFFFFF  }
0xc2: {  	_ =	task.clear_ibuf [dreg:s7], $0x2FFFF;
	_ =	strace $0x9FFFFFFF  }
0xc3: {  	(tm) =	ssettm $0x7FFFFFFF  }
tec
execute0_lowered:
.L_overlay_start_1:
0x0: {  	(tag) =	ssettag $0x1  }
0x1: {  	s5 =	rddreg [dreg:$0x0]  }
0x2: {  	s6 =	rddreg [dreg:$0x1]  }
0x3: {  	s2 =	rddreg [dreg:$0x2]  }
0x4: {  	s0 =	rddreg [dreg:$0x3]  }
0x5: {  	s4 =	srdreg.scid;
	s1 =	stileid.u32;
	s3 =	simm.s32 $0x0  }
0x6: {  	s12 =	simm.s32 $0x2800;
	s13 =	simm.s32 $0x1;
	s14 =	simm.s32 $0x0  }
0x7: {  	s4 =	sand.u32 $0x1, s4;
	s7 =	smul.u32 $0x280, s1;
	[smem:$0x7FF] =	sst s3  }
0x8: {  	s31 =	sshll.u32 s1, $0x6;
	s8 =	smul.u32 $0x2800, s4;
	_ =	strace $0x80000047  }
0x9: {  	s9 =	sshll.u32 s4, $0x4;
	s10 =	ssub.s32 $0x2, s4;
	s4 =	sadd.s32 $0xBE00, s6  }
0xa: {  	s26 =	sor.u32 s1, s9;
	s28 =	sshrl.u32 s10, $0x1;
	s30 =	sadd.s32 s7, s2  }
0xb: {  	s9 =	sor.u32 $0x1C02, s31;
	s8 =	sadd.s32 s7, s8;
	s11 =	smul.u32 $0x500, s26  }
0xc: {  	s29 =	ssub.s32 s10, s28;
	s10 =	sshrl.u32 s30, $0x3;
	s8 =	sshrl.u32 s8, $0x3  }
0xd: {  	s7 =	smax.u32 s29, $0x1;
	s6 =	sadd.s32 s8, s6;
	s5 =	sadd.s32 s5, s11  }
0xe: {  	v0 =	vimm.f32 $1.000000000e+00;
	s8 =	simm.s32 $0x2;
	s11 =	simm.s32 $0x80;
	s6 =	sadd.s32 $0xC000, s6  }
.LBB2_1:
0xf: {  	[tilespmem:s3], [sflag:$0x2] =	stream.linear.gather [hbm4b:s5+s3], $0x2800, $0x38;
	[tilespmem:$0x2B00] =	vst v63  }
0x10: {  	_ =	swait.ge [sflag:s8], $0x2800  }
0x11: {  	[sflag:s8] =	ssyncset.done $0x0  }
0x12: {  	[sflag:s8] =	ssyncadd.s32 $0xFFFFD800  }
0x13: {  	[tilespmem:$0x2800] =	vst v0  }
0x14: {  	[tilespmem:$0x2810] =	vst v0  }
0x15: {  	[tilespmem:$0x2820] =	vst v0  }
0x16: {  	[tilespmem:$0x2830] =	vst v0  }
0x17: {  	[tilespmem:$0x2840] =	vst v0  }
0x18: {  	[tilespmem:$0x2850] =	vst v0  }
0x19: {  	[tilespmem:$0x2860] =	vst v0  }
0x1a: {  	[tilespmem:$0x2870] =	vst v0  }
0x1b: {  	[spmem:s10], [sflag:s9] =	dma.local [hbm:s4], $0x50  }
0x1c: {  	_ =	swait.ge [sflag:s8], $0x50  }
0x1d: {  	[sflag:s8] =	ssyncset.done $0x0  }
0x1e: {  	[sflag:s8] =	ssyncadd.s32 $0xFFFFFFB0  }
0x1f: {  	s15 =	simm.s32 $0x0;
	[bflag:$0x0] =	sbarrier.arrive $0xFFFF  }
0x20: {  	[spmem:s2] =	stream.indirect.scatter.add.f32 [tilespmem:s12], [sflag:$0x1], $0x1, s15, s11, $0xb8;
	[tilespmem:$0x2B00] =	vst v63  }
0x21: {  	s24 =	simm.s32 $0x80  }
0x22: {  	[spmem:s2] =	stream.indirect.scatter.add.f32 [tilespmem:s12], [sflag:$0x1], $0x1, s24, s11, $0xb8;
	[tilespmem:$0x2B00] =	vst v63  }
0x23: {  	s25 =	simm.s32 $0x100  }
0x24: {  	[spmem:s2] =	stream.indirect.scatter.add.f32 [tilespmem:s12], [sflag:$0x1], $0x1, s25, s11, $0xb8;
	[tilespmem:$0x2B00] =	vst v63  }
0x25: {  	s26 =	simm.s32 $0x180  }
0x26: {  	[spmem:s2] =	stream.indirect.scatter.add.f32 [tilespmem:s12], [sflag:$0x1], $0x1, s26, s11, $0xb8;
	[tilespmem:$0x2B00] =	vst v63  }
0x27: {  	s28 =	simm.s32 $0x200  }
0x28: {  	[spmem:s2] =	stream.indirect.scatter.add.f32 [tilespmem:s12], [sflag:$0x1], $0x1, s28, s11, $0xb8;
	[tilespmem:$0x2B00] =	vst v63  }
0x29: {  	s29 =	simm.s32 $0x280  }
0x2a: {  	[spmem:s2] =	stream.indirect.scatter.add.f32 [tilespmem:s12], [sflag:$0x1], $0x1, s29, s11, $0xb8;
	[tilespmem:$0x2B00] =	vst v63  }
0x2b: {  	s30 =	simm.s32 $0x300  }
0x2c: {  	[spmem:s2] =	stream.indirect.scatter.add.f32 [tilespmem:s12], [sflag:$0x1], $0x1, s30, s11, $0xb8;
	[tilespmem:$0x2B00] =	vst v63  }
0x2d: {  	s31 =	simm.s32 $0x380  }
0x2e: {  	[spmem:s2] =	stream.indirect.scatter.add.f32 [tilespmem:s12], [sflag:$0x1], $0x1, s31, s11, $0xb8;
	[tilespmem:$0x2B00] =	vst v63  }
0x2f: {  	_ =	swait.ge [sflag:s13], $0x80  }
0x30: {  	[sflag:s13] =	ssyncset.done $0x0  }
0x31: {  	[sflag:s13] =	ssyncadd.s32 $0xFFFFFF80  }
0x32: {  	_ =	swait.ge [sflag:s13], $0x80  }
0x33: {  	[sflag:s13] =	ssyncset.done $0x0  }
0x34: {  	[sflag:s13] =	ssyncadd.s32 $0xFFFFFF80  }
0x35: {  	_ =	swait.ge [sflag:s13], $0x80  }
0x36: {  	[sflag:s13] =	ssyncset.done $0x0  }
0x37: {  	[sflag:s13] =	ssyncadd.s32 $0xFFFFFF80  }
0x38: {  	_ =	swait.ge [sflag:s13], $0x80  }
0x39: {  	[sflag:s13] =	ssyncset.done $0x0  }
0x3a: {  	[sflag:s13] =	ssyncadd.s32 $0xFFFFFF80  }
0x3b: {  	_ =	swait.ge [sflag:s13], $0x80  }
0x3c: {  	[sflag:s13] =	ssyncset.done $0x0  }
0x3d: {  	[sflag:s13] =	ssyncadd.s32 $0xFFFFFF80  }
0x3e: {  	_ =	swait.ge [sflag:s13], $0x80  }
0x3f: {  	[sflag:s13] =	ssyncset.done $0x0  }
0x40: {  	[sflag:s13] =	ssyncadd.s32 $0xFFFFFF80  }
0x41: {  	_ =	swait.ge [sflag:s13], $0x80  }
0x42: {  	[sflag:s13] =	ssyncset.done $0x0  }
0x43: {  	[sflag:s13] =	ssyncadd.s32 $0xFFFFFF80  }
0x44: {  	_ =	swait.ge [sflag:s13], $0x80  }
0x45: {  	s17 =	simm.s32 $0x2000;
	s15 =	simm.s32 $0x1000;
	[sflag:s13] =	ssyncset.done $0x0  }
.LBB2_2:
0x46: {  	s18 =	sshra.s32 s15, $0x2  }
0x47: {  	[sflag:s13] =	ssyncadd.s32 $0xFFFFFF80;
	s15 =	smov.u32 s17;
	s16 =	sadd.s32 $0x1000, s17  }
0x48: {  	[spmem:s2] =	stream.indirect.scatter.add.f32 [tilespmem:s12], [sflag:$0x1], $0x1, s18, s11, $0xb8;
	[tilespmem:$0x2B00] =	vst v63  }
0x49: {  	p0 =	sne.s32 s17, $0x9000;
	s17 =	sadd.s32 $0x80, s18  }
0x4a: {  	[spmem:s2] =	stream.indirect.scatter.add.f32 [tilespmem:s12], [sflag:$0x1], $0x1, s17, s11, $0xb8;
	[tilespmem:$0x2B00] =	vst v63  }
0x4b: {  	s17 =	sadd.s32 $0x100, s18  }
0x4c: {  	[spmem:s2] =	stream.indirect.scatter.add.f32 [tilespmem:s12], [sflag:$0x1], $0x1, s17, s11, $0xb8;
	[tilespmem:$0x2B00] =	vst v63  }
0x4d: {  	s17 =	sadd.s32 $0x180, s18  }
0x4e: {  	[spmem:s2] =	stream.indirect.scatter.add.f32 [tilespmem:s12], [sflag:$0x1], $0x1, s17, s11, $0xb8;
	[tilespmem:$0x2B00] =	vst v63  }
0x4f: {  	s17 =	sadd.s32 $0x200, s18  }
0x50: {  	[spmem:s2] =	stream.indirect.scatter.add.f32 [tilespmem:s12], [sflag:$0x1], $0x1, s17, s11, $0xb8;
	[tilespmem:$0x2B00] =	vst v63  }
0x51: {  	s17 =	sadd.s32 $0x280, s18  }
0x52: {  	[spmem:s2] =	stream.indirect.scatter.add.f32 [tilespmem:s12], [sflag:$0x1], $0x1, s17, s11, $0xb8;
	[tilespmem:$0x2B00] =	vst v63  }
0x53: {  	s17 =	sadd.s32 $0x300, s18  }
0x54: {  	[spmem:s2] =	stream.indirect.scatter.add.f32 [tilespmem:s12], [sflag:$0x1], $0x1, s17, s11, $0xb8;
	[tilespmem:$0x2B00] =	vst v63  }
0x55: {  	s17 =	sadd.s32 $0x380, s18  }
0x56: {  	[spmem:s2] =	stream.indirect.scatter.add.f32 [tilespmem:s12], [sflag:$0x1], $0x1, s17, s11, $0xb8;
	[tilespmem:$0x2B00] =	vst v63  }
0x57: {  	_ =	swait.ge [sflag:s13], $0x80  }
0x58: {  	[sflag:s13] =	ssyncset.done $0x0  }
0x59: {  	[sflag:s13] =	ssyncadd.s32 $0xFFFFFF80  }
0x5a: {  	_ =	swait.ge [sflag:s13], $0x80  }
0x5b: {  	[sflag:s13] =	ssyncset.done $0x0  }
0x5c: {  	[sflag:s13] =	ssyncadd.s32 $0xFFFFFF80  }
0x5d: {  	_ =	swait.ge [sflag:s13], $0x80  }
0x5e: {  	[sflag:s13] =	ssyncset.done $0x0  }
0x5f: {  	[sflag:s13] =	ssyncadd.s32 $0xFFFFFF80  }
0x60: {  	_ =	swait.ge [sflag:s13], $0x80  }
0x61: {  	[sflag:s13] =	ssyncset.done $0x0  }
0x62: {  	[sflag:s13] =	ssyncadd.s32 $0xFFFFFF80  }
0x63: {  	_ =	swait.ge [sflag:s13], $0x80  }
0x64: {  	[sflag:s13] =	ssyncset.done $0x0  }
0x65: {  	[sflag:s13] =	ssyncadd.s32 $0xFFFFFF80  }
0x66: {  	_ =	swait.ge [sflag:s13], $0x80  }
0x67: {  	[sflag:s13] =	ssyncset.done $0x0  }
0x68: {  	[sflag:s13] =	ssyncadd.s32 $0xFFFFFF80  }
.Ltmp0:
0x69: {  	_ =	swait.ge [sflag:s13], $0x80;
	(pc) =	sbr.rel @p0 .LBB2_2-.Ltmp0, $4  }
0x6a: {  	[sflag:s13] =	ssyncset.done $0x0  }
0x6b: {  	[sflag:s13] =	ssyncadd.s32 $0xFFFFFF80  }
0x6c: {  	_ =	swait.ge [sflag:s13], $0x80  }
0x6d: {  	s17 =	smov.u32 s16;
	[sflag:s13] =	ssyncset.done $0x0  }
0x6e: {  	s15 =	sshra.s32 s15, $0x2;
	[sflag:s13] =	ssyncadd.s32 $0xFFFFFF80  }
0x6f: {  	[spmem:s2] =	stream.indirect.scatter.add.f32 [tilespmem:s12], [sflag:$0x1], $0x1, s15, s11, $0xb8;
	[tilespmem:$0x2B00] =	vst v63  }
0x70: {  	s16 =	sadd.s32 $0x80, s15  }
0x71: {  	[spmem:s2] =	stream.indirect.scatter.add.f32 [tilespmem:s12], [sflag:$0x1], $0x1, s16, s11, $0xb8;
	[tilespmem:$0x2B00] =	vst v63  }
0x72: {  	s26 =	sadd.s32 $0x100, s15  }
0x73: {  	[spmem:s2] =	stream.indirect.scatter.add.f32 [tilespmem:s12], [sflag:$0x1], $0x1, s26, s11, $0xb8;
	[tilespmem:$0x2B00] =	vst v63  }
0x74: {  	s28 =	sadd.s32 $0x180, s15  }
0x75: {  	[spmem:s2] =	stream.indirect.scatter.add.f32 [tilespmem:s12], [sflag:$0x1], $0x1, s28, s11, $0xb8;
	[tilespmem:$0x2B00] =	vst v63  }
0x76: {  	s29 =	sadd.s32 $0x200, s15  }
0x77: {  	[spmem:s2] =	stream.indirect.scatter.add.f32 [tilespmem:s12], [sflag:$0x1], $0x1, s29, s11, $0xb8;
	[tilespmem:$0x2B00] =	vst v63  }
0x78: {  	s30 =	sadd.s32 $0x280, s15  }
0x79: {  	[spmem:s2] =	stream.indirect.scatter.add.f32 [tilespmem:s12], [sflag:$0x1], $0x1, s30, s11, $0xb8;
	[tilespmem:$0x2B00] =	vst v63  }
0x7a: {  	s31 =	sadd.s32 $0x300, s15  }
0x7b: {  	[spmem:s2] =	stream.indirect.scatter.add.f32 [tilespmem:s12], [sflag:$0x1], $0x1, s31, s11, $0xb8;
	[tilespmem:$0x2B00] =	vst v63  }
0x7c: {  	s15 =	sadd.s32 $0x380, s15  }
0x7d: {  	[spmem:s2] =	stream.indirect.scatter.add.f32 [tilespmem:s12], [sflag:$0x1], $0x1, s15, s11, $0xb8;
	[tilespmem:$0x2B00] =	vst v63  }
0x7e: {  	_ =	swait.ge [sflag:s13], $0x80  }
0x7f: {  	[sflag:s13] =	ssyncset.done $0x0  }
0x80: {  	[sflag:s13] =	ssyncadd.s32 $0xFFFFFF80  }
0x81: {  	_ =	swait.ge [sflag:s13], $0x80  }
0x82: {  	[sflag:s13] =	ssyncset.done $0x0  }
0x83: {  	[sflag:s13] =	ssyncadd.s32 $0xFFFFFF80  }
0x84: {  	_ =	swait.ge [sflag:s13], $0x80  }
0x85: {  	[sflag:s13] =	ssyncset.done $0x0  }
0x86: {  	[sflag:s13] =	ssyncadd.s32 $0xFFFFFF80  }
0x87: {  	_ =	swait.ge [sflag:s13], $0x80  }
0x88: {  	[sflag:s13] =	ssyncset.done $0x0  }
0x89: {  	[sflag:s13] =	ssyncadd.s32 $0xFFFFFF80  }
0x8a: {  	_ =	swait.ge [sflag:s13], $0x80  }
0x8b: {  	[sflag:s13] =	ssyncset.done $0x0  }
0x8c: {  	[sflag:s13] =	ssyncadd.s32 $0xFFFFFF80  }
0x8d: {  	_ =	swait.ge [sflag:s13], $0x80  }
0x8e: {  	[sflag:s13] =	ssyncset.done $0x0  }
0x8f: {  	[sflag:s13] =	ssyncadd.s32 $0xFFFFFF80  }
0x90: {  	_ =	swait.ge [sflag:s13], $0x80  }
0x91: {  	[sflag:s13] =	ssyncset.done $0x0  }
0x92: {  	[sflag:s13] =	ssyncadd.s32 $0xFFFFFF80  }
0x93: {  	_ =	swait.ge [sflag:s13], $0x80  }
0x94: {  	s14 =	sadd.s32 $0x1, s14;
	[sflag:s13] =	ssyncset.done $0x0  }
0x95: {  	p0 =	sne.s32 s14, s7;
	[sflag:s13] =	ssyncadd.s32 $0xFFFFFF80  }
.Ltmp1:
0x96: {  	[bflag:$0x0] =	sbarrier.arrive $0xFFFF;
	(pc) =	sbr.rel @p0 .LBB2_1-.Ltmp1, $4  }
0x97: {  	[hbm:s6], [sflag:s9] =	dma.local [spmem:s10], $0x50  }
0x98: {  	_ =	swait.ge [sflag:s8], $0x50  }
0x99: {  	[sflag:s8] =	ssyncset.done $0x0  }
0x9a: {  	[sflag:s8] =	ssyncadd.s32 $0xFFFFFFB0  }
0x9b: {  	_ =	sfence.sel $0x180000  }
0x9c: {  	[bflag:$0x0] =	sbarrier.arrive $0xFFFF  }
0x9d: {  	p0 =	sne.s32 s1, $0x0;
	_ =	strace $0x90000047  }
0x9e: {  	s0 =	sadd.s32 @!p0 $0x100000, s0;
	[bflag:$0x2] =	sbarrier.arrive $0xFFFF  }
0x9f: {  	[sflag:s0] =	ssyncadd.tile.s32 @!p0 $0x1;
	_ =	shalt  }
.Lfunc_end2:
_tile_overlayer_lowered:
.L_overlay_start_2:
0xa0: {  	(tag) =	ssettag $0x2  }
0xa1: {  	s0 =	rddreg [dreg:$0x0];
	s2 =	stileid.u32  }
0xa2: {  	s1 =	rddreg [dreg:$0x1];
	p0 =	sne.s32 s2, $0x0  }
0xa3: {  	s3 =	rddreg [dreg:$0x2];
	[bflag:$0x3] =	sbarrier.arrive $0xFFFF;
	s2 =	simm.s32 @!p0 $0x1C02  }
0xa4: {  	[timem:s3], [sflag:s2] =	dma.local @!p0 [hbm:s0], s1  }
0xa5: {  	s0 =	simm.s32 @!p0 $0x2  }
0xa6: {  	_ =	swait.ge @!p0 [sflag:s0], s1  }
0xa7: {  	s1 =	ssub.s32 @!p0 $0x0, s1;
	[sflag:s0] =	ssyncset.done @!p0 $0x0  }
0xa8: {  	[sflag:s0] =	ssyncadd.s32 @!p0 s1  }
0xa9: {  	[bflag:$0x3] =	sbarrier.arrive $0xFFFF  }
0xaa: {  	_ =	shalt  }

</sc_bundles>
